<compile_context>
chip_gen: v7x
topology: tpu7x:2x2x1
jax: 0.10.2.dev20260603
libtpu: 0.0.44.dev20260713+nightly
codegen_flags: <defaults>
</compile_context>

<pallas_src>
import functools

import jax
import jax.numpy as jnp
from jax import lax
from jax.experimental import pallas as pl
from jax.experimental.pallas import tpu as pltpu
from jax.experimental.pallas import tpu_sc as plsc

B = 4096
D = 2048
H = 1024
C = 26
CP = 32
K_NEIGHBORS = 8
BM = 512
NEG = -3.0e38


def _scores_kernel(cep_ref, wq_ref, bq_ref, wk_ref, bk_ref, out_ref):
    cep = cep_ref[:]
    q = jnp.dot(cep, wq_ref[:], preferred_element_type=jnp.float32) + bq_ref[:]
    kk = jnp.dot(cep, wk_ref[:], preferred_element_type=jnp.float32) + bk_ref[:]
    out_ref[:] = jax.lax.dot_general(
        q, kk, (((1,), (1,)), ((), ())),
        preferred_element_type=jnp.float32)


@functools.lru_cache(maxsize=1)
def _make_sc_topk():
    info = plsc.get_sparse_core_info()
    nc = info.num_cores
    mesh = plsc.VectorSubcoreMesh(core_axis_name="c", subcore_axis_name="s")

    @functools.partial(
        pl.kernel, mesh=mesh,
        out_type=jax.ShapeDtypeStruct((CP, CP), jnp.float32),
        scratch_types=[
            pltpu.VMEM((CP,), jnp.float32),
            pltpu.VMEM((CP,), jnp.float32),
        ],
    )
    def sc_topk(scores_hbm, sel_hbm, row_v, sel_v):
        wid = lax.axis_index("s") * nc + lax.axis_index("c")
        pltpu.sync_copy(scores_hbm.at[wid], row_v)
        iota = lax.broadcasted_iota(jnp.int32, (16,), 0)
        a = row_v[pl.ds(0, 16)]
        b = row_v[pl.ds(16, 16)]
        b = jnp.where(iota + 16 >= C, NEG, b)
        zero = iota - iota
        one_f = jnp.full((16,), 1.0, jnp.float32)
        zero_f = jnp.full((16,), 0.0, jnp.float32)
        one_i = jnp.full((16,), 1, jnp.int32)
        zero_i = jnp.full((16,), 0, jnp.int32)

        def count_splat(cnt):
            for k in (1, 2, 4, 8):
                cnt = cnt + cnt[jnp.bitwise_xor(iota, k)]
            return cnt

        sel_a = zero_f
        sel_b = zero_f
        for j in range(C):
            vj = a[zero + j] if j < 16 else b[zero + (j - 16)]
            beats_a = jnp.logical_or(
                a > vj, jnp.logical_and(a == vj, iota < j))
            beats_b = jnp.logical_or(
                b > vj, jnp.logical_and(b == vj, iota + 16 < j))
            rank = count_splat(jnp.where(beats_a, one_i, zero_i)
                               + jnp.where(beats_b, one_i, zero_i))
            picked = jnp.where(rank < K_NEIGHBORS, one_f, zero_f)
            if j < 16:
                sel_a = jnp.where(iota == j, picked, sel_a)
            else:
                sel_b = jnp.where(iota == j - 16, picked, sel_b)
        sel_v[pl.ds(0, 16)] = sel_a
        sel_v[pl.ds(16, 16)] = sel_b
        pltpu.sync_copy(sel_v, sel_hbm.at[wid])

    return sc_topk


def _gcn_kernel(sel_ref, ce_ref, wg1_ref, bg1_ref, wg2_ref, bg2_ref, h_ref):
    ce = ce_ref[:]
    sel = sel_ref[:][0:C, 0:C]
    col = lax.broadcasted_iota(jnp.int32, (C, C), 1)
    eyef = (lax.broadcasted_iota(jnp.int32, (C, C), 0) == col)
    eyef = eyef.astype(jnp.float32)
    mo = sel * (1.0 - eyef)
    deg = jnp.sum(mo, axis=0) + 1.0
    dinv = lax.rsqrt(deg)

    def norm_matmul(y):
        yd = y * dinv[:, None]
        moty = lax.dot_general(
            mo, yd, (((0,), (0,)), ((), ())),
            preferred_element_type=jnp.float32)
        return (moty + yd) * dinv[:, None]

    g1 = norm_matmul(
        jnp.dot(ce, wg1_ref[:], preferred_element_type=jnp.float32))
    g1 = jnp.maximum(g1 + bg1_ref[:], 0.0)
    h = norm_matmul(
        jnp.dot(g1, wg2_ref[:], preferred_element_type=jnp.float32))
    h_ref[:] = h + bg2_ref[:]


def _big_kernel(x_ref, w1_ref, b1_ref, w2_ref, b2_ref,
                wp_ref, bp_ref, h_ref, out_ref):
    xb = x_ref[:]
    u = jnp.dot(xb, w1_ref[:], preferred_element_type=jnp.float32)
    u = jnp.maximum(u + b1_ref[:], 0.0)
    p = jnp.dot(xb, wp_ref[:], preferred_element_type=jnp.float32)
    p = jnp.maximum(p + bp_ref[:], 0.0)
    cnn = jnp.dot(u, w2_ref[:], preferred_element_type=jnp.float32)
    gcn = lax.dot_general(
        p, h_ref[:], (((1,), (1,)), ((), ())),
        preferred_element_type=jnp.float32)
    out_ref[:] = cnn + gcn + b2_ref[:]


@jax.jit
def kernel(x, W_i2c_1, b_i2c_1, W_i2c_2, b_i2c_2, W_proj, b_proj,
           class_embedding, W_q, b_q, W_k, b_k, W_g1, b_g1, W_g2, b_g2):
    r2 = lambda b: b.reshape(1, -1)

    cep = jnp.pad(class_embedding, ((0, CP - C), (0, 0)))
    scores = pl.pallas_call(
        _scores_kernel,
        out_shape=jax.ShapeDtypeStruct((CP, CP), jnp.float32),
    )(cep, W_q, r2(b_q), W_k, r2(b_k))

    sel = _make_sc_topk()(scores)

    h = pl.pallas_call(
        _gcn_kernel,
        out_shape=jax.ShapeDtypeStruct((C, H), jnp.float32),
    )(sel, class_embedding, W_g1, r2(b_g1), W_g2, r2(b_g2))

    full = lambda shape: pl.BlockSpec(shape, lambda i: (0, 0))
    out = pl.pallas_call(
        _big_kernel,
        grid=(B // BM,),
        in_specs=[
            pl.BlockSpec((BM, D), lambda i: (i, 0)),
            full((D, H)), full((1, H)), full((H, C)), full((1, C)),
            full((D, H)), full((1, H)), full((C, H)),
        ],
        out_specs=pl.BlockSpec((BM, C), lambda i: (i, 0)),
        out_shape=jax.ShapeDtypeStruct((B, C), jnp.float32),
    )(x, W_i2c_1, r2(b_i2c_1), W_i2c_2, r2(b_i2c_2),
      W_proj, r2(b_proj), h)
    return out

# --- scband reference (transcript-rebuilt; emitter-appended) ---
"""Pipeline reference for scband-addgcn-64149631533066 (READ-ONLY COPY).

The authoritative reference and input builder live on the scoring server;
editing this copy changes nothing except your own understanding.
"""

import jax, jax.numpy as jnp
import numpy as np

B = 4096
D = 2048
H = 1024
C = 26


def setup_inputs(seed: int = 0) -> dict:
    key = jax.random.key(seed)
    ks = jax.random.split(key, 16)
    def s(i, shape, fan):
        return jax.random.normal(ks[i], shape, dtype=jnp.float32) * (1.0 / np.sqrt(fan))
    return {
        "x": jax.random.normal(ks[0], (B, D), dtype=jnp.float32),
        "W_i2c_1": s(1, (D, H), D), "b_i2c_1": jnp.zeros((H,), jnp.float32),
        "W_i2c_2": s(2, (H, C), H), "b_i2c_2": jnp.zeros((C,), jnp.float32),
        "W_proj": s(3, (D, H), D), "b_proj": jnp.zeros((H,), jnp.float32),
        "class_embedding": s(4, (C, H), H),
        "W_q": s(5, (H, 256), H), "b_q": jnp.zeros((256,), jnp.float32),
        "W_k": s(6, (H, 256), H), "b_k": jnp.zeros((256,), jnp.float32),
        "W_g1": s(7, (H, 512), H), "b_g1": jnp.zeros((512,), jnp.float32),
        "W_g2": s(8, (512, H), 512), "b_g2": jnp.zeros((H,), jnp.float32),
    }


def _gcn_norm_adj(attn_w, k):
    # Build dynamic edges: per-row top-k of attention weights, drop self edges,
    # then GCNConv-style symmetric normalization with added self-loops.
    Cn = attn_w.shape[0]
    _, idx = jax.lax.top_k(attn_w, k)  # [Cn, k] targets for each source i
    rows = jnp.broadcast_to(jnp.arange(Cn)[:, None], (Cn, k))
    # edge (src=i, dst=idx[i,j]) -> A[dst, src] = 1
    A = jnp.zeros((Cn, Cn), jnp.float32).at[idx.reshape(-1), rows.reshape(-1)].set(1.0)
    eye = jnp.eye(Cn, dtype=jnp.float32)
    A = A * (1.0 - eye)          # remove i == target edges (as in _build_dynamic_edges)
    A_hat = A + eye              # GCNConv add_self_loops=True
    deg = A_hat.sum(axis=1)      # in-degree incl. self-loop
    dinv = jnp.where(deg > 0, 1.0 / jnp.sqrt(deg), 0.0)
    return dinv[:, None] * A_hat * dinv[None, :]


def reference(x, W_i2c_1, b_i2c_1, W_i2c_2, b_i2c_2, W_proj, b_proj,
              class_embedding, W_q, b_q, W_k, b_k, W_g1, b_g1, W_g2, b_g2):
    feats = x  # features['global'] (CNN backbone externalized; dropout in eval mode)
    cnn_logits = jax.nn.relu(feats @ W_i2c_1 + b_i2c_1) @ W_i2c_2 + b_i2c_2
    q = class_embedding @ W_q + b_q
    kk = class_embedding @ W_k + b_k
    scores = (q @ kk.T) / (256.0 ** 0.5)
    attn = jax.nn.softmax(scores, axis=-1)
    k_neighbors = min(8, class_embedding.shape[0] - 1)
    norm_adj = _gcn_norm_adj(attn, k_neighbors)
    h = norm_adj @ (class_embedding @ W_g1) + b_g1   # gcn1
    h = jax.nn.relu(h)
    h = norm_adj @ (h @ W_g2) + b_g2                 # gcn2
    proj = jax.nn.relu(feats @ W_proj + b_proj)
    gcn_logits = proj @ h.T
    return cnn_logits + gcn_logits

if __name__ == "__main__":
    import jax
    _d = setup_inputs()
    print(jax.jit(kernel)(*tuple(_d.values())))

</pallas_src>

<mosaic_0001>
#map = affine_map<(d0, d1) -> (0, 0)>
module attributes {stable_mosaic.version = 14 : i64} {
  func.func @sc_topk(%arg0: i32, %arg1: i32, %arg2: memref<32x32xf32, #tpu.memory_space<hbm>>, %arg3: memref<32x32xf32, #tpu.memory_space<hbm>>, %arg4: memref<32xf32, #tpu.memory_space<vmem>>, %arg5: memref<32xf32, #tpu.memory_space<vmem>>) attributes {dimension_semantics = [#tpu.dimension_semantics<core_parallel>, #tpu.dimension_semantics<subcore_parallel>], iteration_bounds = array<i64: 2, 16>, scalar_prefetch = 0 : i64, scratch_operands = 2 : i64, tpu.core_type = #tpu.core_type<sc_vector_subcore>, window_params = [{transform_indices = #map}, {transform_indices = #map}]} {
    %mul3A = arith.constant 2 : i32
    %mul3A_0 = arith.muli %arg1, %mul3A : i32
    %add3A = arith.addi %mul3A_0, %arg0 : i32
    "tpu.region"() ({
      %run_scoped3A = tpu.sem_alloc : memref<!tpu.dma_semaphore, #tpu.memory_space<semaphore_mem>>
      %dma_start3A = arith.constant 0 : i32
      %dma_start3A_2541 = tpu.memref_slice %arg2[%add3A, %dma_start3A] : memref<32x32xf32, #tpu.memory_space<hbm>> -> memref<1x32xf32, #tpu.memory_space<hbm>>
      %dma_start3A_2542 = tpu.memref_squeeze %dma_start3A_2541 : memref<1x32xf32, #tpu.memory_space<hbm>> -> memref<32xf32, #tpu.memory_space<hbm>>
      %dma_start3A_2543 = arith.constant 0 : i32
      %dma_start3A_2544 = tpu.memref_slice %arg2[%add3A, %dma_start3A_2543] : memref<32x32xf32, #tpu.memory_space<hbm>> -> memref<1x32xf32, #tpu.memory_space<hbm>>
      %dma_start3A_2545 = tpu.memref_squeeze %dma_start3A_2544 : memref<1x32xf32, #tpu.memory_space<hbm>> -> memref<32xf32, #tpu.memory_space<hbm>>
      tpu.enqueue_dma source(%dma_start3A_2545 : memref<32xf32, #tpu.memory_space<hbm>>) target(%arg4 : memref<32xf32, #tpu.memory_space<vmem>>) target_semaphore(%run_scoped3A : memref<!tpu.dma_semaphore, #tpu.memory_space<semaphore_mem>>)
      %dma_wait3A = arith.constant 0 : i32
      %dma_wait3A_2546 = tpu.memref_slice %arg2[%add3A, %dma_wait3A] : memref<32x32xf32, #tpu.memory_space<hbm>> -> memref<1x32xf32, #tpu.memory_space<hbm>>
      %dma_wait3A_2547 = tpu.memref_squeeze %dma_wait3A_2546 : memref<1x32xf32, #tpu.memory_space<hbm>> -> memref<32xf32, #tpu.memory_space<hbm>>
      %dma_wait3A_2548 = arith.constant 0 : i32
      %dma_wait3A_2549 = tpu.memref_slice %arg2[%add3A, %dma_wait3A_2548] : memref<32x32xf32, #tpu.memory_space<hbm>> -> memref<1x32xf32, #tpu.memory_space<hbm>>
      %dma_wait3A_2550 = tpu.memref_squeeze %dma_wait3A_2549 : memref<1x32xf32, #tpu.memory_space<hbm>> -> memref<32xf32, #tpu.memory_space<hbm>>
      tpu.wait_dma2 semaphore(%run_scoped3A : memref<!tpu.dma_semaphore, #tpu.memory_space<semaphore_mem>>) src(%dma_wait3A_2550 : memref<32xf32, #tpu.memory_space<hbm>>) dst(%arg4 : memref<32xf32, #tpu.memory_space<vmem>>)
      tpu.yield
    }) : () -> ()
    %iota3A = tpu.iota {dimensions = array<i32: 0>} : vector<16xi32>
    %get3A = arith.constant 0 : index
    %get3A_1 = tpu.vector_load %arg4[%get3A] {strides = array<i32>} : memref<32xf32, #tpu.memory_space<vmem>>, vector<16xf32>,
    %get3A_2 = vector.shape_cast %get3A_1 : vector<16xf32> to vector<16xf32>
    %get3A_3 = arith.constant 16 : index
    %get3A_4 = tpu.vector_load %arg4[%get3A_3] {strides = array<i32>} : memref<32xf32, #tpu.memory_space<vmem>>, vector<16xf32>,
    %get3A_5 = vector.shape_cast %get3A_4 : vector<16xf32> to vector<16xf32>
    %add3A_6 = arith.constant 16 : i32
    %add3A_7 = vector.broadcast %add3A_6 : i32 to vector<16xi32>
    %add3A_8 = arith.addi %iota3A, %add3A_7 : vector<16xi32>
    %ge3A = arith.constant 26 : i32
    %ge3A_9 = vector.broadcast %ge3A : i32 to vector<16xi32>
    %ge3A_10 = arith.cmpi sge, %add3A_8, %ge3A_9 : vector<16xi32>
    %jit3A = arith.constant -3.000000e+38 : f32
    %broadcast_in_dim3A = vector.broadcast %jit3A : f32 to vector<16xf32>
    %select_n3A = arith.select %ge3A_10, %broadcast_in_dim3A, %get3A_5 : vector<16xi1>, vector<16xf32>
    %sub3A = arith.subi %iota3A, %iota3A : vector<16xi32>
    %broadcast_in_dim3A_11 = arith.constant 1.000000e+00 : f32
    %broadcast_in_dim3A_12 = vector.broadcast %broadcast_in_dim3A_11 : f32 to vector<16xf32>
    %broadcast_in_dim3A_13 = arith.constant 0.000000e+00 : f32
    %broadcast_in_dim3A_14 = vector.broadcast %broadcast_in_dim3A_13 : f32 to vector<16xf32>
    %broadcast_in_dim3A_15 = arith.constant 1 : i32
    %broadcast_in_dim3A_16 = vector.broadcast %broadcast_in_dim3A_15 : i32 to vector<16xi32>
    %broadcast_in_dim3A_17 = arith.constant 0 : i32
    %broadcast_in_dim3A_18 = vector.broadcast %broadcast_in_dim3A_17 : i32 to vector<16xi32>
    %add3A_19 = arith.constant 0 : i32
    %add3A_20 = vector.broadcast %add3A_19 : i32 to vector<16xi32>
    %add3A_21 = arith.addi %sub3A, %add3A_20 : vector<16xi32>
    %lt3A = arith.constant 0 : i32
    %lt3A_22 = vector.broadcast %lt3A : i32 to vector<16xi32>
    %lt3A_23 = arith.cmpi slt, %add3A_21, %lt3A_22 : vector<16xi32>
    %add3A_24 = arith.constant 16 : i32
    %add3A_25 = vector.broadcast %add3A_24 : i32 to vector<16xi32>
    %add3A_26 = arith.addi %add3A_21, %add3A_25 : vector<16xi32>
    %select_n3A_27 = arith.select %lt3A_23, %add3A_26, %add3A_21 : vector<16xi1>, vector<16xi32>
    %broadcast_in_dim3A_28 = vector.shape_cast %select_n3A_27 : vector<16xi32> to vector<16x1xi32>
    %gather3A = vector.shape_cast %broadcast_in_dim3A_28 : vector<16x1xi32> to vector<16xi32>
    %gather3A_29 = tpu.dynamic_gather %get3A_2[%gather3A] in [0] : vector<16xf32>, vector<16xi32> -> vector<16xf32>
    %gt3A = arith.cmpf ogt, %get3A_2, %gather3A_29 : vector<16xf32>
    %eq3A = arith.cmpf oeq, %get3A_2, %gather3A_29 : vector<16xf32>
    %lt3A_30 = arith.constant 0 : i32
    %lt3A_31 = vector.broadcast %lt3A_30 : i32 to vector<16xi32>
    %lt3A_32 = arith.cmpi slt, %iota3A, %lt3A_31 : vector<16xi32>
    %and3A = arith.andi %eq3A, %lt3A_32 : vector<16xi1>
    %or3A = arith.ori %gt3A, %and3A : vector<16xi1>
    %gt3A_33 = arith.cmpf ogt, %select_n3A, %gather3A_29 : vector<16xf32>
    %eq3A_34 = arith.cmpf oeq, %select_n3A, %gather3A_29 : vector<16xf32>
    %add3A_35 = arith.constant 16 : i32
    %add3A_36 = vector.broadcast %add3A_35 : i32 to vector<16xi32>
    %add3A_37 = arith.addi %iota3A, %add3A_36 : vector<16xi32>
    %lt3A_38 = arith.constant 0 : i32
    %lt3A_39 = vector.broadcast %lt3A_38 : i32 to vector<16xi32>
    %lt3A_40 = arith.cmpi slt, %add3A_37, %lt3A_39 : vector<16xi32>
    %and3A_41 = arith.andi %eq3A_34, %lt3A_40 : vector<16xi1>
    %or3A_42 = arith.ori %gt3A_33, %and3A_41 : vector<16xi1>
    %select_n3A_43 = arith.select %or3A, %broadcast_in_dim3A_16, %broadcast_in_dim3A_18 : vector<16xi1>, vector<16xi32>
    %select_n3A_44 = arith.select %or3A_42, %broadcast_in_dim3A_16, %broadcast_in_dim3A_18 : vector<16xi1>, vector<16xi32>
    %add3A_45 = arith.addi %select_n3A_43, %select_n3A_44 : vector<16xi32>
    %xor3A = arith.constant 1 : i32
    %xor3A_46 = vector.broadcast %xor3A : i32 to vector<16xi32>
    %xor3A_47 = arith.xori %iota3A, %xor3A_46 : vector<16xi32>
    %lt3A_48 = arith.constant 0 : i32
    %lt3A_49 = vector.broadcast %lt3A_48 : i32 to vector<16xi32>
    %lt3A_50 = arith.cmpi slt, %xor3A_47, %lt3A_49 : vector<16xi32>
    %add3A_51 = arith.constant 16 : i32
    %add3A_52 = vector.broadcast %add3A_51 : i32 to vector<16xi32>
    %add3A_53 = arith.addi %xor3A_47, %add3A_52 : vector<16xi32>
    %select_n3A_54 = arith.select %lt3A_50, %add3A_53, %xor3A_47 : vector<16xi1>, vector<16xi32>
    %broadcast_in_dim3A_55 = vector.shape_cast %select_n3A_54 : vector<16xi32> to vector<16x1xi32>
    %gather3A_56 = vector.shape_cast %broadcast_in_dim3A_55 : vector<16x1xi32> to vector<16xi32>
    %gather3A_57 = tpu.dynamic_gather %add3A_45[%gather3A_56] in [0] : vector<16xi32>, vector<16xi32> -> vector<16xi32>
    %add3A_58 = arith.addi %add3A_45, %gather3A_57 : vector<16xi32>
    %xor3A_59 = arith.constant 2 : i32
    %xor3A_60 = vector.broadcast %xor3A_59 : i32 to vector<16xi32>
    %xor3A_61 = arith.xori %iota3A, %xor3A_60 : vector<16xi32>
    %lt3A_62 = arith.constant 0 : i32
    %lt3A_63 = vector.broadcast %lt3A_62 : i32 to vector<16xi32>
    %lt3A_64 = arith.cmpi slt, %xor3A_61, %lt3A_63 : vector<16xi32>
    %add3A_65 = arith.constant 16 : i32
    %add3A_66 = vector.broadcast %add3A_65 : i32 to vector<16xi32>
    %add3A_67 = arith.addi %xor3A_61, %add3A_66 : vector<16xi32>
    %select_n3A_68 = arith.select %lt3A_64, %add3A_67, %xor3A_61 : vector<16xi1>, vector<16xi32>
    %broadcast_in_dim3A_69 = vector.shape_cast %select_n3A_68 : vector<16xi32> to vector<16x1xi32>
    %gather3A_70 = vector.shape_cast %broadcast_in_dim3A_69 : vector<16x1xi32> to vector<16xi32>
    %gather3A_71 = tpu.dynamic_gather %add3A_58[%gather3A_70] in [0] : vector<16xi32>, vector<16xi32> -> vector<16xi32>
    %add3A_72 = arith.addi %add3A_58, %gather3A_71 : vector<16xi32>
    %xor3A_73 = arith.constant 4 : i32
    %xor3A_74 = vector.broadcast %xor3A_73 : i32 to vector<16xi32>
    %xor3A_75 = arith.xori %iota3A, %xor3A_74 : vector<16xi32>
    %lt3A_76 = arith.constant 0 : i32
    %lt3A_77 = vector.broadcast %lt3A_76 : i32 to vector<16xi32>
    %lt3A_78 = arith.cmpi slt, %xor3A_75, %lt3A_77 : vector<16xi32>
    %add3A_79 = arith.constant 16 : i32
    %add3A_80 = vector.broadcast %add3A_79 : i32 to vector<16xi32>
    %add3A_81 = arith.addi %xor3A_75, %add3A_80 : vector<16xi32>
    %select_n3A_82 = arith.select %lt3A_78, %add3A_81, %xor3A_75 : vector<16xi1>, vector<16xi32>
    %broadcast_in_dim3A_83 = vector.shape_cast %select_n3A_82 : vector<16xi32> to vector<16x1xi32>
    %gather3A_84 = vector.shape_cast %broadcast_in_dim3A_83 : vector<16x1xi32> to vector<16xi32>
    %gather3A_85 = tpu.dynamic_gather %add3A_72[%gather3A_84] in [0] : vector<16xi32>, vector<16xi32> -> vector<16xi32>
    %add3A_86 = arith.addi %add3A_72, %gather3A_85 : vector<16xi32>
    %xor3A_87 = arith.constant 8 : i32
    %xor3A_88 = vector.broadcast %xor3A_87 : i32 to vector<16xi32>
    %xor3A_89 = arith.xori %iota3A, %xor3A_88 : vector<16xi32>
    %lt3A_90 = arith.constant 0 : i32
    %lt3A_91 = vector.broadcast %lt3A_90 : i32 to vector<16xi32>
    %lt3A_92 = arith.cmpi slt, %xor3A_89, %lt3A_91 : vector<16xi32>
    %add3A_93 = arith.constant 16 : i32
    %add3A_94 = vector.broadcast %add3A_93 : i32 to vector<16xi32>
    %add3A_95 = arith.addi %xor3A_89, %add3A_94 : vector<16xi32>
    %select_n3A_96 = arith.select %lt3A_92, %add3A_95, %xor3A_89 : vector<16xi1>, vector<16xi32>
    %broadcast_in_dim3A_97 = vector.shape_cast %select_n3A_96 : vector<16xi32> to vector<16x1xi32>
    %gather3A_98 = vector.shape_cast %broadcast_in_dim3A_97 : vector<16x1xi32> to vector<16xi32>
    %gather3A_99 = tpu.dynamic_gather %add3A_86[%gather3A_98] in [0] : vector<16xi32>, vector<16xi32> -> vector<16xi32>
    %add3A_100 = arith.addi %add3A_86, %gather3A_99 : vector<16xi32>
    %lt3A_101 = arith.constant 8 : i32
    %lt3A_102 = vector.broadcast %lt3A_101 : i32 to vector<16xi32>
    %lt3A_103 = arith.cmpi slt, %add3A_100, %lt3A_102 : vector<16xi32>
    %select_n3A_104 = arith.select %lt3A_103, %broadcast_in_dim3A_12, %broadcast_in_dim3A_14 : vector<16xi1>, vector<16xf32>
    %eq3A_105 = arith.constant 0 : i32
    %eq3A_106 = vector.broadcast %eq3A_105 : i32 to vector<16xi32>
    %eq3A_107 = arith.cmpi eq, %iota3A, %eq3A_106 : vector<16xi32>
    %select_n3A_108 = arith.select %eq3A_107, %select_n3A_104, %broadcast_in_dim3A_14 : vector<16xi1>, vector<16xf32>
    %add3A_109 = arith.constant 1 : i32
    %add3A_110 = vector.broadcast %add3A_109 : i32 to vector<16xi32>
    %add3A_111 = arith.addi %sub3A, %add3A_110 : vector<16xi32>
    %lt3A_112 = arith.constant 0 : i32
    %lt3A_113 = vector.broadcast %lt3A_112 : i32 to vector<16xi32>
    %lt3A_114 = arith.cmpi slt, %add3A_111, %lt3A_113 : vector<16xi32>
    %add3A_115 = arith.constant 16 : i32
    %add3A_116 = vector.broadcast %add3A_115 : i32 to vector<16xi32>
    %add3A_117 = arith.addi %add3A_111, %add3A_116 : vector<16xi32>
    %select_n3A_118 = arith.select %lt3A_114, %add3A_117, %add3A_111 : vector<16xi1>, vector<16xi32>
    %broadcast_in_dim3A_119 = vector.shape_cast %select_n3A_118 : vector<16xi32> to vector<16x1xi32>
    %gather3A_120 = vector.shape_cast %broadcast_in_dim3A_119 : vector<16x1xi32> to vector<16xi32>
    %gather3A_121 = tpu.dynamic_gather %get3A_2[%gather3A_120] in [0] : vector<16xf32>, vector<16xi32> -> vector<16xf32>
    %gt3A_122 = arith.cmpf ogt, %get3A_2, %gather3A_121 : vector<16xf32>
    %eq3A_123 = arith.cmpf oeq, %get3A_2, %gather3A_121 : vector<16xf32>
    %lt3A_124 = arith.constant 1 : i32
    %lt3A_125 = vector.broadcast %lt3A_124 : i32 to vector<16xi32>
    %lt3A_126 = arith.cmpi slt, %iota3A, %lt3A_125 : vector<16xi32>
    %and3A_127 = arith.andi %eq3A_123, %lt3A_126 : vector<16xi1>
    %or3A_128 = arith.ori %gt3A_122, %and3A_127 : vector<16xi1>
    %gt3A_129 = arith.cmpf ogt, %select_n3A, %gather3A_121 : vector<16xf32>
    %eq3A_130 = arith.cmpf oeq, %select_n3A, %gather3A_121 : vector<16xf32>
    %add3A_131 = arith.constant 16 : i32
    %add3A_132 = vector.broadcast %add3A_131 : i32 to vector<16xi32>
    %add3A_133 = arith.addi %iota3A, %add3A_132 : vector<16xi32>
    %lt3A_134 = arith.constant 1 : i32
    %lt3A_135 = vector.broadcast %lt3A_134 : i32 to vector<16xi32>
    %lt3A_136 = arith.cmpi slt, %add3A_133, %lt3A_135 : vector<16xi32>
    %and3A_137 = arith.andi %eq3A_130, %lt3A_136 : vector<16xi1>
    %or3A_138 = arith.ori %gt3A_129, %and3A_137 : vector<16xi1>
    %select_n3A_139 = arith.select %or3A_128, %broadcast_in_dim3A_16, %broadcast_in_dim3A_18 : vector<16xi1>, vector<16xi32>
    %select_n3A_140 = arith.select %or3A_138, %broadcast_in_dim3A_16, %broadcast_in_dim3A_18 : vector<16xi1>, vector<16xi32>
    %add3A_141 = arith.addi %select_n3A_139, %select_n3A_140 : vector<16xi32>
    %xor3A_142 = arith.constant 1 : i32
    %xor3A_143 = vector.broadcast %xor3A_142 : i32 to vector<16xi32>
    %xor3A_144 = arith.xori %iota3A, %xor3A_143 : vector<16xi32>
    %lt3A_145 = arith.constant 0 : i32
    %lt3A_146 = vector.broadcast %lt3A_145 : i32 to vector<16xi32>
    %lt3A_147 = arith.cmpi slt, %xor3A_144, %lt3A_146 : vector<16xi32>
    %add3A_148 = arith.constant 16 : i32
    %add3A_149 = vector.broadcast %add3A_148 : i32 to vector<16xi32>
    %add3A_150 = arith.addi %xor3A_144, %add3A_149 : vector<16xi32>
    %select_n3A_151 = arith.select %lt3A_147, %add3A_150, %xor3A_144 : vector<16xi1>, vector<16xi32>
    %broadcast_in_dim3A_152 = vector.shape_cast %select_n3A_151 : vector<16xi32> to vector<16x1xi32>
    %gather3A_153 = vector.shape_cast %broadcast_in_dim3A_152 : vector<16x1xi32> to vector<16xi32>
    %gather3A_154 = tpu.dynamic_gather %add3A_141[%gather3A_153] in [0] : vector<16xi32>, vector<16xi32> -> vector<16xi32>
    %add3A_155 = arith.addi %add3A_141, %gather3A_154 : vector<16xi32>
    %xor3A_156 = arith.constant 2 : i32
    %xor3A_157 = vector.broadcast %xor3A_156 : i32 to vector<16xi32>
    %xor3A_158 = arith.xori %iota3A, %xor3A_157 : vector<16xi32>
    %lt3A_159 = arith.constant 0 : i32
    %lt3A_160 = vector.broadcast %lt3A_159 : i32 to vector<16xi32>
    %lt3A_161 = arith.cmpi slt, %xor3A_158, %lt3A_160 : vector<16xi32>
    %add3A_162 = arith.constant 16 : i32
    %add3A_163 = vector.broadcast %add3A_162 : i32 to vector<16xi32>
    %add3A_164 = arith.addi %xor3A_158, %add3A_163 : vector<16xi32>
    %select_n3A_165 = arith.select %lt3A_161, %add3A_164, %xor3A_158 : vector<16xi1>, vector<16xi32>
    %broadcast_in_dim3A_166 = vector.shape_cast %select_n3A_165 : vector<16xi32> to vector<16x1xi32>
    %gather3A_167 = vector.shape_cast %broadcast_in_dim3A_166 : vector<16x1xi32> to vector<16xi32>
    %gather3A_168 = tpu.dynamic_gather %add3A_155[%gather3A_167] in [0] : vector<16xi32>, vector<16xi32> -> vector<16xi32>
    %add3A_169 = arith.addi %add3A_155, %gather3A_168 : vector<16xi32>
    %xor3A_170 = arith.constant 4 : i32
    %xor3A_171 = vector.broadcast %xor3A_170 : i32 to vector<16xi32>
    %xor3A_172 = arith.xori %iota3A, %xor3A_171 : vector<16xi32>
    %lt3A_173 = arith.constant 0 : i32
    %lt3A_174 = vector.broadcast %lt3A_173 : i32 to vector<16xi32>
    %lt3A_175 = arith.cmpi slt, %xor3A_172, %lt3A_174 : vector<16xi32>
    %add3A_176 = arith.constant 16 : i32
    %add3A_177 = vector.broadcast %add3A_176 : i32 to vector<16xi32>
    %add3A_178 = arith.addi %xor3A_172, %add3A_177 : vector<16xi32>
    %select_n3A_179 = arith.select %lt3A_175, %add3A_178, %xor3A_172 : vector<16xi1>, vector<16xi32>
    %broadcast_in_dim3A_180 = vector.shape_cast %select_n3A_179 : vector<16xi32> to vector<16x1xi32>
    %gather3A_181 = vector.shape_cast %broadcast_in_dim3A_180 : vector<16x1xi32> to vector<16xi32>
    %gather3A_182 = tpu.dynamic_gather %add3A_169[%gather3A_181] in [0] : vector<16xi32>, vector<16xi32> -> vector<16xi32>
    %add3A_183 = arith.addi %add3A_169, %gather3A_182 : vector<16xi32>
    %xor3A_184 = arith.constant 8 : i32
    %xor3A_185 = vector.broadcast %xor3A_184 : i32 to vector<16xi32>
    %xor3A_186 = arith.xori %iota3A, %xor3A_185 : vector<16xi32>
    %lt3A_187 = arith.constant 0 : i32
    %lt3A_188 = vector.broadcast %lt3A_187 : i32 to vector<16xi32>
    %lt3A_189 = arith.cmpi slt, %xor3A_186, %lt3A_188 : vector<16xi32>
    %add3A_190 = arith.constant 16 : i32
    %add3A_191 = vector.broadcast %add3A_190 : i32 to vector<16xi32>
    %add3A_192 = arith.addi %xor3A_186, %add3A_191 : vector<16xi32>
    %select_n3A_193 = arith.select %lt3A_189, %add3A_192, %xor3A_186 : vector<16xi1>, vector<16xi32>
    %broadcast_in_dim3A_194 = vector.shape_cast %select_n3A_193 : vector<16xi32> to vector<16x1xi32>
    %gather3A_195 = vector.shape_cast %broadcast_in_dim3A_194 : vector<16x1xi32> to vector<16xi32>
    %gather3A_196 = tpu.dynamic_gather %add3A_183[%gather3A_195] in [0] : vector<16xi32>, vector<16xi32> -> vector<16xi32>
    %add3A_197 = arith.addi %add3A_183, %gather3A_196 : vector<16xi32>
    %lt3A_198 = arith.constant 8 : i32
    %lt3A_199 = vector.broadcast %lt3A_198 : i32 to vector<16xi32>
    %lt3A_200 = arith.cmpi slt, %add3A_197, %lt3A_199 : vector<16xi32>
    %select_n3A_201 = arith.select %lt3A_200, %broadcast_in_dim3A_12, %broadcast_in_dim3A_14 : vector<16xi1>, vector<16xf32>
    %eq3A_202 = arith.constant 1 : i32
    %eq3A_203 = vector.broadcast %eq3A_202 : i32 to vector<16xi32>
    %eq3A_204 = arith.cmpi eq, %iota3A, %eq3A_203 : vector<16xi32>
    %select_n3A_205 = arith.select %eq3A_204, %select_n3A_201, %select_n3A_108 : vector<16xi1>, vector<16xf32>
    %add3A_206 = arith.constant 2 : i32
    %add3A_207 = vector.broadcast %add3A_206 : i32 to vector<16xi32>
    %add3A_208 = arith.addi %sub3A, %add3A_207 : vector<16xi32>
    %lt3A_209 = arith.constant 0 : i32
    %lt3A_210 = vector.broadcast %lt3A_209 : i32 to vector<16xi32>
    %lt3A_211 = arith.cmpi slt, %add3A_208, %lt3A_210 : vector<16xi32>
    %add3A_212 = arith.constant 16 : i32
    %add3A_213 = vector.broadcast %add3A_212 : i32 to vector<16xi32>
    %add3A_214 = arith.addi %add3A_208, %add3A_213 : vector<16xi32>
    %select_n3A_215 = arith.select %lt3A_211, %add3A_214, %add3A_208 : vector<16xi1>, vector<16xi32>
    %broadcast_in_dim3A_216 = vector.shape_cast %select_n3A_215 : vector<16xi32> to vector<16x1xi32>
    %gather3A_217 = vector.shape_cast %broadcast_in_dim3A_216 : vector<16x1xi32> to vector<16xi32>
    %gather3A_218 = tpu.dynamic_gather %get3A_2[%gather3A_217] in [0] : vector<16xf32>, vector<16xi32> -> vector<16xf32>
    %gt3A_219 = arith.cmpf ogt, %get3A_2, %gather3A_218 : vector<16xf32>
    %eq3A_220 = arith.cmpf oeq, %get3A_2, %gather3A_218 : vector<16xf32>
    %lt3A_221 = arith.constant 2 : i32
    %lt3A_222 = vector.broadcast %lt3A_221 : i32 to vector<16xi32>
    %lt3A_223 = arith.cmpi slt, %iota3A, %lt3A_222 : vector<16xi32>
    %and3A_224 = arith.andi %eq3A_220, %lt3A_223 : vector<16xi1>
    %or3A_225 = arith.ori %gt3A_219, %and3A_224 : vector<16xi1>
    %gt3A_226 = arith.cmpf ogt, %select_n3A, %gather3A_218 : vector<16xf32>
    %eq3A_227 = arith.cmpf oeq, %select_n3A, %gather3A_218 : vector<16xf32>
    %add3A_228 = arith.constant 16 : i32
    %add3A_229 = vector.broadcast %add3A_228 : i32 to vector<16xi32>
    %add3A_230 = arith.addi %iota3A, %add3A_229 : vector<16xi32>
    %lt3A_231 = arith.constant 2 : i32
    %lt3A_232 = vector.broadcast %lt3A_231 : i32 to vector<16xi32>
    %lt3A_233 = arith.cmpi slt, %add3A_230, %lt3A_232 : vector<16xi32>
    %and3A_234 = arith.andi %eq3A_227, %lt3A_233 : vector<16xi1>
    %or3A_235 = arith.ori %gt3A_226, %and3A_234 : vector<16xi1>
    %select_n3A_236 = arith.select %or3A_225, %broadcast_in_dim3A_16, %broadcast_in_dim3A_18 : vector<16xi1>, vector<16xi32>
    %select_n3A_237 = arith.select %or3A_235, %broadcast_in_dim3A_16, %broadcast_in_dim3A_18 : vector<16xi1>, vector<16xi32>
    %add3A_238 = arith.addi %select_n3A_236, %select_n3A_237 : vector<16xi32>
    %xor3A_239 = arith.constant 1 : i32
    %xor3A_240 = vector.broadcast %xor3A_239 : i32 to vector<16xi32>
    %xor3A_241 = arith.xori %iota3A, %xor3A_240 : vector<16xi32>
    %lt3A_242 = arith.constant 0 : i32
    %lt3A_243 = vector.broadcast %lt3A_242 : i32 to vector<16xi32>
    %lt3A_244 = arith.cmpi slt, %xor3A_241, %lt3A_243 : vector<16xi32>
    %add3A_245 = arith.constant 16 : i32
    %add3A_246 = vector.broadcast %add3A_245 : i32 to vector<16xi32>
    %add3A_247 = arith.addi %xor3A_241, %add3A_246 : vector<16xi32>
    %select_n3A_248 = arith.select %lt3A_244, %add3A_247, %xor3A_241 : vector<16xi1>, vector<16xi32>
    %broadcast_in_dim3A_249 = vector.shape_cast %select_n3A_248 : vector<16xi32> to vector<16x1xi32>
    %gather3A_250 = vector.shape_cast %broadcast_in_dim3A_249 : vector<16x1xi32> to vector<16xi32>
    %gather3A_251 = tpu.dynamic_gather %add3A_238[%gather3A_250] in [0] : vector<16xi32>, vector<16xi32> -> vector<16xi32>
    %add3A_252 = arith.addi %add3A_238, %gather3A_251 : vector<16xi32>
    %xor3A_253 = arith.constant 2 : i32
    %xor3A_254 = vector.broadcast %xor3A_253 : i32 to vector<16xi32>
    %xor3A_255 = arith.xori %iota3A, %xor3A_254 : vector<16xi32>
    %lt3A_256 = arith.constant 0 : i32
    %lt3A_257 = vector.broadcast %lt3A_256 : i32 to vector<16xi32>
    %lt3A_258 = arith.cmpi slt, %xor3A_255, %lt3A_257 : vector<16xi32>
    %add3A_259 = arith.constant 16 : i32
    %add3A_260 = vector.broadcast %add3A_259 : i32 to vector<16xi32>
    %add3A_261 = arith.addi %xor3A_255, %add3A_260 : vector<16xi32>
    %select_n3A_262 = arith.select %lt3A_258, %add3A_261, %xor3A_255 : vector<16xi1>, vector<16xi32>
    %broadcast_in_dim3A_263 = vector.shape_cast %select_n3A_262 : vector<16xi32> to vector<16x1xi32>
    %gather3A_264 = vector.shape_cast %broadcast_in_dim3A_263 : vector<16x1xi32> to vector<16xi32>
    %gather3A_265 = tpu.dynamic_gather %add3A_252[%gather3A_264] in [0] : vector<16xi32>, vector<16xi32> -> vector<16xi32>
    %add3A_266 = arith.addi %add3A_252, %gather3A_265 : vector<16xi32>
    %xor3A_267 = arith.constant 4 : i32
    %xor3A_268 = vector.broadcast %xor3A_267 : i32 to vector<16xi32>
    %xor3A_269 = arith.xori %iota3A, %xor3A_268 : vector<16xi32>
    %lt3A_270 = arith.constant 0 : i32
    %lt3A_271 = vector.broadcast %lt3A_270 : i32 to vector<16xi32>
    %lt3A_272 = arith.cmpi slt, %xor3A_269, %lt3A_271 : vector<16xi32>
    %add3A_273 = arith.constant 16 : i32
    %add3A_274 = vector.broadcast %add3A_273 : i32 to vector<16xi32>
    %add3A_275 = arith.addi %xor3A_269, %add3A_274 : vector<16xi32>
    %select_n3A_276 = arith.select %lt3A_272, %add3A_275, %xor3A_269 : vector<16xi1>, vector<16xi32>
    %broadcast_in_dim3A_277 = vector.shape_cast %select_n3A_276 : vector<16xi32> to vector<16x1xi32>
    %gather3A_278 = vector.shape_cast %broadcast_in_dim3A_277 : vector<16x1xi32> to vector<16xi32>
    %gather3A_279 = tpu.dynamic_gather %add3A_266[%gather3A_278] in [0] : vector<16xi32>, vector<16xi32> -> vector<16xi32>
    %add3A_280 = arith.addi %add3A_266, %gather3A_279 : vector<16xi32>
    %xor3A_281 = arith.constant 8 : i32
    %xor3A_282 = vector.broadcast %xor3A_281 : i32 to vector<16xi32>
    %xor3A_283 = arith.xori %iota3A, %xor3A_282 : vector<16xi32>
    %lt3A_284 = arith.constant 0 : i32
    %lt3A_285 = vector.broadcast %lt3A_284 : i32 to vector<16xi32>
    %lt3A_286 = arith.cmpi slt, %xor3A_283, %lt3A_285 : vector<16xi32>
    %add3A_287 = arith.constant 16 : i32
    %add3A_288 = vector.broadcast %add3A_287 : i32 to vector<16xi32>
    %add3A_289 = arith.addi %xor3A_283, %add3A_288 : vector<16xi32>
    %select_n3A_290 = arith.select %lt3A_286, %add3A_289, %xor3A_283 : vector<16xi1>, vector<16xi32>
    %broadcast_in_dim3A_291 = vector.shape_cast %select_n3A_290 : vector<16xi32> to vector<16x1xi32>
    %gather3A_292 = vector.shape_cast %broadcast_in_dim3A_291 : vector<16x1xi32> to vector<16xi32>
    %gather3A_293 = tpu.dynamic_gather %add3A_280[%gather3A_292] in [0] : vector<16xi32>, vector<16xi32> -> vector<16xi32>
    %add3A_294 = arith.addi %add3A_280, %gather3A_293 : vector<16xi32>
    %lt3A_295 = arith.constant 8 : i32
    %lt3A_296 = vector.broadcast %lt3A_295 : i32 to vector<16xi32>
    %lt3A_297 = arith.cmpi slt, %add3A_294, %lt3A_296 : vector<16xi32>
    %select_n3A_298 = arith.select %lt3A_297, %broadcast_in_dim3A_12, %broadcast_in_dim3A_14 : vector<16xi1>, vector<16xf32>
    %eq3A_299 = arith.constant 2 : i32
    %eq3A_300 = vector.broadcast %eq3A_299 : i32 to vector<16xi32>
    %eq3A_301 = arith.cmpi eq, %iota3A, %eq3A_300 : vector<16xi32>
    %select_n3A_302 = arith.select %eq3A_301, %select_n3A_298, %select_n3A_205 : vector<16xi1>, vector<16xf32>
    %add3A_303 = arith.constant 3 : i32
    %add3A_304 = vector.broadcast %add3A_303 : i32 to vector<16xi32>
    %add3A_305 = arith.addi %sub3A, %add3A_304 : vector<16xi32>
    %lt3A_306 = arith.constant 0 : i32
    %lt3A_307 = vector.broadcast %lt3A_306 : i32 to vector<16xi32>
    %lt3A_308 = arith.cmpi slt, %add3A_305, %lt3A_307 : vector<16xi32>
    %add3A_309 = arith.constant 16 : i32
    %add3A_310 = vector.broadcast %add3A_309 : i32 to vector<16xi32>
    %add3A_311 = arith.addi %add3A_305, %add3A_310 : vector<16xi32>
    %select_n3A_312 = arith.select %lt3A_308, %add3A_311, %add3A_305 : vector<16xi1>, vector<16xi32>
    %broadcast_in_dim3A_313 = vector.shape_cast %select_n3A_312 : vector<16xi32> to vector<16x1xi32>
    %gather3A_314 = vector.shape_cast %broadcast_in_dim3A_313 : vector<16x1xi32> to vector<16xi32>
    %gather3A_315 = tpu.dynamic_gather %get3A_2[%gather3A_314] in [0] : vector<16xf32>, vector<16xi32> -> vector<16xf32>
    %gt3A_316 = arith.cmpf ogt, %get3A_2, %gather3A_315 : vector<16xf32>
    %eq3A_317 = arith.cmpf oeq, %get3A_2, %gather3A_315 : vector<16xf32>
    %lt3A_318 = arith.constant 3 : i32
    %lt3A_319 = vector.broadcast %lt3A_318 : i32 to vector<16xi32>
    %lt3A_320 = arith.cmpi slt, %iota3A, %lt3A_319 : vector<16xi32>
    %and3A_321 = arith.andi %eq3A_317, %lt3A_320 : vector<16xi1>
    %or3A_322 = arith.ori %gt3A_316, %and3A_321 : vector<16xi1>
    %gt3A_323 = arith.cmpf ogt, %select_n3A, %gather3A_315 : vector<16xf32>
    %eq3A_324 = arith.cmpf oeq, %select_n3A, %gather3A_315 : vector<16xf32>
    %add3A_325 = arith.constant 16 : i32
    %add3A_326 = vector.broadcast %add3A_325 : i32 to vector<16xi32>
    %add3A_327 = arith.addi %iota3A, %add3A_326 : vector<16xi32>
    %lt3A_328 = arith.constant 3 : i32
    %lt3A_329 = vector.broadcast %lt3A_328 : i32 to vector<16xi32>
    %lt3A_330 = arith.cmpi slt, %add3A_327, %lt3A_329 : vector<16xi32>
    %and3A_331 = arith.andi %eq3A_324, %lt3A_330 : vector<16xi1>
    %or3A_332 = arith.ori %gt3A_323, %and3A_331 : vector<16xi1>
    %select_n3A_333 = arith.select %or3A_322, %broadcast_in_dim3A_16, %broadcast_in_dim3A_18 : vector<16xi1>, vector<16xi32>
    %select_n3A_334 = arith.select %or3A_332, %broadcast_in_dim3A_16, %broadcast_in_dim3A_18 : vector<16xi1>, vector<16xi32>
    %add3A_335 = arith.addi %select_n3A_333, %select_n3A_334 : vector<16xi32>
    %xor3A_336 = arith.constant 1 : i32
    %xor3A_337 = vector.broadcast %xor3A_336 : i32 to vector<16xi32>
    %xor3A_338 = arith.xori %iota3A, %xor3A_337 : vector<16xi32>
    %lt3A_339 = arith.constant 0 : i32
    %lt3A_340 = vector.broadcast %lt3A_339 : i32 to vector<16xi32>
    %lt3A_341 = arith.cmpi slt, %xor3A_338, %lt3A_340 : vector<16xi32>
    %add3A_342 = arith.constant 16 : i32
    %add3A_343 = vector.broadcast %add3A_342 : i32 to vector<16xi32>
    %add3A_344 = arith.addi %xor3A_338, %add3A_343 : vector<16xi32>
    %select_n3A_345 = arith.select %lt3A_341, %add3A_344, %xor3A_338 : vector<16xi1>, vector<16xi32>
    %broadcast_in_dim3A_346 = vector.shape_cast %select_n3A_345 : vector<16xi32> to vector<16x1xi32>
    %gather3A_347 = vector.shape_cast %broadcast_in_dim3A_346 : vector<16x1xi32> to vector<16xi32>
    %gather3A_348 = tpu.dynamic_gather %add3A_335[%gather3A_347] in [0] : vector<16xi32>, vector<16xi32> -> vector<16xi32>
    %add3A_349 = arith.addi %add3A_335, %gather3A_348 : vector<16xi32>
    %xor3A_350 = arith.constant 2 : i32
    %xor3A_351 = vector.broadcast %xor3A_350 : i32 to vector<16xi32>
    %xor3A_352 = arith.xori %iota3A, %xor3A_351 : vector<16xi32>
    %lt3A_353 = arith.constant 0 : i32
    %lt3A_354 = vector.broadcast %lt3A_353 : i32 to vector<16xi32>
    %lt3A_355 = arith.cmpi slt, %xor3A_352, %lt3A_354 : vector<16xi32>
    %add3A_356 = arith.constant 16 : i32
    %add3A_357 = vector.broadcast %add3A_356 : i32 to vector<16xi32>
    %add3A_358 = arith.addi %xor3A_352, %add3A_357 : vector<16xi32>
    %select_n3A_359 = arith.select %lt3A_355, %add3A_358, %xor3A_352 : vector<16xi1>, vector<16xi32>
    %broadcast_in_dim3A_360 = vector.shape_cast %select_n3A_359 : vector<16xi32> to vector<16x1xi32>
    %gather3A_361 = vector.shape_cast %broadcast_in_dim3A_360 : vector<16x1xi32> to vector<16xi32>
    %gather3A_362 = tpu.dynamic_gather %add3A_349[%gather3A_361] in [0] : vector<16xi32>, vector<16xi32> -> vector<16xi32>
    %add3A_363 = arith.addi %add3A_349, %gather3A_362 : vector<16xi32>
    %xor3A_364 = arith.constant 4 : i32
    %xor3A_365 = vector.broadcast %xor3A_364 : i32 to vector<16xi32>
    %xor3A_366 = arith.xori %iota3A, %xor3A_365 : vector<16xi32>
    %lt3A_367 = arith.constant 0 : i32
    %lt3A_368 = vector.broadcast %lt3A_367 : i32 to vector<16xi32>
    %lt3A_369 = arith.cmpi slt, %xor3A_366, %lt3A_368 : vector<16xi32>
    %add3A_370 = arith.constant 16 : i32
    %add3A_371 = vector.broadcast %add3A_370 : i32 to vector<16xi32>
    %add3A_372 = arith.addi %xor3A_366, %add3A_371 : vector<16xi32>
    %select_n3A_373 = arith.select %lt3A_369, %add3A_372, %xor3A_366 : vector<16xi1>, vector<16xi32>
    %broadcast_in_dim3A_374 = vector.shape_cast %select_n3A_373 : vector<16xi32> to vector<16x1xi32>
    %gather3A_375 = vector.shape_cast %broadcast_in_dim3A_374 : vector<16x1xi32> to vector<16xi32>
    %gather3A_376 = tpu.dynamic_gather %add3A_363[%gather3A_375] in [0] : vector<16xi32>, vector<16xi32> -> vector<16xi32>
    %add3A_377 = arith.addi %add3A_363, %gather3A_376 : vector<16xi32>
    %xor3A_378 = arith.constant 8 : i32
    %xor3A_379 = vector.broadcast %xor3A_378 : i32 to vector<16xi32>
    %xor3A_380 = arith.xori %iota3A, %xor3A_379 : vector<16xi32>
    %lt3A_381 = arith.constant 0 : i32
    %lt3A_382 = vector.broadcast %lt3A_381 : i32 to vector<16xi32>
    %lt3A_383 = arith.cmpi slt, %xor3A_380, %lt3A_382 : vector<16xi32>
    %add3A_384 = arith.constant 16 : i32
    %add3A_385 = vector.broadcast %add3A_384 : i32 to vector<16xi32>
    %add3A_386 = arith.addi %xor3A_380, %add3A_385 : vector<16xi32>
    %select_n3A_387 = arith.select %lt3A_383, %add3A_386, %xor3A_380 : vector<16xi1>, vector<16xi32>
    %broadcast_in_dim3A_388 = vector.shape_cast %select_n3A_387 : vector<16xi32> to vector<16x1xi32>
    %gather3A_389 = vector.shape_cast %broadcast_in_dim3A_388 : vector<16x1xi32> to vector<16xi32>
    %gather3A_390 = tpu.dynamic_gather %add3A_377[%gather3A_389] in [0] : vector<16xi32>, vector<16xi32> -> vector<16xi32>
    %add3A_391 = arith.addi %add3A_377, %gather3A_390 : vector<16xi32>
    %lt3A_392 = arith.constant 8 : i32
    %lt3A_393 = vector.broadcast %lt3A_392 : i32 to vector<16xi32>
    %lt3A_394 = arith.cmpi slt, %add3A_391, %lt3A_393 : vector<16xi32>
    %select_n3A_395 = arith.select %lt3A_394, %broadcast_in_dim3A_12, %broadcast_in_dim3A_14 : vector<16xi1>, vector<16xf32>
    %eq3A_396 = arith.constant 3 : i32
    %eq3A_397 = vector.broadcast %eq3A_396 : i32 to vector<16xi32>
    %eq3A_398 = arith.cmpi eq, %iota3A, %eq3A_397 : vector<16xi32>
    %select_n3A_399 = arith.select %eq3A_398, %select_n3A_395, %select_n3A_302 : vector<16xi1>, vector<16xf32>
    %add3A_400 = arith.constant 4 : i32
    %add3A_401 = vector.broadcast %add3A_400 : i32 to vector<16xi32>
    %add3A_402 = arith.addi %sub3A, %add3A_401 : vector<16xi32>
    %lt3A_403 = arith.constant 0 : i32
    %lt3A_404 = vector.broadcast %lt3A_403 : i32 to vector<16xi32>
    %lt3A_405 = arith.cmpi slt, %add3A_402, %lt3A_404 : vector<16xi32>
    %add3A_406 = arith.constant 16 : i32
    %add3A_407 = vector.broadcast %add3A_406 : i32 to vector<16xi32>
    %add3A_408 = arith.addi %add3A_402, %add3A_407 : vector<16xi32>
    %select_n3A_409 = arith.select %lt3A_405, %add3A_408, %add3A_402 : vector<16xi1>, vector<16xi32>
    %broadcast_in_dim3A_410 = vector.shape_cast %select_n3A_409 : vector<16xi32> to vector<16x1xi32>
    %gather3A_411 = vector.shape_cast %broadcast_in_dim3A_410 : vector<16x1xi32> to vector<16xi32>
    %gather3A_412 = tpu.dynamic_gather %get3A_2[%gather3A_411] in [0] : vector<16xf32>, vector<16xi32> -> vector<16xf32>
    %gt3A_413 = arith.cmpf ogt, %get3A_2, %gather3A_412 : vector<16xf32>
    %eq3A_414 = arith.cmpf oeq, %get3A_2, %gather3A_412 : vector<16xf32>
    %lt3A_415 = arith.constant 4 : i32
    %lt3A_416 = vector.broadcast %lt3A_415 : i32 to vector<16xi32>
    %lt3A_417 = arith.cmpi slt, %iota3A, %lt3A_416 : vector<16xi32>
    %and3A_418 = arith.andi %eq3A_414, %lt3A_417 : vector<16xi1>
    %or3A_419 = arith.ori %gt3A_413, %and3A_418 : vector<16xi1>
    %gt3A_420 = arith.cmpf ogt, %select_n3A, %gather3A_412 : vector<16xf32>
    %eq3A_421 = arith.cmpf oeq, %select_n3A, %gather3A_412 : vector<16xf32>
    %add3A_422 = arith.constant 16 : i32
    %add3A_423 = vector.broadcast %add3A_422 : i32 to vector<16xi32>
    %add3A_424 = arith.addi %iota3A, %add3A_423 : vector<16xi32>
    %lt3A_425 = arith.constant 4 : i32
    %lt3A_426 = vector.broadcast %lt3A_425 : i32 to vector<16xi32>
    %lt3A_427 = arith.cmpi slt, %add3A_424, %lt3A_426 : vector<16xi32>
    %and3A_428 = arith.andi %eq3A_421, %lt3A_427 : vector<16xi1>
    %or3A_429 = arith.ori %gt3A_420, %and3A_428 : vector<16xi1>
    %select_n3A_430 = arith.select %or3A_419, %broadcast_in_dim3A_16, %broadcast_in_dim3A_18 : vector<16xi1>, vector<16xi32>
    %select_n3A_431 = arith.select %or3A_429, %broadcast_in_dim3A_16, %broadcast_in_dim3A_18 : vector<16xi1>, vector<16xi32>
    %add3A_432 = arith.addi %select_n3A_430, %select_n3A_431 : vector<16xi32>
    %xor3A_433 = arith.constant 1 : i32
    %xor3A_434 = vector.broadcast %xor3A_433 : i32 to vector<16xi32>
    %xor3A_435 = arith.xori %iota3A, %xor3A_434 : vector<16xi32>
    %lt3A_436 = arith.constant 0 : i32
    %lt3A_437 = vector.broadcast %lt3A_436 : i32 to vector<16xi32>
    %lt3A_438 = arith.cmpi slt, %xor3A_435, %lt3A_437 : vector<16xi32>
    %add3A_439 = arith.constant 16 : i32
    %add3A_440 = vector.broadcast %add3A_439 : i32 to vector<16xi32>
    %add3A_441 = arith.addi %xor3A_435, %add3A_440 : vector<16xi32>
    %select_n3A_442 = arith.select %lt3A_438, %add3A_441, %xor3A_435 : vector<16xi1>, vector<16xi32>
    %broadcast_in_dim3A_443 = vector.shape_cast %select_n3A_442 : vector<16xi32> to vector<16x1xi32>
    %gather3A_444 = vector.shape_cast %broadcast_in_dim3A_443 : vector<16x1xi32> to vector<16xi32>
    %gather3A_445 = tpu.dynamic_gather %add3A_432[%gather3A_444] in [0] : vector<16xi32>, vector<16xi32> -> vector<16xi32>
    %add3A_446 = arith.addi %add3A_432, %gather3A_445 : vector<16xi32>
    %xor3A_447 = arith.constant 2 : i32
    %xor3A_448 = vector.broadcast %xor3A_447 : i32 to vector<16xi32>
    %xor3A_449 = arith.xori %iota3A, %xor3A_448 : vector<16xi32>
    %lt3A_450 = arith.constant 0 : i32
    %lt3A_451 = vector.broadcast %lt3A_450 : i32 to vector<16xi32>
    %lt3A_452 = arith.cmpi slt, %xor3A_449, %lt3A_451 : vector<16xi32>
    %add3A_453 = arith.constant 16 : i32
    %add3A_454 = vector.broadcast %add3A_453 : i32 to vector<16xi32>
    %add3A_455 = arith.addi %xor3A_449, %add3A_454 : vector<16xi32>
    %select_n3A_456 = arith.select %lt3A_452, %add3A_455, %xor3A_449 : vector<16xi1>, vector<16xi32>
    %broadcast_in_dim3A_457 = vector.shape_cast %select_n3A_456 : vector<16xi32> to vector<16x1xi32>
    %gather3A_458 = vector.shape_cast %broadcast_in_dim3A_457 : vector<16x1xi32> to vector<16xi32>
    %gather3A_459 = tpu.dynamic_gather %add3A_446[%gather3A_458] in [0] : vector<16xi32>, vector<16xi32> -> vector<16xi32>
    %add3A_460 = arith.addi %add3A_446, %gather3A_459 : vector<16xi32>
    %xor3A_461 = arith.constant 4 : i32
    %xor3A_462 = vector.broadcast %xor3A_461 : i32 to vector<16xi32>
    %xor3A_463 = arith.xori %iota3A, %xor3A_462 : vector<16xi32>
    %lt3A_464 = arith.constant 0 : i32
    %lt3A_465 = vector.broadcast %lt3A_464 : i32 to vector<16xi32>
    %lt3A_466 = arith.cmpi slt, %xor3A_463, %lt3A_465 : vector<16xi32>
    %add3A_467 = arith.constant 16 : i32
    %add3A_468 = vector.broadcast %add3A_467 : i32 to vector<16xi32>
    %add3A_469 = arith.addi %xor3A_463, %add3A_468 : vector<16xi32>
    %select_n3A_470 = arith.select %lt3A_466, %add3A_469, %xor3A_463 : vector<16xi1>, vector<16xi32>
    %broadcast_in_dim3A_471 = vector.shape_cast %select_n3A_470 : vector<16xi32> to vector<16x1xi32>
    %gather3A_472 = vector.shape_cast %broadcast_in_dim3A_471 : vector<16x1xi32> to vector<16xi32>
    %gather3A_473 = tpu.dynamic_gather %add3A_460[%gather3A_472] in [0] : vector<16xi32>, vector<16xi32> -> vector<16xi32>
    %add3A_474 = arith.addi %add3A_460, %gather3A_473 : vector<16xi32>
    %xor3A_475 = arith.constant 8 : i32
    %xor3A_476 = vector.broadcast %xor3A_475 : i32 to vector<16xi32>
    %xor3A_477 = arith.xori %iota3A, %xor3A_476 : vector<16xi32>
    %lt3A_478 = arith.constant 0 : i32
    %lt3A_479 = vector.broadcast %lt3A_478 : i32 to vector<16xi32>
    %lt3A_480 = arith.cmpi slt, %xor3A_477, %lt3A_479 : vector<16xi32>
    %add3A_481 = arith.constant 16 : i32
    %add3A_482 = vector.broadcast %add3A_481 : i32 to vector<16xi32>
    %add3A_483 = arith.addi %xor3A_477, %add3A_482 : vector<16xi32>
    %select_n3A_484 = arith.select %lt3A_480, %add3A_483, %xor3A_477 : vector<16xi1>, vector<16xi32>
    %broadcast_in_dim3A_485 = vector.shape_cast %select_n3A_484 : vector<16xi32> to vector<16x1xi32>
    %gather3A_486 = vector.shape_cast %broadcast_in_dim3A_485 : vector<16x1xi32> to vector<16xi32>
    %gather3A_487 = tpu.dynamic_gather %add3A_474[%gather3A_486] in [0] : vector<16xi32>, vector<16xi32> -> vector<16xi32>
    %add3A_488 = arith.addi %add3A_474, %gather3A_487 : vector<16xi32>
    %lt3A_489 = arith.constant 8 : i32
    %lt3A_490 = vector.broadcast %lt3A_489 : i32 to vector<16xi32>
    %lt3A_491 = arith.cmpi slt, %add3A_488, %lt3A_490 : vector<16xi32>
    %select_n3A_492 = arith.select %lt3A_491, %broadcast_in_dim3A_12, %broadcast_in_dim3A_14 : vector<16xi1>, vector<16xf32>
    %eq3A_493 = arith.constant 4 : i32
    %eq3A_494 = vector.broadcast %eq3A_493 : i32 to vector<16xi32>
    %eq3A_495 = arith.cmpi eq, %iota3A, %eq3A_494 : vector<16xi32>
    %select_n3A_496 = arith.select %eq3A_495, %select_n3A_492, %select_n3A_399 : vector<16xi1>, vector<16xf32>
    %add3A_497 = arith.constant 5 : i32
    %add3A_498 = vector.broadcast %add3A_497 : i32 to vector<16xi32>
    %add3A_499 = arith.addi %sub3A, %add3A_498 : vector<16xi32>
    %lt3A_500 = arith.constant 0 : i32
    %lt3A_501 = vector.broadcast %lt3A_500 : i32 to vector<16xi32>
    %lt3A_502 = arith.cmpi slt, %add3A_499, %lt3A_501 : vector<16xi32>
    %add3A_503 = arith.constant 16 : i32
    %add3A_504 = vector.broadcast %add3A_503 : i32 to vector<16xi32>
    %add3A_505 = arith.addi %add3A_499, %add3A_504 : vector<16xi32>
    %select_n3A_506 = arith.select %lt3A_502, %add3A_505, %add3A_499 : vector<16xi1>, vector<16xi32>
    %broadcast_in_dim3A_507 = vector.shape_cast %select_n3A_506 : vector<16xi32> to vector<16x1xi32>
    %gather3A_508 = vector.shape_cast %broadcast_in_dim3A_507 : vector<16x1xi32> to vector<16xi32>
    %gather3A_509 = tpu.dynamic_gather %get3A_2[%gather3A_508] in [0] : vector<16xf32>, vector<16xi32> -> vector<16xf32>
    %gt3A_510 = arith.cmpf ogt, %get3A_2, %gather3A_509 : vector<16xf32>
    %eq3A_511 = arith.cmpf oeq, %get3A_2, %gather3A_509 : vector<16xf32>
    %lt3A_512 = arith.constant 5 : i32
    %lt3A_513 = vector.broadcast %lt3A_512 : i32 to vector<16xi32>
    %lt3A_514 = arith.cmpi slt, %iota3A, %lt3A_513 : vector<16xi32>
    %and3A_515 = arith.andi %eq3A_511, %lt3A_514 : vector<16xi1>
    %or3A_516 = arith.ori %gt3A_510, %and3A_515 : vector<16xi1>
    %gt3A_517 = arith.cmpf ogt, %select_n3A, %gather3A_509 : vector<16xf32>
    %eq3A_518 = arith.cmpf oeq, %select_n3A, %gather3A_509 : vector<16xf32>
    %add3A_519 = arith.constant 16 : i32
    %add3A_520 = vector.broadcast %add3A_519 : i32 to vector<16xi32>
    %add3A_521 = arith.addi %iota3A, %add3A_520 : vector<16xi32>
    %lt3A_522 = arith.constant 5 : i32
    %lt3A_523 = vector.broadcast %lt3A_522 : i32 to vector<16xi32>
    %lt3A_524 = arith.cmpi slt, %add3A_521, %lt3A_523 : vector<16xi32>
    %and3A_525 = arith.andi %eq3A_518, %lt3A_524 : vector<16xi1>
    %or3A_526 = arith.ori %gt3A_517, %and3A_525 : vector<16xi1>
    %select_n3A_527 = arith.select %or3A_516, %broadcast_in_dim3A_16, %broadcast_in_dim3A_18 : vector<16xi1>, vector<16xi32>
    %select_n3A_528 = arith.select %or3A_526, %broadcast_in_dim3A_16, %broadcast_in_dim3A_18 : vector<16xi1>, vector<16xi32>
    %add3A_529 = arith.addi %select_n3A_527, %select_n3A_528 : vector<16xi32>
    %xor3A_530 = arith.constant 1 : i32
    %xor3A_531 = vector.broadcast %xor3A_530 : i32 to vector<16xi32>
    %xor3A_532 = arith.xori %iota3A, %xor3A_531 : vector<16xi32>
    %lt3A_533 = arith.constant 0 : i32
    %lt3A_534 = vector.broadcast %lt3A_533 : i32 to vector<16xi32>
    %lt3A_535 = arith.cmpi slt, %xor3A_532, %lt3A_534 : vector<16xi32>
    %add3A_536 = arith.constant 16 : i32
    %add3A_537 = vector.broadcast %add3A_536 : i32 to vector<16xi32>
    %add3A_538 = arith.addi %xor3A_532, %add3A_537 : vector<16xi32>
    %select_n3A_539 = arith.select %lt3A_535, %add3A_538, %xor3A_532 : vector<16xi1>, vector<16xi32>
    %broadcast_in_dim3A_540 = vector.shape_cast %select_n3A_539 : vector<16xi32> to vector<16x1xi32>
    %gather3A_541 = vector.shape_cast %broadcast_in_dim3A_540 : vector<16x1xi32> to vector<16xi32>
    %gather3A_542 = tpu.dynamic_gather %add3A_529[%gather3A_541] in [0] : vector<16xi32>, vector<16xi32> -> vector<16xi32>
    %add3A_543 = arith.addi %add3A_529, %gather3A_542 : vector<16xi32>
    %xor3A_544 = arith.constant 2 : i32
    %xor3A_545 = vector.broadcast %xor3A_544 : i32 to vector<16xi32>
    %xor3A_546 = arith.xori %iota3A, %xor3A_545 : vector<16xi32>
    %lt3A_547 = arith.constant 0 : i32
    %lt3A_548 = vector.broadcast %lt3A_547 : i32 to vector<16xi32>
    %lt3A_549 = arith.cmpi slt, %xor3A_546, %lt3A_548 : vector<16xi32>
    %add3A_550 = arith.constant 16 : i32
    %add3A_551 = vector.broadcast %add3A_550 : i32 to vector<16xi32>
    %add3A_552 = arith.addi %xor3A_546, %add3A_551 : vector<16xi32>
    %select_n3A_553 = arith.select %lt3A_549, %add3A_552, %xor3A_546 : vector<16xi1>, vector<16xi32>
    %broadcast_in_dim3A_554 = vector.shape_cast %select_n3A_553 : vector<16xi32> to vector<16x1xi32>
    %gather3A_555 = vector.shape_cast %broadcast_in_dim3A_554 : vector<16x1xi32> to vector<16xi32>
    %gather3A_556 = tpu.dynamic_gather %add3A_543[%gather3A_555] in [0] : vector<16xi32>, vector<16xi32> -> vector<16xi32>
    %add3A_557 = arith.addi %add3A_543, %gather3A_556 : vector<16xi32>
    %xor3A_558 = arith.constant 4 : i32
    %xor3A_559 = vector.broadcast %xor3A_558 : i32 to vector<16xi32>
    %xor3A_560 = arith.xori %iota3A, %xor3A_559 : vector<16xi32>
    %lt3A_561 = arith.constant 0 : i32
    %lt3A_562 = vector.broadcast %lt3A_561 : i32 to vector<16xi32>
    %lt3A_563 = arith.cmpi slt, %xor3A_560, %lt3A_562 : vector<16xi32>
    %add3A_564 = arith.constant 16 : i32
    %add3A_565 = vector.broadcast %add3A_564 : i32 to vector<16xi32>
    %add3A_566 = arith.addi %xor3A_560, %add3A_565 : vector<16xi32>
    %select_n3A_567 = arith.select %lt3A_563, %add3A_566, %xor3A_560 : vector<16xi1>, vector<16xi32>
    %broadcast_in_dim3A_568 = vector.shape_cast %select_n3A_567 : vector<16xi32> to vector<16x1xi32>
    %gather3A_569 = vector.shape_cast %broadcast_in_dim3A_568 : vector<16x1xi32> to vector<16xi32>
    %gather3A_570 = tpu.dynamic_gather %add3A_557[%gather3A_569] in [0] : vector<16xi32>, vector<16xi32> -> vector<16xi32>
    %add3A_571 = arith.addi %add3A_557, %gather3A_570 : vector<16xi32>
    %xor3A_572 = arith.constant 8 : i32
    %xor3A_573 = vector.broadcast %xor3A_572 : i32 to vector<16xi32>
    %xor3A_574 = arith.xori %iota3A, %xor3A_573 : vector<16xi32>
    %lt3A_575 = arith.constant 0 : i32
    %lt3A_576 = vector.broadcast %lt3A_575 : i32 to vector<16xi32>
    %lt3A_577 = arith.cmpi slt, %xor3A_574, %lt3A_576 : vector<16xi32>
    %add3A_578 = arith.constant 16 : i32
    %add3A_579 = vector.broadcast %add3A_578 : i32 to vector<16xi32>
    %add3A_580 = arith.addi %xor3A_574, %add3A_579 : vector<16xi32>
    %select_n3A_581 = arith.select %lt3A_577, %add3A_580, %xor3A_574 : vector<16xi1>, vector<16xi32>
    %broadcast_in_dim3A_582 = vector.shape_cast %select_n3A_581 : vector<16xi32> to vector<16x1xi32>
    %gather3A_583 = vector.shape_cast %broadcast_in_dim3A_582 : vector<16x1xi32> to vector<16xi32>
    %gather3A_584 = tpu.dynamic_gather %add3A_571[%gather3A_583] in [0] : vector<16xi32>, vector<16xi32> -> vector<16xi32>
    %add3A_585 = arith.addi %add3A_571, %gather3A_584 : vector<16xi32>
    %lt3A_586 = arith.constant 8 : i32
    %lt3A_587 = vector.broadcast %lt3A_586 : i32 to vector<16xi32>
    %lt3A_588 = arith.cmpi slt, %add3A_585, %lt3A_587 : vector<16xi32>
    %select_n3A_589 = arith.select %lt3A_588, %broadcast_in_dim3A_12, %broadcast_in_dim3A_14 : vector<16xi1>, vector<16xf32>
    %eq3A_590 = arith.constant 5 : i32
    %eq3A_591 = vector.broadcast %eq3A_590 : i32 to vector<16xi32>
    %eq3A_592 = arith.cmpi eq, %iota3A, %eq3A_591 : vector<16xi32>
    %select_n3A_593 = arith.select %eq3A_592, %select_n3A_589, %select_n3A_496 : vector<16xi1>, vector<16xf32>
    %add3A_594 = arith.constant 6 : i32
    %add3A_595 = vector.broadcast %add3A_594 : i32 to vector<16xi32>
    %add3A_596 = arith.addi %sub3A, %add3A_595 : vector<16xi32>
    %lt3A_597 = arith.constant 0 : i32
    %lt3A_598 = vector.broadcast %lt3A_597 : i32 to vector<16xi32>
    %lt3A_599 = arith.cmpi slt, %add3A_596, %lt3A_598 : vector<16xi32>
    %add3A_600 = arith.constant 16 : i32
    %add3A_601 = vector.broadcast %add3A_600 : i32 to vector<16xi32>
    %add3A_602 = arith.addi %add3A_596, %add3A_601 : vector<16xi32>
    %select_n3A_603 = arith.select %lt3A_599, %add3A_602, %add3A_596 : vector<16xi1>, vector<16xi32>
    %broadcast_in_dim3A_604 = vector.shape_cast %select_n3A_603 : vector<16xi32> to vector<16x1xi32>
    %gather3A_605 = vector.shape_cast %broadcast_in_dim3A_604 : vector<16x1xi32> to vector<16xi32>
    %gather3A_606 = tpu.dynamic_gather %get3A_2[%gather3A_605] in [0] : vector<16xf32>, vector<16xi32> -> vector<16xf32>
    %gt3A_607 = arith.cmpf ogt, %get3A_2, %gather3A_606 : vector<16xf32>
    %eq3A_608 = arith.cmpf oeq, %get3A_2, %gather3A_606 : vector<16xf32>
    %lt3A_609 = arith.constant 6 : i32
    %lt3A_610 = vector.broadcast %lt3A_609 : i32 to vector<16xi32>
    %lt3A_611 = arith.cmpi slt, %iota3A, %lt3A_610 : vector<16xi32>
    %and3A_612 = arith.andi %eq3A_608, %lt3A_611 : vector<16xi1>
    %or3A_613 = arith.ori %gt3A_607, %and3A_612 : vector<16xi1>
    %gt3A_614 = arith.cmpf ogt, %select_n3A, %gather3A_606 : vector<16xf32>
    %eq3A_615 = arith.cmpf oeq, %select_n3A, %gather3A_606 : vector<16xf32>
    %add3A_616 = arith.constant 16 : i32
    %add3A_617 = vector.broadcast %add3A_616 : i32 to vector<16xi32>
    %add3A_618 = arith.addi %iota3A, %add3A_617 : vector<16xi32>
    %lt3A_619 = arith.constant 6 : i32
    %lt3A_620 = vector.broadcast %lt3A_619 : i32 to vector<16xi32>
    %lt3A_621 = arith.cmpi slt, %add3A_618, %lt3A_620 : vector<16xi32>
    %and3A_622 = arith.andi %eq3A_615, %lt3A_621 : vector<16xi1>
    %or3A_623 = arith.ori %gt3A_614, %and3A_622 : vector<16xi1>
    %select_n3A_624 = arith.select %or3A_613, %broadcast_in_dim3A_16, %broadcast_in_dim3A_18 : vector<16xi1>, vector<16xi32>
    %select_n3A_625 = arith.select %or3A_623, %broadcast_in_dim3A_16, %broadcast_in_dim3A_18 : vector<16xi1>, vector<16xi32>
    %add3A_626 = arith.addi %select_n3A_624, %select_n3A_625 : vector<16xi32>
    %xor3A_627 = arith.constant 1 : i32
    %xor3A_628 = vector.broadcast %xor3A_627 : i32 to vector<16xi32>
    %xor3A_629 = arith.xori %iota3A, %xor3A_628 : vector<16xi32>
    %lt3A_630 = arith.constant 0 : i32
    %lt3A_631 = vector.broadcast %lt3A_630 : i32 to vector<16xi32>
    %lt3A_632 = arith.cmpi slt, %xor3A_629, %lt3A_631 : vector<16xi32>
    %add3A_633 = arith.constant 16 : i32
    %add3A_634 = vector.broadcast %add3A_633 : i32 to vector<16xi32>
    %add3A_635 = arith.addi %xor3A_629, %add3A_634 : vector<16xi32>
    %select_n3A_636 = arith.select %lt3A_632, %add3A_635, %xor3A_629 : vector<16xi1>, vector<16xi32>
    %broadcast_in_dim3A_637 = vector.shape_cast %select_n3A_636 : vector<16xi32> to vector<16x1xi32>
    %gather3A_638 = vector.shape_cast %broadcast_in_dim3A_637 : vector<16x1xi32> to vector<16xi32>
    %gather3A_639 = tpu.dynamic_gather %add3A_626[%gather3A_638] in [0] : vector<16xi32>, vector<16xi32> -> vector<16xi32>
    %add3A_640 = arith.addi %add3A_626, %gather3A_639 : vector<16xi32>
    %xor3A_641 = arith.constant 2 : i32
    %xor3A_642 = vector.broadcast %xor3A_641 : i32 to vector<16xi32>
    %xor3A_643 = arith.xori %iota3A, %xor3A_642 : vector<16xi32>
    %lt3A_644 = arith.constant 0 : i32
    %lt3A_645 = vector.broadcast %lt3A_644 : i32 to vector<16xi32>
    %lt3A_646 = arith.cmpi slt, %xor3A_643, %lt3A_645 : vector<16xi32>
    %add3A_647 = arith.constant 16 : i32
    %add3A_648 = vector.broadcast %add3A_647 : i32 to vector<16xi32>
    %add3A_649 = arith.addi %xor3A_643, %add3A_648 : vector<16xi32>
    %select_n3A_650 = arith.select %lt3A_646, %add3A_649, %xor3A_643 : vector<16xi1>, vector<16xi32>
    %broadcast_in_dim3A_651 = vector.shape_cast %select_n3A_650 : vector<16xi32> to vector<16x1xi32>
    %gather3A_652 = vector.shape_cast %broadcast_in_dim3A_651 : vector<16x1xi32> to vector<16xi32>
    %gather3A_653 = tpu.dynamic_gather %add3A_640[%gather3A_652] in [0] : vector<16xi32>, vector<16xi32> -> vector<16xi32>
    %add3A_654 = arith.addi %add3A_640, %gather3A_653 : vector<16xi32>
    %xor3A_655 = arith.constant 4 : i32
    %xor3A_656 = vector.broadcast %xor3A_655 : i32 to vector<16xi32>
    %xor3A_657 = arith.xori %iota3A, %xor3A_656 : vector<16xi32>
    %lt3A_658 = arith.constant 0 : i32
    %lt3A_659 = vector.broadcast %lt3A_658 : i32 to vector<16xi32>
    %lt3A_660 = arith.cmpi slt, %xor3A_657, %lt3A_659 : vector<16xi32>
    %add3A_661 = arith.constant 16 : i32
    %add3A_662 = vector.broadcast %add3A_661 : i32 to vector<16xi32>
    %add3A_663 = arith.addi %xor3A_657, %add3A_662 : vector<16xi32>
    %select_n3A_664 = arith.select %lt3A_660, %add3A_663, %xor3A_657 : vector<16xi1>, vector<16xi32>
    %broadcast_in_dim3A_665 = vector.shape_cast %select_n3A_664 : vector<16xi32> to vector<16x1xi32>
    %gather3A_666 = vector.shape_cast %broadcast_in_dim3A_665 : vector<16x1xi32> to vector<16xi32>
    %gather3A_667 = tpu.dynamic_gather %add3A_654[%gather3A_666] in [0] : vector<16xi32>, vector<16xi32> -> vector<16xi32>
    %add3A_668 = arith.addi %add3A_654, %gather3A_667 : vector<16xi32>
    %xor3A_669 = arith.constant 8 : i32
    %xor3A_670 = vector.broadcast %xor3A_669 : i32 to vector<16xi32>
    %xor3A_671 = arith.xori %iota3A, %xor3A_670 : vector<16xi32>
    %lt3A_672 = arith.constant 0 : i32
    %lt3A_673 = vector.broadcast %lt3A_672 : i32 to vector<16xi32>
    %lt3A_674 = arith.cmpi slt, %xor3A_671, %lt3A_673 : vector<16xi32>
    %add3A_675 = arith.constant 16 : i32
    %add3A_676 = vector.broadcast %add3A_675 : i32 to vector<16xi32>
    %add3A_677 = arith.addi %xor3A_671, %add3A_676 : vector<16xi32>
    %select_n3A_678 = arith.select %lt3A_674, %add3A_677, %xor3A_671 : vector<16xi1>, vector<16xi32>
    %broadcast_in_dim3A_679 = vector.shape_cast %select_n3A_678 : vector<16xi32> to vector<16x1xi32>
    %gather3A_680 = vector.shape_cast %broadcast_in_dim3A_679 : vector<16x1xi32> to vector<16xi32>
    %gather3A_681 = tpu.dynamic_gather %add3A_668[%gather3A_680] in [0] : vector<16xi32>, vector<16xi32> -> vector<16xi32>
    %add3A_682 = arith.addi %add3A_668, %gather3A_681 : vector<16xi32>
    %lt3A_683 = arith.constant 8 : i32
    %lt3A_684 = vector.broadcast %lt3A_683 : i32 to vector<16xi32>
    %lt3A_685 = arith.cmpi slt, %add3A_682, %lt3A_684 : vector<16xi32>
    %select_n3A_686 = arith.select %lt3A_685, %broadcast_in_dim3A_12, %broadcast_in_dim3A_14 : vector<16xi1>, vector<16xf32>
    %eq3A_687 = arith.constant 6 : i32
    %eq3A_688 = vector.broadcast %eq3A_687 : i32 to vector<16xi32>
    %eq3A_689 = arith.cmpi eq, %iota3A, %eq3A_688 : vector<16xi32>
    %select_n3A_690 = arith.select %eq3A_689, %select_n3A_686, %select_n3A_593 : vector<16xi1>, vector<16xf32>
    %add3A_691 = arith.constant 7 : i32
    %add3A_692 = vector.broadcast %add3A_691 : i32 to vector<16xi32>
    %add3A_693 = arith.addi %sub3A, %add3A_692 : vector<16xi32>
    %lt3A_694 = arith.constant 0 : i32
    %lt3A_695 = vector.broadcast %lt3A_694 : i32 to vector<16xi32>
    %lt3A_696 = arith.cmpi slt, %add3A_693, %lt3A_695 : vector<16xi32>
    %add3A_697 = arith.constant 16 : i32
    %add3A_698 = vector.broadcast %add3A_697 : i32 to vector<16xi32>
    %add3A_699 = arith.addi %add3A_693, %add3A_698 : vector<16xi32>
    %select_n3A_700 = arith.select %lt3A_696, %add3A_699, %add3A_693 : vector<16xi1>, vector<16xi32>
    %broadcast_in_dim3A_701 = vector.shape_cast %select_n3A_700 : vector<16xi32> to vector<16x1xi32>
    %gather3A_702 = vector.shape_cast %broadcast_in_dim3A_701 : vector<16x1xi32> to vector<16xi32>
    %gather3A_703 = tpu.dynamic_gather %get3A_2[%gather3A_702] in [0] : vector<16xf32>, vector<16xi32> -> vector<16xf32>
    %gt3A_704 = arith.cmpf ogt, %get3A_2, %gather3A_703 : vector<16xf32>
    %eq3A_705 = arith.cmpf oeq, %get3A_2, %gather3A_703 : vector<16xf32>
    %lt3A_706 = arith.constant 7 : i32
    %lt3A_707 = vector.broadcast %lt3A_706 : i32 to vector<16xi32>
    %lt3A_708 = arith.cmpi slt, %iota3A, %lt3A_707 : vector<16xi32>
    %and3A_709 = arith.andi %eq3A_705, %lt3A_708 : vector<16xi1>
    %or3A_710 = arith.ori %gt3A_704, %and3A_709 : vector<16xi1>
    %gt3A_711 = arith.cmpf ogt, %select_n3A, %gather3A_703 : vector<16xf32>
    %eq3A_712 = arith.cmpf oeq, %select_n3A, %gather3A_703 : vector<16xf32>
    %add3A_713 = arith.constant 16 : i32
    %add3A_714 = vector.broadcast %add3A_713 : i32 to vector<16xi32>
    %add3A_715 = arith.addi %iota3A, %add3A_714 : vector<16xi32>
    %lt3A_716 = arith.constant 7 : i32
    %lt3A_717 = vector.broadcast %lt3A_716 : i32 to vector<16xi32>
    %lt3A_718 = arith.cmpi slt, %add3A_715, %lt3A_717 : vector<16xi32>
    %and3A_719 = arith.andi %eq3A_712, %lt3A_718 : vector<16xi1>
    %or3A_720 = arith.ori %gt3A_711, %and3A_719 : vector<16xi1>
    %select_n3A_721 = arith.select %or3A_710, %broadcast_in_dim3A_16, %broadcast_in_dim3A_18 : vector<16xi1>, vector<16xi32>
    %select_n3A_722 = arith.select %or3A_720, %broadcast_in_dim3A_16, %broadcast_in_dim3A_18 : vector<16xi1>, vector<16xi32>
    %add3A_723 = arith.addi %select_n3A_721, %select_n3A_722 : vector<16xi32>
    %xor3A_724 = arith.constant 1 : i32
    %xor3A_725 = vector.broadcast %xor3A_724 : i32 to vector<16xi32>
    %xor3A_726 = arith.xori %iota3A, %xor3A_725 : vector<16xi32>
    %lt3A_727 = arith.constant 0 : i32
    %lt3A_728 = vector.broadcast %lt3A_727 : i32 to vector<16xi32>
    %lt3A_729 = arith.cmpi slt, %xor3A_726, %lt3A_728 : vector<16xi32>
    %add3A_730 = arith.constant 16 : i32
    %add3A_731 = vector.broadcast %add3A_730 : i32 to vector<16xi32>
    %add3A_732 = arith.addi %xor3A_726, %add3A_731 : vector<16xi32>
    %select_n3A_733 = arith.select %lt3A_729, %add3A_732, %xor3A_726 : vector<16xi1>, vector<16xi32>
    %broadcast_in_dim3A_734 = vector.shape_cast %select_n3A_733 : vector<16xi32> to vector<16x1xi32>
    %gather3A_735 = vector.shape_cast %broadcast_in_dim3A_734 : vector<16x1xi32> to vector<16xi32>
    %gather3A_736 = tpu.dynamic_gather %add3A_723[%gather3A_735] in [0] : vector<16xi32>, vector<16xi32> -> vector<16xi32>
    %add3A_737 = arith.addi %add3A_723, %gather3A_736 : vector<16xi32>
    %xor3A_738 = arith.constant 2 : i32
    %xor3A_739 = vector.broadcast %xor3A_738 : i32 to vector<16xi32>
    %xor3A_740 = arith.xori %iota3A, %xor3A_739 : vector<16xi32>
    %lt3A_741 = arith.constant 0 : i32
    %lt3A_742 = vector.broadcast %lt3A_741 : i32 to vector<16xi32>
    %lt3A_743 = arith.cmpi slt, %xor3A_740, %lt3A_742 : vector<16xi32>
    %add3A_744 = arith.constant 16 : i32
    %add3A_745 = vector.broadcast %add3A_744 : i32 to vector<16xi32>
    %add3A_746 = arith.addi %xor3A_740, %add3A_745 : vector<16xi32>
    %select_n3A_747 = arith.select %lt3A_743, %add3A_746, %xor3A_740 : vector<16xi1>, vector<16xi32>
    %broadcast_in_dim3A_748 = vector.shape_cast %select_n3A_747 : vector<16xi32> to vector<16x1xi32>
    %gather3A_749 = vector.shape_cast %broadcast_in_dim3A_748 : vector<16x1xi32> to vector<16xi32>
    %gather3A_750 = tpu.dynamic_gather %add3A_737[%gather3A_749] in [0] : vector<16xi32>, vector<16xi32> -> vector<16xi32>
    %add3A_751 = arith.addi %add3A_737, %gather3A_750 : vector<16xi32>
    %xor3A_752 = arith.constant 4 : i32
    %xor3A_753 = vector.broadcast %xor3A_752 : i32 to vector<16xi32>
    %xor3A_754 = arith.xori %iota3A, %xor3A_753 : vector<16xi32>
    %lt3A_755 = arith.constant 0 : i32
    %lt3A_756 = vector.broadcast %lt3A_755 : i32 to vector<16xi32>
    %lt3A_757 = arith.cmpi slt, %xor3A_754, %lt3A_756 : vector<16xi32>
    %add3A_758 = arith.constant 16 : i32
    %add3A_759 = vector.broadcast %add3A_758 : i32 to vector<16xi32>
    %add3A_760 = arith.addi %xor3A_754, %add3A_759 : vector<16xi32>
    %select_n3A_761 = arith.select %lt3A_757, %add3A_760, %xor3A_754 : vector<16xi1>, vector<16xi32>
    %broadcast_in_dim3A_762 = vector.shape_cast %select_n3A_761 : vector<16xi32> to vector<16x1xi32>
    %gather3A_763 = vector.shape_cast %broadcast_in_dim3A_762 : vector<16x1xi32> to vector<16xi32>
    %gather3A_764 = tpu.dynamic_gather %add3A_751[%gather3A_763] in [0] : vector<16xi32>, vector<16xi32> -> vector<16xi32>
    %add3A_765 = arith.addi %add3A_751, %gather3A_764 : vector<16xi32>
    %xor3A_766 = arith.constant 8 : i32
    %xor3A_767 = vector.broadcast %xor3A_766 : i32 to vector<16xi32>
    %xor3A_768 = arith.xori %iota3A, %xor3A_767 : vector<16xi32>
    %lt3A_769 = arith.constant 0 : i32
    %lt3A_770 = vector.broadcast %lt3A_769 : i32 to vector<16xi32>
    %lt3A_771 = arith.cmpi slt, %xor3A_768, %lt3A_770 : vector<16xi32>
    %add3A_772 = arith.constant 16 : i32
    %add3A_773 = vector.broadcast %add3A_772 : i32 to vector<16xi32>
    %add3A_774 = arith.addi %xor3A_768, %add3A_773 : vector<16xi32>
    %select_n3A_775 = arith.select %lt3A_771, %add3A_774, %xor3A_768 : vector<16xi1>, vector<16xi32>
    %broadcast_in_dim3A_776 = vector.shape_cast %select_n3A_775 : vector<16xi32> to vector<16x1xi32>
    %gather3A_777 = vector.shape_cast %broadcast_in_dim3A_776 : vector<16x1xi32> to vector<16xi32>
    %gather3A_778 = tpu.dynamic_gather %add3A_765[%gather3A_777] in [0] : vector<16xi32>, vector<16xi32> -> vector<16xi32>
    %add3A_779 = arith.addi %add3A_765, %gather3A_778 : vector<16xi32>
    %lt3A_780 = arith.constant 8 : i32
    %lt3A_781 = vector.broadcast %lt3A_780 : i32 to vector<16xi32>
    %lt3A_782 = arith.cmpi slt, %add3A_779, %lt3A_781 : vector<16xi32>
    %select_n3A_783 = arith.select %lt3A_782, %broadcast_in_dim3A_12, %broadcast_in_dim3A_14 : vector<16xi1>, vector<16xf32>
    %eq3A_784 = arith.constant 7 : i32
    %eq3A_785 = vector.broadcast %eq3A_784 : i32 to vector<16xi32>
    %eq3A_786 = arith.cmpi eq, %iota3A, %eq3A_785 : vector<16xi32>
    %select_n3A_787 = arith.select %eq3A_786, %select_n3A_783, %select_n3A_690 : vector<16xi1>, vector<16xf32>
    %add3A_788 = arith.constant 8 : i32
    %add3A_789 = vector.broadcast %add3A_788 : i32 to vector<16xi32>
    %add3A_790 = arith.addi %sub3A, %add3A_789 : vector<16xi32>
    %lt3A_791 = arith.constant 0 : i32
    %lt3A_792 = vector.broadcast %lt3A_791 : i32 to vector<16xi32>
    %lt3A_793 = arith.cmpi slt, %add3A_790, %lt3A_792 : vector<16xi32>
    %add3A_794 = arith.constant 16 : i32
    %add3A_795 = vector.broadcast %add3A_794 : i32 to vector<16xi32>
    %add3A_796 = arith.addi %add3A_790, %add3A_795 : vector<16xi32>
    %select_n3A_797 = arith.select %lt3A_793, %add3A_796, %add3A_790 : vector<16xi1>, vector<16xi32>
    %broadcast_in_dim3A_798 = vector.shape_cast %select_n3A_797 : vector<16xi32> to vector<16x1xi32>
    %gather3A_799 = vector.shape_cast %broadcast_in_dim3A_798 : vector<16x1xi32> to vector<16xi32>
    %gather3A_800 = tpu.dynamic_gather %get3A_2[%gather3A_799] in [0] : vector<16xf32>, vector<16xi32> -> vector<16xf32>
    %gt3A_801 = arith.cmpf ogt, %get3A_2, %gather3A_800 : vector<16xf32>
    %eq3A_802 = arith.cmpf oeq, %get3A_2, %gather3A_800 : vector<16xf32>
    %lt3A_803 = arith.constant 8 : i32
    %lt3A_804 = vector.broadcast %lt3A_803 : i32 to vector<16xi32>
    %lt3A_805 = arith.cmpi slt, %iota3A, %lt3A_804 : vector<16xi32>
    %and3A_806 = arith.andi %eq3A_802, %lt3A_805 : vector<16xi1>
    %or3A_807 = arith.ori %gt3A_801, %and3A_806 : vector<16xi1>
    %gt3A_808 = arith.cmpf ogt, %select_n3A, %gather3A_800 : vector<16xf32>
    %eq3A_809 = arith.cmpf oeq, %select_n3A, %gather3A_800 : vector<16xf32>
    %add3A_810 = arith.constant 16 : i32
    %add3A_811 = vector.broadcast %add3A_810 : i32 to vector<16xi32>
    %add3A_812 = arith.addi %iota3A, %add3A_811 : vector<16xi32>
    %lt3A_813 = arith.constant 8 : i32
    %lt3A_814 = vector.broadcast %lt3A_813 : i32 to vector<16xi32>
    %lt3A_815 = arith.cmpi slt, %add3A_812, %lt3A_814 : vector<16xi32>
    %and3A_816 = arith.andi %eq3A_809, %lt3A_815 : vector<16xi1>
    %or3A_817 = arith.ori %gt3A_808, %and3A_816 : vector<16xi1>
    %select_n3A_818 = arith.select %or3A_807, %broadcast_in_dim3A_16, %broadcast_in_dim3A_18 : vector<16xi1>, vector<16xi32>
    %select_n3A_819 = arith.select %or3A_817, %broadcast_in_dim3A_16, %broadcast_in_dim3A_18 : vector<16xi1>, vector<16xi32>
    %add3A_820 = arith.addi %select_n3A_818, %select_n3A_819 : vector<16xi32>
    %xor3A_821 = arith.constant 1 : i32
    %xor3A_822 = vector.broadcast %xor3A_821 : i32 to vector<16xi32>
    %xor3A_823 = arith.xori %iota3A, %xor3A_822 : vector<16xi32>
    %lt3A_824 = arith.constant 0 : i32
    %lt3A_825 = vector.broadcast %lt3A_824 : i32 to vector<16xi32>
    %lt3A_826 = arith.cmpi slt, %xor3A_823, %lt3A_825 : vector<16xi32>
    %add3A_827 = arith.constant 16 : i32
    %add3A_828 = vector.broadcast %add3A_827 : i32 to vector<16xi32>
    %add3A_829 = arith.addi %xor3A_823, %add3A_828 : vector<16xi32>
    %select_n3A_830 = arith.select %lt3A_826, %add3A_829, %xor3A_823 : vector<16xi1>, vector<16xi32>
    %broadcast_in_dim3A_831 = vector.shape_cast %select_n3A_830 : vector<16xi32> to vector<16x1xi32>
    %gather3A_832 = vector.shape_cast %broadcast_in_dim3A_831 : vector<16x1xi32> to vector<16xi32>
    %gather3A_833 = tpu.dynamic_gather %add3A_820[%gather3A_832] in [0] : vector<16xi32>, vector<16xi32> -> vector<16xi32>
    %add3A_834 = arith.addi %add3A_820, %gather3A_833 : vector<16xi32>
    %xor3A_835 = arith.constant 2 : i32
    %xor3A_836 = vector.broadcast %xor3A_835 : i32 to vector<16xi32>
    %xor3A_837 = arith.xori %iota3A, %xor3A_836 : vector<16xi32>
    %lt3A_838 = arith.constant 0 : i32
    %lt3A_839 = vector.broadcast %lt3A_838 : i32 to vector<16xi32>
    %lt3A_840 = arith.cmpi slt, %xor3A_837, %lt3A_839 : vector<16xi32>
    %add3A_841 = arith.constant 16 : i32
    %add3A_842 = vector.broadcast %add3A_841 : i32 to vector<16xi32>
    %add3A_843 = arith.addi %xor3A_837, %add3A_842 : vector<16xi32>
    %select_n3A_844 = arith.select %lt3A_840, %add3A_843, %xor3A_837 : vector<16xi1>, vector<16xi32>
    %broadcast_in_dim3A_845 = vector.shape_cast %select_n3A_844 : vector<16xi32> to vector<16x1xi32>
    %gather3A_846 = vector.shape_cast %broadcast_in_dim3A_845 : vector<16x1xi32> to vector<16xi32>
    %gather3A_847 = tpu.dynamic_gather %add3A_834[%gather3A_846] in [0] : vector<16xi32>, vector<16xi32> -> vector<16xi32>
    %add3A_848 = arith.addi %add3A_834, %gather3A_847 : vector<16xi32>
    %xor3A_849 = arith.constant 4 : i32
    %xor3A_850 = vector.broadcast %xor3A_849 : i32 to vector<16xi32>
    %xor3A_851 = arith.xori %iota3A, %xor3A_850 : vector<16xi32>
    %lt3A_852 = arith.constant 0 : i32
    %lt3A_853 = vector.broadcast %lt3A_852 : i32 to vector<16xi32>
    %lt3A_854 = arith.cmpi slt, %xor3A_851, %lt3A_853 : vector<16xi32>
    %add3A_855 = arith.constant 16 : i32
    %add3A_856 = vector.broadcast %add3A_855 : i32 to vector<16xi32>
    %add3A_857 = arith.addi %xor3A_851, %add3A_856 : vector<16xi32>
    %select_n3A_858 = arith.select %lt3A_854, %add3A_857, %xor3A_851 : vector<16xi1>, vector<16xi32>
    %broadcast_in_dim3A_859 = vector.shape_cast %select_n3A_858 : vector<16xi32> to vector<16x1xi32>
    %gather3A_860 = vector.shape_cast %broadcast_in_dim3A_859 : vector<16x1xi32> to vector<16xi32>
    %gather3A_861 = tpu.dynamic_gather %add3A_848[%gather3A_860] in [0] : vector<16xi32>, vector<16xi32> -> vector<16xi32>
    %add3A_862 = arith.addi %add3A_848, %gather3A_861 : vector<16xi32>
    %xor3A_863 = arith.constant 8 : i32
    %xor3A_864 = vector.broadcast %xor3A_863 : i32 to vector<16xi32>
    %xor3A_865 = arith.xori %iota3A, %xor3A_864 : vector<16xi32>
    %lt3A_866 = arith.constant 0 : i32
    %lt3A_867 = vector.broadcast %lt3A_866 : i32 to vector<16xi32>
    %lt3A_868 = arith.cmpi slt, %xor3A_865, %lt3A_867 : vector<16xi32>
    %add3A_869 = arith.constant 16 : i32
    %add3A_870 = vector.broadcast %add3A_869 : i32 to vector<16xi32>
    %add3A_871 = arith.addi %xor3A_865, %add3A_870 : vector<16xi32>
    %select_n3A_872 = arith.select %lt3A_868, %add3A_871, %xor3A_865 : vector<16xi1>, vector<16xi32>
    %broadcast_in_dim3A_873 = vector.shape_cast %select_n3A_872 : vector<16xi32> to vector<16x1xi32>
    %gather3A_874 = vector.shape_cast %broadcast_in_dim3A_873 : vector<16x1xi32> to vector<16xi32>
    %gather3A_875 = tpu.dynamic_gather %add3A_862[%gather3A_874] in [0] : vector<16xi32>, vector<16xi32> -> vector<16xi32>
    %add3A_876 = arith.addi %add3A_862, %gather3A_875 : vector<16xi32>
    %lt3A_877 = arith.constant 8 : i32
    %lt3A_878 = vector.broadcast %lt3A_877 : i32 to vector<16xi32>
    %lt3A_879 = arith.cmpi slt, %add3A_876, %lt3A_878 : vector<16xi32>
    %select_n3A_880 = arith.select %lt3A_879, %broadcast_in_dim3A_12, %broadcast_in_dim3A_14 : vector<16xi1>, vector<16xf32>
    %eq3A_881 = arith.constant 8 : i32
    %eq3A_882 = vector.broadcast %eq3A_881 : i32 to vector<16xi32>
    %eq3A_883 = arith.cmpi eq, %iota3A, %eq3A_882 : vector<16xi32>
    %select_n3A_884 = arith.select %eq3A_883, %select_n3A_880, %select_n3A_787 : vector<16xi1>, vector<16xf32>
    %add3A_885 = arith.constant 9 : i32
    %add3A_886 = vector.broadcast %add3A_885 : i32 to vector<16xi32>
    %add3A_887 = arith.addi %sub3A, %add3A_886 : vector<16xi32>
    %lt3A_888 = arith.constant 0 : i32
    %lt3A_889 = vector.broadcast %lt3A_888 : i32 to vector<16xi32>
    %lt3A_890 = arith.cmpi slt, %add3A_887, %lt3A_889 : vector<16xi32>
    %add3A_891 = arith.constant 16 : i32
    %add3A_892 = vector.broadcast %add3A_891 : i32 to vector<16xi32>
    %add3A_893 = arith.addi %add3A_887, %add3A_892 : vector<16xi32>
    %select_n3A_894 = arith.select %lt3A_890, %add3A_893, %add3A_887 : vector<16xi1>, vector<16xi32>
    %broadcast_in_dim3A_895 = vector.shape_cast %select_n3A_894 : vector<16xi32> to vector<16x1xi32>
    %gather3A_896 = vector.shape_cast %broadcast_in_dim3A_895 : vector<16x1xi32> to vector<16xi32>
    %gather3A_897 = tpu.dynamic_gather %get3A_2[%gather3A_896] in [0] : vector<16xf32>, vector<16xi32> -> vector<16xf32>
    %gt3A_898 = arith.cmpf ogt, %get3A_2, %gather3A_897 : vector<16xf32>
    %eq3A_899 = arith.cmpf oeq, %get3A_2, %gather3A_897 : vector<16xf32>
    %lt3A_900 = arith.constant 9 : i32
    %lt3A_901 = vector.broadcast %lt3A_900 : i32 to vector<16xi32>
    %lt3A_902 = arith.cmpi slt, %iota3A, %lt3A_901 : vector<16xi32>
    %and3A_903 = arith.andi %eq3A_899, %lt3A_902 : vector<16xi1>
    %or3A_904 = arith.ori %gt3A_898, %and3A_903 : vector<16xi1>
    %gt3A_905 = arith.cmpf ogt, %select_n3A, %gather3A_897 : vector<16xf32>
    %eq3A_906 = arith.cmpf oeq, %select_n3A, %gather3A_897 : vector<16xf32>
    %add3A_907 = arith.constant 16 : i32
    %add3A_908 = vector.broadcast %add3A_907 : i32 to vector<16xi32>
    %add3A_909 = arith.addi %iota3A, %add3A_908 : vector<16xi32>
    %lt3A_910 = arith.constant 9 : i32
    %lt3A_911 = vector.broadcast %lt3A_910 : i32 to vector<16xi32>
    %lt3A_912 = arith.cmpi slt, %add3A_909, %lt3A_911 : vector<16xi32>
    %and3A_913 = arith.andi %eq3A_906, %lt3A_912 : vector<16xi1>
    %or3A_914 = arith.ori %gt3A_905, %and3A_913 : vector<16xi1>
    %select_n3A_915 = arith.select %or3A_904, %broadcast_in_dim3A_16, %broadcast_in_dim3A_18 : vector<16xi1>, vector<16xi32>
    %select_n3A_916 = arith.select %or3A_914, %broadcast_in_dim3A_16, %broadcast_in_dim3A_18 : vector<16xi1>, vector<16xi32>
    %add3A_917 = arith.addi %select_n3A_915, %select_n3A_916 : vector<16xi32>
    %xor3A_918 = arith.constant 1 : i32
    %xor3A_919 = vector.broadcast %xor3A_918 : i32 to vector<16xi32>
    %xor3A_920 = arith.xori %iota3A, %xor3A_919 : vector<16xi32>
    %lt3A_921 = arith.constant 0 : i32
    %lt3A_922 = vector.broadcast %lt3A_921 : i32 to vector<16xi32>
    %lt3A_923 = arith.cmpi slt, %xor3A_920, %lt3A_922 : vector<16xi32>
    %add3A_924 = arith.constant 16 : i32
    %add3A_925 = vector.broadcast %add3A_924 : i32 to vector<16xi32>
    %add3A_926 = arith.addi %xor3A_920, %add3A_925 : vector<16xi32>
    %select_n3A_927 = arith.select %lt3A_923, %add3A_926, %xor3A_920 : vector<16xi1>, vector<16xi32>
    %broadcast_in_dim3A_928 = vector.shape_cast %select_n3A_927 : vector<16xi32> to vector<16x1xi32>
    %gather3A_929 = vector.shape_cast %broadcast_in_dim3A_928 : vector<16x1xi32> to vector<16xi32>
    %gather3A_930 = tpu.dynamic_gather %add3A_917[%gather3A_929] in [0] : vector<16xi32>, vector<16xi32> -> vector<16xi32>
    %add3A_931 = arith.addi %add3A_917, %gather3A_930 : vector<16xi32>
    %xor3A_932 = arith.constant 2 : i32
    %xor3A_933 = vector.broadcast %xor3A_932 : i32 to vector<16xi32>
    %xor3A_934 = arith.xori %iota3A, %xor3A_933 : vector<16xi32>
    %lt3A_935 = arith.constant 0 : i32
    %lt3A_936 = vector.broadcast %lt3A_935 : i32 to vector<16xi32>
    %lt3A_937 = arith.cmpi slt, %xor3A_934, %lt3A_936 : vector<16xi32>
    %add3A_938 = arith.constant 16 : i32
    %add3A_939 = vector.broadcast %add3A_938 : i32 to vector<16xi32>
    %add3A_940 = arith.addi %xor3A_934, %add3A_939 : vector<16xi32>
    %select_n3A_941 = arith.select %lt3A_937, %add3A_940, %xor3A_934 : vector<16xi1>, vector<16xi32>
    %broadcast_in_dim3A_942 = vector.shape_cast %select_n3A_941 : vector<16xi32> to vector<16x1xi32>
    %gather3A_943 = vector.shape_cast %broadcast_in_dim3A_942 : vector<16x1xi32> to vector<16xi32>
    %gather3A_944 = tpu.dynamic_gather %add3A_931[%gather3A_943] in [0] : vector<16xi32>, vector<16xi32> -> vector<16xi32>
    %add3A_945 = arith.addi %add3A_931, %gather3A_944 : vector<16xi32>
    %xor3A_946 = arith.constant 4 : i32
    %xor3A_947 = vector.broadcast %xor3A_946 : i32 to vector<16xi32>
    %xor3A_948 = arith.xori %iota3A, %xor3A_947 : vector<16xi32>
    %lt3A_949 = arith.constant 0 : i32
    %lt3A_950 = vector.broadcast %lt3A_949 : i32 to vector<16xi32>
    %lt3A_951 = arith.cmpi slt, %xor3A_948, %lt3A_950 : vector<16xi32>
    %add3A_952 = arith.constant 16 : i32
    %add3A_953 = vector.broadcast %add3A_952 : i32 to vector<16xi32>
    %add3A_954 = arith.addi %xor3A_948, %add3A_953 : vector<16xi32>
    %select_n3A_955 = arith.select %lt3A_951, %add3A_954, %xor3A_948 : vector<16xi1>, vector<16xi32>
    %broadcast_in_dim3A_956 = vector.shape_cast %select_n3A_955 : vector<16xi32> to vector<16x1xi32>
    %gather3A_957 = vector.shape_cast %broadcast_in_dim3A_956 : vector<16x1xi32> to vector<16xi32>
    %gather3A_958 = tpu.dynamic_gather %add3A_945[%gather3A_957] in [0] : vector<16xi32>, vector<16xi32> -> vector<16xi32>
    %add3A_959 = arith.addi %add3A_945, %gather3A_958 : vector<16xi32>
    %xor3A_960 = arith.constant 8 : i32
    %xor3A_961 = vector.broadcast %xor3A_960 : i32 to vector<16xi32>
    %xor3A_962 = arith.xori %iota3A, %xor3A_961 : vector<16xi32>
    %lt3A_963 = arith.constant 0 : i32
    %lt3A_964 = vector.broadcast %lt3A_963 : i32 to vector<16xi32>
    %lt3A_965 = arith.cmpi slt, %xor3A_962, %lt3A_964 : vector<16xi32>
    %add3A_966 = arith.constant 16 : i32
    %add3A_967 = vector.broadcast %add3A_966 : i32 to vector<16xi32>
    %add3A_968 = arith.addi %xor3A_962, %add3A_967 : vector<16xi32>
    %select_n3A_969 = arith.select %lt3A_965, %add3A_968, %xor3A_962 : vector<16xi1>, vector<16xi32>
    %broadcast_in_dim3A_970 = vector.shape_cast %select_n3A_969 : vector<16xi32> to vector<16x1xi32>
    %gather3A_971 = vector.shape_cast %broadcast_in_dim3A_970 : vector<16x1xi32> to vector<16xi32>
    %gather3A_972 = tpu.dynamic_gather %add3A_959[%gather3A_971] in [0] : vector<16xi32>, vector<16xi32> -> vector<16xi32>
    %add3A_973 = arith.addi %add3A_959, %gather3A_972 : vector<16xi32>
    %lt3A_974 = arith.constant 8 : i32
    %lt3A_975 = vector.broadcast %lt3A_974 : i32 to vector<16xi32>
    %lt3A_976 = arith.cmpi slt, %add3A_973, %lt3A_975 : vector<16xi32>
    %select_n3A_977 = arith.select %lt3A_976, %broadcast_in_dim3A_12, %broadcast_in_dim3A_14 : vector<16xi1>, vector<16xf32>
    %eq3A_978 = arith.constant 9 : i32
    %eq3A_979 = vector.broadcast %eq3A_978 : i32 to vector<16xi32>
    %eq3A_980 = arith.cmpi eq, %iota3A, %eq3A_979 : vector<16xi32>
    %select_n3A_981 = arith.select %eq3A_980, %select_n3A_977, %select_n3A_884 : vector<16xi1>, vector<16xf32>
    %add3A_982 = arith.constant 10 : i32
    %add3A_983 = vector.broadcast %add3A_982 : i32 to vector<16xi32>
    %add3A_984 = arith.addi %sub3A, %add3A_983 : vector<16xi32>
    %lt3A_985 = arith.constant 0 : i32
    %lt3A_986 = vector.broadcast %lt3A_985 : i32 to vector<16xi32>
    %lt3A_987 = arith.cmpi slt, %add3A_984, %lt3A_986 : vector<16xi32>
    %add3A_988 = arith.constant 16 : i32
    %add3A_989 = vector.broadcast %add3A_988 : i32 to vector<16xi32>
    %add3A_990 = arith.addi %add3A_984, %add3A_989 : vector<16xi32>
    %select_n3A_991 = arith.select %lt3A_987, %add3A_990, %add3A_984 : vector<16xi1>, vector<16xi32>
    %broadcast_in_dim3A_992 = vector.shape_cast %select_n3A_991 : vector<16xi32> to vector<16x1xi32>
    %gather3A_993 = vector.shape_cast %broadcast_in_dim3A_992 : vector<16x1xi32> to vector<16xi32>
    %gather3A_994 = tpu.dynamic_gather %get3A_2[%gather3A_993] in [0] : vector<16xf32>, vector<16xi32> -> vector<16xf32>
    %gt3A_995 = arith.cmpf ogt, %get3A_2, %gather3A_994 : vector<16xf32>
    %eq3A_996 = arith.cmpf oeq, %get3A_2, %gather3A_994 : vector<16xf32>
    %lt3A_997 = arith.constant 10 : i32
    %lt3A_998 = vector.broadcast %lt3A_997 : i32 to vector<16xi32>
    %lt3A_999 = arith.cmpi slt, %iota3A, %lt3A_998 : vector<16xi32>
    %and3A_1000 = arith.andi %eq3A_996, %lt3A_999 : vector<16xi1>
    %or3A_1001 = arith.ori %gt3A_995, %and3A_1000 : vector<16xi1>
    %gt3A_1002 = arith.cmpf ogt, %select_n3A, %gather3A_994 : vector<16xf32>
    %eq3A_1003 = arith.cmpf oeq, %select_n3A, %gather3A_994 : vector<16xf32>
    %add3A_1004 = arith.constant 16 : i32
    %add3A_1005 = vector.broadcast %add3A_1004 : i32 to vector<16xi32>
    %add3A_1006 = arith.addi %iota3A, %add3A_1005 : vector<16xi32>
    %lt3A_1007 = arith.constant 10 : i32
    %lt3A_1008 = vector.broadcast %lt3A_1007 : i32 to vector<16xi32>
    %lt3A_1009 = arith.cmpi slt, %add3A_1006, %lt3A_1008 : vector<16xi32>
    %and3A_1010 = arith.andi %eq3A_1003, %lt3A_1009 : vector<16xi1>
    %or3A_1011 = arith.ori %gt3A_1002, %and3A_1010 : vector<16xi1>
    %select_n3A_1012 = arith.select %or3A_1001, %broadcast_in_dim3A_16, %broadcast_in_dim3A_18 : vector<16xi1>, vector<16xi32>
    %select_n3A_1013 = arith.select %or3A_1011, %broadcast_in_dim3A_16, %broadcast_in_dim3A_18 : vector<16xi1>, vector<16xi32>
    %add3A_1014 = arith.addi %select_n3A_1012, %select_n3A_1013 : vector<16xi32>
    %xor3A_1015 = arith.constant 1 : i32
    %xor3A_1016 = vector.broadcast %xor3A_1015 : i32 to vector<16xi32>
    %xor3A_1017 = arith.xori %iota3A, %xor3A_1016 : vector<16xi32>
    %lt3A_1018 = arith.constant 0 : i32
    %lt3A_1019 = vector.broadcast %lt3A_1018 : i32 to vector<16xi32>
    %lt3A_1020 = arith.cmpi slt, %xor3A_1017, %lt3A_1019 : vector<16xi32>
    %add3A_1021 = arith.constant 16 : i32
    %add3A_1022 = vector.broadcast %add3A_1021 : i32 to vector<16xi32>
    %add3A_1023 = arith.addi %xor3A_1017, %add3A_1022 : vector<16xi32>
    %select_n3A_1024 = arith.select %lt3A_1020, %add3A_1023, %xor3A_1017 : vector<16xi1>, vector<16xi32>
    %broadcast_in_dim3A_1025 = vector.shape_cast %select_n3A_1024 : vector<16xi32> to vector<16x1xi32>
    %gather3A_1026 = vector.shape_cast %broadcast_in_dim3A_1025 : vector<16x1xi32> to vector<16xi32>
    %gather3A_1027 = tpu.dynamic_gather %add3A_1014[%gather3A_1026] in [0] : vector<16xi32>, vector<16xi32> -> vector<16xi32>
    %add3A_1028 = arith.addi %add3A_1014, %gather3A_1027 : vector<16xi32>
    %xor3A_1029 = arith.constant 2 : i32
    %xor3A_1030 = vector.broadcast %xor3A_1029 : i32 to vector<16xi32>
    %xor3A_1031 = arith.xori %iota3A, %xor3A_1030 : vector<16xi32>
    %lt3A_1032 = arith.constant 0 : i32
    %lt3A_1033 = vector.broadcast %lt3A_1032 : i32 to vector<16xi32>
    %lt3A_1034 = arith.cmpi slt, %xor3A_1031, %lt3A_1033 : vector<16xi32>
    %add3A_1035 = arith.constant 16 : i32
    %add3A_1036 = vector.broadcast %add3A_1035 : i32 to vector<16xi32>
    %add3A_1037 = arith.addi %xor3A_1031, %add3A_1036 : vector<16xi32>
    %select_n3A_1038 = arith.select %lt3A_1034, %add3A_1037, %xor3A_1031 : vector<16xi1>, vector<16xi32>
    %broadcast_in_dim3A_1039 = vector.shape_cast %select_n3A_1038 : vector<16xi32> to vector<16x1xi32>
    %gather3A_1040 = vector.shape_cast %broadcast_in_dim3A_1039 : vector<16x1xi32> to vector<16xi32>
    %gather3A_1041 = tpu.dynamic_gather %add3A_1028[%gather3A_1040] in [0] : vector<16xi32>, vector<16xi32> -> vector<16xi32>
    %add3A_1042 = arith.addi %add3A_1028, %gather3A_1041 : vector<16xi32>
    %xor3A_1043 = arith.constant 4 : i32
    %xor3A_1044 = vector.broadcast %xor3A_1043 : i32 to vector<16xi32>
    %xor3A_1045 = arith.xori %iota3A, %xor3A_1044 : vector<16xi32>
    %lt3A_1046 = arith.constant 0 : i32
    %lt3A_1047 = vector.broadcast %lt3A_1046 : i32 to vector<16xi32>
    %lt3A_1048 = arith.cmpi slt, %xor3A_1045, %lt3A_1047 : vector<16xi32>
    %add3A_1049 = arith.constant 16 : i32
    %add3A_1050 = vector.broadcast %add3A_1049 : i32 to vector<16xi32>
    %add3A_1051 = arith.addi %xor3A_1045, %add3A_1050 : vector<16xi32>
    %select_n3A_1052 = arith.select %lt3A_1048, %add3A_1051, %xor3A_1045 : vector<16xi1>, vector<16xi32>
    %broadcast_in_dim3A_1053 = vector.shape_cast %select_n3A_1052 : vector<16xi32> to vector<16x1xi32>
    %gather3A_1054 = vector.shape_cast %broadcast_in_dim3A_1053 : vector<16x1xi32> to vector<16xi32>
    %gather3A_1055 = tpu.dynamic_gather %add3A_1042[%gather3A_1054] in [0] : vector<16xi32>, vector<16xi32> -> vector<16xi32>
    %add3A_1056 = arith.addi %add3A_1042, %gather3A_1055 : vector<16xi32>
    %xor3A_1057 = arith.constant 8 : i32
    %xor3A_1058 = vector.broadcast %xor3A_1057 : i32 to vector<16xi32>
    %xor3A_1059 = arith.xori %iota3A, %xor3A_1058 : vector<16xi32>
    %lt3A_1060 = arith.constant 0 : i32
    %lt3A_1061 = vector.broadcast %lt3A_1060 : i32 to vector<16xi32>
    %lt3A_1062 = arith.cmpi slt, %xor3A_1059, %lt3A_1061 : vector<16xi32>
    %add3A_1063 = arith.constant 16 : i32
    %add3A_1064 = vector.broadcast %add3A_1063 : i32 to vector<16xi32>
    %add3A_1065 = arith.addi %xor3A_1059, %add3A_1064 : vector<16xi32>
    %select_n3A_1066 = arith.select %lt3A_1062, %add3A_1065, %xor3A_1059 : vector<16xi1>, vector<16xi32>
    %broadcast_in_dim3A_1067 = vector.shape_cast %select_n3A_1066 : vector<16xi32> to vector<16x1xi32>
    %gather3A_1068 = vector.shape_cast %broadcast_in_dim3A_1067 : vector<16x1xi32> to vector<16xi32>
    %gather3A_1069 = tpu.dynamic_gather %add3A_1056[%gather3A_1068] in [0] : vector<16xi32>, vector<16xi32> -> vector<16xi32>
    %add3A_1070 = arith.addi %add3A_1056, %gather3A_1069 : vector<16xi32>
    %lt3A_1071 = arith.constant 8 : i32
    %lt3A_1072 = vector.broadcast %lt3A_1071 : i32 to vector<16xi32>
    %lt3A_1073 = arith.cmpi slt, %add3A_1070, %lt3A_1072 : vector<16xi32>
    %select_n3A_1074 = arith.select %lt3A_1073, %broadcast_in_dim3A_12, %broadcast_in_dim3A_14 : vector<16xi1>, vector<16xf32>
    %eq3A_1075 = arith.constant 10 : i32
    %eq3A_1076 = vector.broadcast %eq3A_1075 : i32 to vector<16xi32>
    %eq3A_1077 = arith.cmpi eq, %iota3A, %eq3A_1076 : vector<16xi32>
    %select_n3A_1078 = arith.select %eq3A_1077, %select_n3A_1074, %select_n3A_981 : vector<16xi1>, vector<16xf32>
    %add3A_1079 = arith.constant 11 : i32
    %add3A_1080 = vector.broadcast %add3A_1079 : i32 to vector<16xi32>
    %add3A_1081 = arith.addi %sub3A, %add3A_1080 : vector<16xi32>
    %lt3A_1082 = arith.constant 0 : i32
    %lt3A_1083 = vector.broadcast %lt3A_1082 : i32 to vector<16xi32>
    %lt3A_1084 = arith.cmpi slt, %add3A_1081, %lt3A_1083 : vector<16xi32>
    %add3A_1085 = arith.constant 16 : i32
    %add3A_1086 = vector.broadcast %add3A_1085 : i32 to vector<16xi32>
    %add3A_1087 = arith.addi %add3A_1081, %add3A_1086 : vector<16xi32>
    %select_n3A_1088 = arith.select %lt3A_1084, %add3A_1087, %add3A_1081 : vector<16xi1>, vector<16xi32>
    %broadcast_in_dim3A_1089 = vector.shape_cast %select_n3A_1088 : vector<16xi32> to vector<16x1xi32>
    %gather3A_1090 = vector.shape_cast %broadcast_in_dim3A_1089 : vector<16x1xi32> to vector<16xi32>
    %gather3A_1091 = tpu.dynamic_gather %get3A_2[%gather3A_1090] in [0] : vector<16xf32>, vector<16xi32> -> vector<16xf32>
    %gt3A_1092 = arith.cmpf ogt, %get3A_2, %gather3A_1091 : vector<16xf32>
    %eq3A_1093 = arith.cmpf oeq, %get3A_2, %gather3A_1091 : vector<16xf32>
    %lt3A_1094 = arith.constant 11 : i32
    %lt3A_1095 = vector.broadcast %lt3A_1094 : i32 to vector<16xi32>
    %lt3A_1096 = arith.cmpi slt, %iota3A, %lt3A_1095 : vector<16xi32>
    %and3A_1097 = arith.andi %eq3A_1093, %lt3A_1096 : vector<16xi1>
    %or3A_1098 = arith.ori %gt3A_1092, %and3A_1097 : vector<16xi1>
    %gt3A_1099 = arith.cmpf ogt, %select_n3A, %gather3A_1091 : vector<16xf32>
    %eq3A_1100 = arith.cmpf oeq, %select_n3A, %gather3A_1091 : vector<16xf32>
    %add3A_1101 = arith.constant 16 : i32
    %add3A_1102 = vector.broadcast %add3A_1101 : i32 to vector<16xi32>
    %add3A_1103 = arith.addi %iota3A, %add3A_1102 : vector<16xi32>
    %lt3A_1104 = arith.constant 11 : i32
    %lt3A_1105 = vector.broadcast %lt3A_1104 : i32 to vector<16xi32>
    %lt3A_1106 = arith.cmpi slt, %add3A_1103, %lt3A_1105 : vector<16xi32>
    %and3A_1107 = arith.andi %eq3A_1100, %lt3A_1106 : vector<16xi1>
    %or3A_1108 = arith.ori %gt3A_1099, %and3A_1107 : vector<16xi1>
    %select_n3A_1109 = arith.select %or3A_1098, %broadcast_in_dim3A_16, %broadcast_in_dim3A_18 : vector<16xi1>, vector<16xi32>
    %select_n3A_1110 = arith.select %or3A_1108, %broadcast_in_dim3A_16, %broadcast_in_dim3A_18 : vector<16xi1>, vector<16xi32>
    %add3A_1111 = arith.addi %select_n3A_1109, %select_n3A_1110 : vector<16xi32>
    %xor3A_1112 = arith.constant 1 : i32
    %xor3A_1113 = vector.broadcast %xor3A_1112 : i32 to vector<16xi32>
    %xor3A_1114 = arith.xori %iota3A, %xor3A_1113 : vector<16xi32>
    %lt3A_1115 = arith.constant 0 : i32
    %lt3A_1116 = vector.broadcast %lt3A_1115 : i32 to vector<16xi32>
    %lt3A_1117 = arith.cmpi slt, %xor3A_1114, %lt3A_1116 : vector<16xi32>
    %add3A_1118 = arith.constant 16 : i32
    %add3A_1119 = vector.broadcast %add3A_1118 : i32 to vector<16xi32>
    %add3A_1120 = arith.addi %xor3A_1114, %add3A_1119 : vector<16xi32>
    %select_n3A_1121 = arith.select %lt3A_1117, %add3A_1120, %xor3A_1114 : vector<16xi1>, vector<16xi32>
    %broadcast_in_dim3A_1122 = vector.shape_cast %select_n3A_1121 : vector<16xi32> to vector<16x1xi32>
    %gather3A_1123 = vector.shape_cast %broadcast_in_dim3A_1122 : vector<16x1xi32> to vector<16xi32>
    %gather3A_1124 = tpu.dynamic_gather %add3A_1111[%gather3A_1123] in [0] : vector<16xi32>, vector<16xi32> -> vector<16xi32>
    %add3A_1125 = arith.addi %add3A_1111, %gather3A_1124 : vector<16xi32>
    %xor3A_1126 = arith.constant 2 : i32
    %xor3A_1127 = vector.broadcast %xor3A_1126 : i32 to vector<16xi32>
    %xor3A_1128 = arith.xori %iota3A, %xor3A_1127 : vector<16xi32>
    %lt3A_1129 = arith.constant 0 : i32
    %lt3A_1130 = vector.broadcast %lt3A_1129 : i32 to vector<16xi32>
    %lt3A_1131 = arith.cmpi slt, %xor3A_1128, %lt3A_1130 : vector<16xi32>
    %add3A_1132 = arith.constant 16 : i32
    %add3A_1133 = vector.broadcast %add3A_1132 : i32 to vector<16xi32>
    %add3A_1134 = arith.addi %xor3A_1128, %add3A_1133 : vector<16xi32>
    %select_n3A_1135 = arith.select %lt3A_1131, %add3A_1134, %xor3A_1128 : vector<16xi1>, vector<16xi32>
    %broadcast_in_dim3A_1136 = vector.shape_cast %select_n3A_1135 : vector<16xi32> to vector<16x1xi32>
    %gather3A_1137 = vector.shape_cast %broadcast_in_dim3A_1136 : vector<16x1xi32> to vector<16xi32>
    %gather3A_1138 = tpu.dynamic_gather %add3A_1125[%gather3A_1137] in [0] : vector<16xi32>, vector<16xi32> -> vector<16xi32>
    %add3A_1139 = arith.addi %add3A_1125, %gather3A_1138 : vector<16xi32>
    %xor3A_1140 = arith.constant 4 : i32
    %xor3A_1141 = vector.broadcast %xor3A_1140 : i32 to vector<16xi32>
    %xor3A_1142 = arith.xori %iota3A, %xor3A_1141 : vector<16xi32>
    %lt3A_1143 = arith.constant 0 : i32
    %lt3A_1144 = vector.broadcast %lt3A_1143 : i32 to vector<16xi32>
    %lt3A_1145 = arith.cmpi slt, %xor3A_1142, %lt3A_1144 : vector<16xi32>
    %add3A_1146 = arith.constant 16 : i32
    %add3A_1147 = vector.broadcast %add3A_1146 : i32 to vector<16xi32>
    %add3A_1148 = arith.addi %xor3A_1142, %add3A_1147 : vector<16xi32>
    %select_n3A_1149 = arith.select %lt3A_1145, %add3A_1148, %xor3A_1142 : vector<16xi1>, vector<16xi32>
    %broadcast_in_dim3A_1150 = vector.shape_cast %select_n3A_1149 : vector<16xi32> to vector<16x1xi32>
    %gather3A_1151 = vector.shape_cast %broadcast_in_dim3A_1150 : vector<16x1xi32> to vector<16xi32>
    %gather3A_1152 = tpu.dynamic_gather %add3A_1139[%gather3A_1151] in [0] : vector<16xi32>, vector<16xi32> -> vector<16xi32>
    %add3A_1153 = arith.addi %add3A_1139, %gather3A_1152 : vector<16xi32>
    %xor3A_1154 = arith.constant 8 : i32
    %xor3A_1155 = vector.broadcast %xor3A_1154 : i32 to vector<16xi32>
    %xor3A_1156 = arith.xori %iota3A, %xor3A_1155 : vector<16xi32>
    %lt3A_1157 = arith.constant 0 : i32
    %lt3A_1158 = vector.broadcast %lt3A_1157 : i32 to vector<16xi32>
    %lt3A_1159 = arith.cmpi slt, %xor3A_1156, %lt3A_1158 : vector<16xi32>
    %add3A_1160 = arith.constant 16 : i32
    %add3A_1161 = vector.broadcast %add3A_1160 : i32 to vector<16xi32>
    %add3A_1162 = arith.addi %xor3A_1156, %add3A_1161 : vector<16xi32>
    %select_n3A_1163 = arith.select %lt3A_1159, %add3A_1162, %xor3A_1156 : vector<16xi1>, vector<16xi32>
    %broadcast_in_dim3A_1164 = vector.shape_cast %select_n3A_1163 : vector<16xi32> to vector<16x1xi32>
    %gather3A_1165 = vector.shape_cast %broadcast_in_dim3A_1164 : vector<16x1xi32> to vector<16xi32>
    %gather3A_1166 = tpu.dynamic_gather %add3A_1153[%gather3A_1165] in [0] : vector<16xi32>, vector<16xi32> -> vector<16xi32>
    %add3A_1167 = arith.addi %add3A_1153, %gather3A_1166 : vector<16xi32>
    %lt3A_1168 = arith.constant 8 : i32
    %lt3A_1169 = vector.broadcast %lt3A_1168 : i32 to vector<16xi32>
    %lt3A_1170 = arith.cmpi slt, %add3A_1167, %lt3A_1169 : vector<16xi32>
    %select_n3A_1171 = arith.select %lt3A_1170, %broadcast_in_dim3A_12, %broadcast_in_dim3A_14 : vector<16xi1>, vector<16xf32>
    %eq3A_1172 = arith.constant 11 : i32
    %eq3A_1173 = vector.broadcast %eq3A_1172 : i32 to vector<16xi32>
    %eq3A_1174 = arith.cmpi eq, %iota3A, %eq3A_1173 : vector<16xi32>
    %select_n3A_1175 = arith.select %eq3A_1174, %select_n3A_1171, %select_n3A_1078 : vector<16xi1>, vector<16xf32>
    %add3A_1176 = arith.constant 12 : i32
    %add3A_1177 = vector.broadcast %add3A_1176 : i32 to vector<16xi32>
    %add3A_1178 = arith.addi %sub3A, %add3A_1177 : vector<16xi32>
    %lt3A_1179 = arith.constant 0 : i32
    %lt3A_1180 = vector.broadcast %lt3A_1179 : i32 to vector<16xi32>
    %lt3A_1181 = arith.cmpi slt, %add3A_1178, %lt3A_1180 : vector<16xi32>
    %add3A_1182 = arith.constant 16 : i32
    %add3A_1183 = vector.broadcast %add3A_1182 : i32 to vector<16xi32>
    %add3A_1184 = arith.addi %add3A_1178, %add3A_1183 : vector<16xi32>
    %select_n3A_1185 = arith.select %lt3A_1181, %add3A_1184, %add3A_1178 : vector<16xi1>, vector<16xi32>
    %broadcast_in_dim3A_1186 = vector.shape_cast %select_n3A_1185 : vector<16xi32> to vector<16x1xi32>
    %gather3A_1187 = vector.shape_cast %broadcast_in_dim3A_1186 : vector<16x1xi32> to vector<16xi32>
    %gather3A_1188 = tpu.dynamic_gather %get3A_2[%gather3A_1187] in [0] : vector<16xf32>, vector<16xi32> -> vector<16xf32>
    %gt3A_1189 = arith.cmpf ogt, %get3A_2, %gather3A_1188 : vector<16xf32>
    %eq3A_1190 = arith.cmpf oeq, %get3A_2, %gather3A_1188 : vector<16xf32>
    %lt3A_1191 = arith.constant 12 : i32
    %lt3A_1192 = vector.broadcast %lt3A_1191 : i32 to vector<16xi32>
    %lt3A_1193 = arith.cmpi slt, %iota3A, %lt3A_1192 : vector<16xi32>
    %and3A_1194 = arith.andi %eq3A_1190, %lt3A_1193 : vector<16xi1>
    %or3A_1195 = arith.ori %gt3A_1189, %and3A_1194 : vector<16xi1>
    %gt3A_1196 = arith.cmpf ogt, %select_n3A, %gather3A_1188 : vector<16xf32>
    %eq3A_1197 = arith.cmpf oeq, %select_n3A, %gather3A_1188 : vector<16xf32>
    %add3A_1198 = arith.constant 16 : i32
    %add3A_1199 = vector.broadcast %add3A_1198 : i32 to vector<16xi32>
    %add3A_1200 = arith.addi %iota3A, %add3A_1199 : vector<16xi32>
    %lt3A_1201 = arith.constant 12 : i32
    %lt3A_1202 = vector.broadcast %lt3A_1201 : i32 to vector<16xi32>
    %lt3A_1203 = arith.cmpi slt, %add3A_1200, %lt3A_1202 : vector<16xi32>
    %and3A_1204 = arith.andi %eq3A_1197, %lt3A_1203 : vector<16xi1>
    %or3A_1205 = arith.ori %gt3A_1196, %and3A_1204 : vector<16xi1>
    %select_n3A_1206 = arith.select %or3A_1195, %broadcast_in_dim3A_16, %broadcast_in_dim3A_18 : vector<16xi1>, vector<16xi32>
    %select_n3A_1207 = arith.select %or3A_1205, %broadcast_in_dim3A_16, %broadcast_in_dim3A_18 : vector<16xi1>, vector<16xi32>
    %add3A_1208 = arith.addi %select_n3A_1206, %select_n3A_1207 : vector<16xi32>
    %xor3A_1209 = arith.constant 1 : i32
    %xor3A_1210 = vector.broadcast %xor3A_1209 : i32 to vector<16xi32>
    %xor3A_1211 = arith.xori %iota3A, %xor3A_1210 : vector<16xi32>
    %lt3A_1212 = arith.constant 0 : i32
    %lt3A_1213 = vector.broadcast %lt3A_1212 : i32 to vector<16xi32>
    %lt3A_1214 = arith.cmpi slt, %xor3A_1211, %lt3A_1213 : vector<16xi32>
    %add3A_1215 = arith.constant 16 : i32
    %add3A_1216 = vector.broadcast %add3A_1215 : i32 to vector<16xi32>
    %add3A_1217 = arith.addi %xor3A_1211, %add3A_1216 : vector<16xi32>
    %select_n3A_1218 = arith.select %lt3A_1214, %add3A_1217, %xor3A_1211 : vector<16xi1>, vector<16xi32>
    %broadcast_in_dim3A_1219 = vector.shape_cast %select_n3A_1218 : vector<16xi32> to vector<16x1xi32>
    %gather3A_1220 = vector.shape_cast %broadcast_in_dim3A_1219 : vector<16x1xi32> to vector<16xi32>
    %gather3A_1221 = tpu.dynamic_gather %add3A_1208[%gather3A_1220] in [0] : vector<16xi32>, vector<16xi32> -> vector<16xi32>
    %add3A_1222 = arith.addi %add3A_1208, %gather3A_1221 : vector<16xi32>
    %xor3A_1223 = arith.constant 2 : i32
    %xor3A_1224 = vector.broadcast %xor3A_1223 : i32 to vector<16xi32>
    %xor3A_1225 = arith.xori %iota3A, %xor3A_1224 : vector<16xi32>
    %lt3A_1226 = arith.constant 0 : i32
    %lt3A_1227 = vector.broadcast %lt3A_1226 : i32 to vector<16xi32>
    %lt3A_1228 = arith.cmpi slt, %xor3A_1225, %lt3A_1227 : vector<16xi32>
    %add3A_1229 = arith.constant 16 : i32
    %add3A_1230 = vector.broadcast %add3A_1229 : i32 to vector<16xi32>
    %add3A_1231 = arith.addi %xor3A_1225, %add3A_1230 : vector<16xi32>
    %select_n3A_1232 = arith.select %lt3A_1228, %add3A_1231, %xor3A_1225 : vector<16xi1>, vector<16xi32>
    %broadcast_in_dim3A_1233 = vector.shape_cast %select_n3A_1232 : vector<16xi32> to vector<16x1xi32>
    %gather3A_1234 = vector.shape_cast %broadcast_in_dim3A_1233 : vector<16x1xi32> to vector<16xi32>
    %gather3A_1235 = tpu.dynamic_gather %add3A_1222[%gather3A_1234] in [0] : vector<16xi32>, vector<16xi32> -> vector<16xi32>
    %add3A_1236 = arith.addi %add3A_1222, %gather3A_1235 : vector<16xi32>
    %xor3A_1237 = arith.constant 4 : i32
    %xor3A_1238 = vector.broadcast %xor3A_1237 : i32 to vector<16xi32>
    %xor3A_1239 = arith.xori %iota3A, %xor3A_1238 : vector<16xi32>
    %lt3A_1240 = arith.constant 0 : i32
    %lt3A_1241 = vector.broadcast %lt3A_1240 : i32 to vector<16xi32>
    %lt3A_1242 = arith.cmpi slt, %xor3A_1239, %lt3A_1241 : vector<16xi32>
    %add3A_1243 = arith.constant 16 : i32
    %add3A_1244 = vector.broadcast %add3A_1243 : i32 to vector<16xi32>
    %add3A_1245 = arith.addi %xor3A_1239, %add3A_1244 : vector<16xi32>
    %select_n3A_1246 = arith.select %lt3A_1242, %add3A_1245, %xor3A_1239 : vector<16xi1>, vector<16xi32>
    %broadcast_in_dim3A_1247 = vector.shape_cast %select_n3A_1246 : vector<16xi32> to vector<16x1xi32>
    %gather3A_1248 = vector.shape_cast %broadcast_in_dim3A_1247 : vector<16x1xi32> to vector<16xi32>
    %gather3A_1249 = tpu.dynamic_gather %add3A_1236[%gather3A_1248] in [0] : vector<16xi32>, vector<16xi32> -> vector<16xi32>
    %add3A_1250 = arith.addi %add3A_1236, %gather3A_1249 : vector<16xi32>
    %xor3A_1251 = arith.constant 8 : i32
    %xor3A_1252 = vector.broadcast %xor3A_1251 : i32 to vector<16xi32>
    %xor3A_1253 = arith.xori %iota3A, %xor3A_1252 : vector<16xi32>
    %lt3A_1254 = arith.constant 0 : i32
    %lt3A_1255 = vector.broadcast %lt3A_1254 : i32 to vector<16xi32>
    %lt3A_1256 = arith.cmpi slt, %xor3A_1253, %lt3A_1255 : vector<16xi32>
    %add3A_1257 = arith.constant 16 : i32
    %add3A_1258 = vector.broadcast %add3A_1257 : i32 to vector<16xi32>
    %add3A_1259 = arith.addi %xor3A_1253, %add3A_1258 : vector<16xi32>
    %select_n3A_1260 = arith.select %lt3A_1256, %add3A_1259, %xor3A_1253 : vector<16xi1>, vector<16xi32>
    %broadcast_in_dim3A_1261 = vector.shape_cast %select_n3A_1260 : vector<16xi32> to vector<16x1xi32>
    %gather3A_1262 = vector.shape_cast %broadcast_in_dim3A_1261 : vector<16x1xi32> to vector<16xi32>
    %gather3A_1263 = tpu.dynamic_gather %add3A_1250[%gather3A_1262] in [0] : vector<16xi32>, vector<16xi32> -> vector<16xi32>
    %add3A_1264 = arith.addi %add3A_1250, %gather3A_1263 : vector<16xi32>
    %lt3A_1265 = arith.constant 8 : i32
    %lt3A_1266 = vector.broadcast %lt3A_1265 : i32 to vector<16xi32>
    %lt3A_1267 = arith.cmpi slt, %add3A_1264, %lt3A_1266 : vector<16xi32>
    %select_n3A_1268 = arith.select %lt3A_1267, %broadcast_in_dim3A_12, %broadcast_in_dim3A_14 : vector<16xi1>, vector<16xf32>
    %eq3A_1269 = arith.constant 12 : i32
    %eq3A_1270 = vector.broadcast %eq3A_1269 : i32 to vector<16xi32>
    %eq3A_1271 = arith.cmpi eq, %iota3A, %eq3A_1270 : vector<16xi32>
    %select_n3A_1272 = arith.select %eq3A_1271, %select_n3A_1268, %select_n3A_1175 : vector<16xi1>, vector<16xf32>
    %add3A_1273 = arith.constant 13 : i32
    %add3A_1274 = vector.broadcast %add3A_1273 : i32 to vector<16xi32>
    %add3A_1275 = arith.addi %sub3A, %add3A_1274 : vector<16xi32>
    %lt3A_1276 = arith.constant 0 : i32
    %lt3A_1277 = vector.broadcast %lt3A_1276 : i32 to vector<16xi32>
    %lt3A_1278 = arith.cmpi slt, %add3A_1275, %lt3A_1277 : vector<16xi32>
    %add3A_1279 = arith.constant 16 : i32
    %add3A_1280 = vector.broadcast %add3A_1279 : i32 to vector<16xi32>
    %add3A_1281 = arith.addi %add3A_1275, %add3A_1280 : vector<16xi32>
    %select_n3A_1282 = arith.select %lt3A_1278, %add3A_1281, %add3A_1275 : vector<16xi1>, vector<16xi32>
    %broadcast_in_dim3A_1283 = vector.shape_cast %select_n3A_1282 : vector<16xi32> to vector<16x1xi32>
    %gather3A_1284 = vector.shape_cast %broadcast_in_dim3A_1283 : vector<16x1xi32> to vector<16xi32>
    %gather3A_1285 = tpu.dynamic_gather %get3A_2[%gather3A_1284] in [0] : vector<16xf32>, vector<16xi32> -> vector<16xf32>
    %gt3A_1286 = arith.cmpf ogt, %get3A_2, %gather3A_1285 : vector<16xf32>
    %eq3A_1287 = arith.cmpf oeq, %get3A_2, %gather3A_1285 : vector<16xf32>
    %lt3A_1288 = arith.constant 13 : i32
    %lt3A_1289 = vector.broadcast %lt3A_1288 : i32 to vector<16xi32>
    %lt3A_1290 = arith.cmpi slt, %iota3A, %lt3A_1289 : vector<16xi32>
    %and3A_1291 = arith.andi %eq3A_1287, %lt3A_1290 : vector<16xi1>
    %or3A_1292 = arith.ori %gt3A_1286, %and3A_1291 : vector<16xi1>
    %gt3A_1293 = arith.cmpf ogt, %select_n3A, %gather3A_1285 : vector<16xf32>
    %eq3A_1294 = arith.cmpf oeq, %select_n3A, %gather3A_1285 : vector<16xf32>
    %add3A_1295 = arith.constant 16 : i32
    %add3A_1296 = vector.broadcast %add3A_1295 : i32 to vector<16xi32>
    %add3A_1297 = arith.addi %iota3A, %add3A_1296 : vector<16xi32>
    %lt3A_1298 = arith.constant 13 : i32
    %lt3A_1299 = vector.broadcast %lt3A_1298 : i32 to vector<16xi32>
    %lt3A_1300 = arith.cmpi slt, %add3A_1297, %lt3A_1299 : vector<16xi32>
    %and3A_1301 = arith.andi %eq3A_1294, %lt3A_1300 : vector<16xi1>
    %or3A_1302 = arith.ori %gt3A_1293, %and3A_1301 : vector<16xi1>
    %select_n3A_1303 = arith.select %or3A_1292, %broadcast_in_dim3A_16, %broadcast_in_dim3A_18 : vector<16xi1>, vector<16xi32>
    %select_n3A_1304 = arith.select %or3A_1302, %broadcast_in_dim3A_16, %broadcast_in_dim3A_18 : vector<16xi1>, vector<16xi32>
    %add3A_1305 = arith.addi %select_n3A_1303, %select_n3A_1304 : vector<16xi32>
    %xor3A_1306 = arith.constant 1 : i32
    %xor3A_1307 = vector.broadcast %xor3A_1306 : i32 to vector<16xi32>
    %xor3A_1308 = arith.xori %iota3A, %xor3A_1307 : vector<16xi32>
    %lt3A_1309 = arith.constant 0 : i32
    %lt3A_1310 = vector.broadcast %lt3A_1309 : i32 to vector<16xi32>
    %lt3A_1311 = arith.cmpi slt, %xor3A_1308, %lt3A_1310 : vector<16xi32>
    %add3A_1312 = arith.constant 16 : i32
    %add3A_1313 = vector.broadcast %add3A_1312 : i32 to vector<16xi32>
    %add3A_1314 = arith.addi %xor3A_1308, %add3A_1313 : vector<16xi32>
    %select_n3A_1315 = arith.select %lt3A_1311, %add3A_1314, %xor3A_1308 : vector<16xi1>, vector<16xi32>
    %broadcast_in_dim3A_1316 = vector.shape_cast %select_n3A_1315 : vector<16xi32> to vector<16x1xi32>
    %gather3A_1317 = vector.shape_cast %broadcast_in_dim3A_1316 : vector<16x1xi32> to vector<16xi32>
    %gather3A_1318 = tpu.dynamic_gather %add3A_1305[%gather3A_1317] in [0] : vector<16xi32>, vector<16xi32> -> vector<16xi32>
    %add3A_1319 = arith.addi %add3A_1305, %gather3A_1318 : vector<16xi32>
    %xor3A_1320 = arith.constant 2 : i32
    %xor3A_1321 = vector.broadcast %xor3A_1320 : i32 to vector<16xi32>
    %xor3A_1322 = arith.xori %iota3A, %xor3A_1321 : vector<16xi32>
    %lt3A_1323 = arith.constant 0 : i32
    %lt3A_1324 = vector.broadcast %lt3A_1323 : i32 to vector<16xi32>
    %lt3A_1325 = arith.cmpi slt, %xor3A_1322, %lt3A_1324 : vector<16xi32>
    %add3A_1326 = arith.constant 16 : i32
    %add3A_1327 = vector.broadcast %add3A_1326 : i32 to vector<16xi32>
    %add3A_1328 = arith.addi %xor3A_1322, %add3A_1327 : vector<16xi32>
    %select_n3A_1329 = arith.select %lt3A_1325, %add3A_1328, %xor3A_1322 : vector<16xi1>, vector<16xi32>
    %broadcast_in_dim3A_1330 = vector.shape_cast %select_n3A_1329 : vector<16xi32> to vector<16x1xi32>
    %gather3A_1331 = vector.shape_cast %broadcast_in_dim3A_1330 : vector<16x1xi32> to vector<16xi32>
    %gather3A_1332 = tpu.dynamic_gather %add3A_1319[%gather3A_1331] in [0] : vector<16xi32>, vector<16xi32> -> vector<16xi32>
    %add3A_1333 = arith.addi %add3A_1319, %gather3A_1332 : vector<16xi32>
    %xor3A_1334 = arith.constant 4 : i32
    %xor3A_1335 = vector.broadcast %xor3A_1334 : i32 to vector<16xi32>
    %xor3A_1336 = arith.xori %iota3A, %xor3A_1335 : vector<16xi32>
    %lt3A_1337 = arith.constant 0 : i32
    %lt3A_1338 = vector.broadcast %lt3A_1337 : i32 to vector<16xi32>
    %lt3A_1339 = arith.cmpi slt, %xor3A_1336, %lt3A_1338 : vector<16xi32>
    %add3A_1340 = arith.constant 16 : i32
    %add3A_1341 = vector.broadcast %add3A_1340 : i32 to vector<16xi32>
    %add3A_1342 = arith.addi %xor3A_1336, %add3A_1341 : vector<16xi32>
    %select_n3A_1343 = arith.select %lt3A_1339, %add3A_1342, %xor3A_1336 : vector<16xi1>, vector<16xi32>
    %broadcast_in_dim3A_1344 = vector.shape_cast %select_n3A_1343 : vector<16xi32> to vector<16x1xi32>
    %gather3A_1345 = vector.shape_cast %broadcast_in_dim3A_1344 : vector<16x1xi32> to vector<16xi32>
    %gather3A_1346 = tpu.dynamic_gather %add3A_1333[%gather3A_1345] in [0] : vector<16xi32>, vector<16xi32> -> vector<16xi32>
    %add3A_1347 = arith.addi %add3A_1333, %gather3A_1346 : vector<16xi32>
    %xor3A_1348 = arith.constant 8 : i32
    %xor3A_1349 = vector.broadcast %xor3A_1348 : i32 to vector<16xi32>
    %xor3A_1350 = arith.xori %iota3A, %xor3A_1349 : vector<16xi32>
    %lt3A_1351 = arith.constant 0 : i32
    %lt3A_1352 = vector.broadcast %lt3A_1351 : i32 to vector<16xi32>
    %lt3A_1353 = arith.cmpi slt, %xor3A_1350, %lt3A_1352 : vector<16xi32>
    %add3A_1354 = arith.constant 16 : i32
    %add3A_1355 = vector.broadcast %add3A_1354 : i32 to vector<16xi32>
    %add3A_1356 = arith.addi %xor3A_1350, %add3A_1355 : vector<16xi32>
    %select_n3A_1357 = arith.select %lt3A_1353, %add3A_1356, %xor3A_1350 : vector<16xi1>, vector<16xi32>
    %broadcast_in_dim3A_1358 = vector.shape_cast %select_n3A_1357 : vector<16xi32> to vector<16x1xi32>
    %gather3A_1359 = vector.shape_cast %broadcast_in_dim3A_1358 : vector<16x1xi32> to vector<16xi32>
    %gather3A_1360 = tpu.dynamic_gather %add3A_1347[%gather3A_1359] in [0] : vector<16xi32>, vector<16xi32> -> vector<16xi32>
    %add3A_1361 = arith.addi %add3A_1347, %gather3A_1360 : vector<16xi32>
    %lt3A_1362 = arith.constant 8 : i32
    %lt3A_1363 = vector.broadcast %lt3A_1362 : i32 to vector<16xi32>
    %lt3A_1364 = arith.cmpi slt, %add3A_1361, %lt3A_1363 : vector<16xi32>
    %select_n3A_1365 = arith.select %lt3A_1364, %broadcast_in_dim3A_12, %broadcast_in_dim3A_14 : vector<16xi1>, vector<16xf32>
    %eq3A_1366 = arith.constant 13 : i32
    %eq3A_1367 = vector.broadcast %eq3A_1366 : i32 to vector<16xi32>
    %eq3A_1368 = arith.cmpi eq, %iota3A, %eq3A_1367 : vector<16xi32>
    %select_n3A_1369 = arith.select %eq3A_1368, %select_n3A_1365, %select_n3A_1272 : vector<16xi1>, vector<16xf32>
    %add3A_1370 = arith.constant 14 : i32
    %add3A_1371 = vector.broadcast %add3A_1370 : i32 to vector<16xi32>
    %add3A_1372 = arith.addi %sub3A, %add3A_1371 : vector<16xi32>
    %lt3A_1373 = arith.constant 0 : i32
    %lt3A_1374 = vector.broadcast %lt3A_1373 : i32 to vector<16xi32>
    %lt3A_1375 = arith.cmpi slt, %add3A_1372, %lt3A_1374 : vector<16xi32>
    %add3A_1376 = arith.constant 16 : i32
    %add3A_1377 = vector.broadcast %add3A_1376 : i32 to vector<16xi32>
    %add3A_1378 = arith.addi %add3A_1372, %add3A_1377 : vector<16xi32>
    %select_n3A_1379 = arith.select %lt3A_1375, %add3A_1378, %add3A_1372 : vector<16xi1>, vector<16xi32>
    %broadcast_in_dim3A_1380 = vector.shape_cast %select_n3A_1379 : vector<16xi32> to vector<16x1xi32>
    %gather3A_1381 = vector.shape_cast %broadcast_in_dim3A_1380 : vector<16x1xi32> to vector<16xi32>
    %gather3A_1382 = tpu.dynamic_gather %get3A_2[%gather3A_1381] in [0] : vector<16xf32>, vector<16xi32> -> vector<16xf32>
    %gt3A_1383 = arith.cmpf ogt, %get3A_2, %gather3A_1382 : vector<16xf32>
    %eq3A_1384 = arith.cmpf oeq, %get3A_2, %gather3A_1382 : vector<16xf32>
    %lt3A_1385 = arith.constant 14 : i32
    %lt3A_1386 = vector.broadcast %lt3A_1385 : i32 to vector<16xi32>
    %lt3A_1387 = arith.cmpi slt, %iota3A, %lt3A_1386 : vector<16xi32>
    %and3A_1388 = arith.andi %eq3A_1384, %lt3A_1387 : vector<16xi1>
    %or3A_1389 = arith.ori %gt3A_1383, %and3A_1388 : vector<16xi1>
    %gt3A_1390 = arith.cmpf ogt, %select_n3A, %gather3A_1382 : vector<16xf32>
    %eq3A_1391 = arith.cmpf oeq, %select_n3A, %gather3A_1382 : vector<16xf32>
    %add3A_1392 = arith.constant 16 : i32
    %add3A_1393 = vector.broadcast %add3A_1392 : i32 to vector<16xi32>
    %add3A_1394 = arith.addi %iota3A, %add3A_1393 : vector<16xi32>
    %lt3A_1395 = arith.constant 14 : i32
    %lt3A_1396 = vector.broadcast %lt3A_1395 : i32 to vector<16xi32>
    %lt3A_1397 = arith.cmpi slt, %add3A_1394, %lt3A_1396 : vector<16xi32>
    %and3A_1398 = arith.andi %eq3A_1391, %lt3A_1397 : vector<16xi1>
    %or3A_1399 = arith.ori %gt3A_1390, %and3A_1398 : vector<16xi1>
    %select_n3A_1400 = arith.select %or3A_1389, %broadcast_in_dim3A_16, %broadcast_in_dim3A_18 : vector<16xi1>, vector<16xi32>
    %select_n3A_1401 = arith.select %or3A_1399, %broadcast_in_dim3A_16, %broadcast_in_dim3A_18 : vector<16xi1>, vector<16xi32>
    %add3A_1402 = arith.addi %select_n3A_1400, %select_n3A_1401 : vector<16xi32>
    %xor3A_1403 = arith.constant 1 : i32
    %xor3A_1404 = vector.broadcast %xor3A_1403 : i32 to vector<16xi32>
    %xor3A_1405 = arith.xori %iota3A, %xor3A_1404 : vector<16xi32>
    %lt3A_1406 = arith.constant 0 : i32
    %lt3A_1407 = vector.broadcast %lt3A_1406 : i32 to vector<16xi32>
    %lt3A_1408 = arith.cmpi slt, %xor3A_1405, %lt3A_1407 : vector<16xi32>
    %add3A_1409 = arith.constant 16 : i32
    %add3A_1410 = vector.broadcast %add3A_1409 : i32 to vector<16xi32>
    %add3A_1411 = arith.addi %xor3A_1405, %add3A_1410 : vector<16xi32>
    %select_n3A_1412 = arith.select %lt3A_1408, %add3A_1411, %xor3A_1405 : vector<16xi1>, vector<16xi32>
    %broadcast_in_dim3A_1413 = vector.shape_cast %select_n3A_1412 : vector<16xi32> to vector<16x1xi32>
    %gather3A_1414 = vector.shape_cast %broadcast_in_dim3A_1413 : vector<16x1xi32> to vector<16xi32>
    %gather3A_1415 = tpu.dynamic_gather %add3A_1402[%gather3A_1414] in [0] : vector<16xi32>, vector<16xi32> -> vector<16xi32>
    %add3A_1416 = arith.addi %add3A_1402, %gather3A_1415 : vector<16xi32>
    %xor3A_1417 = arith.constant 2 : i32
    %xor3A_1418 = vector.broadcast %xor3A_1417 : i32 to vector<16xi32>
    %xor3A_1419 = arith.xori %iota3A, %xor3A_1418 : vector<16xi32>
    %lt3A_1420 = arith.constant 0 : i32
    %lt3A_1421 = vector.broadcast %lt3A_1420 : i32 to vector<16xi32>
    %lt3A_1422 = arith.cmpi slt, %xor3A_1419, %lt3A_1421 : vector<16xi32>
    %add3A_1423 = arith.constant 16 : i32
    %add3A_1424 = vector.broadcast %add3A_1423 : i32 to vector<16xi32>
    %add3A_1425 = arith.addi %xor3A_1419, %add3A_1424 : vector<16xi32>
    %select_n3A_1426 = arith.select %lt3A_1422, %add3A_1425, %xor3A_1419 : vector<16xi1>, vector<16xi32>
    %broadcast_in_dim3A_1427 = vector.shape_cast %select_n3A_1426 : vector<16xi32> to vector<16x1xi32>
    %gather3A_1428 = vector.shape_cast %broadcast_in_dim3A_1427 : vector<16x1xi32> to vector<16xi32>
    %gather3A_1429 = tpu.dynamic_gather %add3A_1416[%gather3A_1428] in [0] : vector<16xi32>, vector<16xi32> -> vector<16xi32>
    %add3A_1430 = arith.addi %add3A_1416, %gather3A_1429 : vector<16xi32>
    %xor3A_1431 = arith.constant 4 : i32
    %xor3A_1432 = vector.broadcast %xor3A_1431 : i32 to vector<16xi32>
    %xor3A_1433 = arith.xori %iota3A, %xor3A_1432 : vector<16xi32>
    %lt3A_1434 = arith.constant 0 : i32
    %lt3A_1435 = vector.broadcast %lt3A_1434 : i32 to vector<16xi32>
    %lt3A_1436 = arith.cmpi slt, %xor3A_1433, %lt3A_1435 : vector<16xi32>
    %add3A_1437 = arith.constant 16 : i32
    %add3A_1438 = vector.broadcast %add3A_1437 : i32 to vector<16xi32>
    %add3A_1439 = arith.addi %xor3A_1433, %add3A_1438 : vector<16xi32>
    %select_n3A_1440 = arith.select %lt3A_1436, %add3A_1439, %xor3A_1433 : vector<16xi1>, vector<16xi32>
    %broadcast_in_dim3A_1441 = vector.shape_cast %select_n3A_1440 : vector<16xi32> to vector<16x1xi32>
    %gather3A_1442 = vector.shape_cast %broadcast_in_dim3A_1441 : vector<16x1xi32> to vector<16xi32>
    %gather3A_1443 = tpu.dynamic_gather %add3A_1430[%gather3A_1442] in [0] : vector<16xi32>, vector<16xi32> -> vector<16xi32>
    %add3A_1444 = arith.addi %add3A_1430, %gather3A_1443 : vector<16xi32>
    %xor3A_1445 = arith.constant 8 : i32
    %xor3A_1446 = vector.broadcast %xor3A_1445 : i32 to vector<16xi32>
    %xor3A_1447 = arith.xori %iota3A, %xor3A_1446 : vector<16xi32>
    %lt3A_1448 = arith.constant 0 : i32
    %lt3A_1449 = vector.broadcast %lt3A_1448 : i32 to vector<16xi32>
    %lt3A_1450 = arith.cmpi slt, %xor3A_1447, %lt3A_1449 : vector<16xi32>
    %add3A_1451 = arith.constant 16 : i32
    %add3A_1452 = vector.broadcast %add3A_1451 : i32 to vector<16xi32>
    %add3A_1453 = arith.addi %xor3A_1447, %add3A_1452 : vector<16xi32>
    %select_n3A_1454 = arith.select %lt3A_1450, %add3A_1453, %xor3A_1447 : vector<16xi1>, vector<16xi32>
    %broadcast_in_dim3A_1455 = vector.shape_cast %select_n3A_1454 : vector<16xi32> to vector<16x1xi32>
    %gather3A_1456 = vector.shape_cast %broadcast_in_dim3A_1455 : vector<16x1xi32> to vector<16xi32>
    %gather3A_1457 = tpu.dynamic_gather %add3A_1444[%gather3A_1456] in [0] : vector<16xi32>, vector<16xi32> -> vector<16xi32>
    %add3A_1458 = arith.addi %add3A_1444, %gather3A_1457 : vector<16xi32>
    %lt3A_1459 = arith.constant 8 : i32
    %lt3A_1460 = vector.broadcast %lt3A_1459 : i32 to vector<16xi32>
    %lt3A_1461 = arith.cmpi slt, %add3A_1458, %lt3A_1460 : vector<16xi32>
    %select_n3A_1462 = arith.select %lt3A_1461, %broadcast_in_dim3A_12, %broadcast_in_dim3A_14 : vector<16xi1>, vector<16xf32>
    %eq3A_1463 = arith.constant 14 : i32
    %eq3A_1464 = vector.broadcast %eq3A_1463 : i32 to vector<16xi32>
    %eq3A_1465 = arith.cmpi eq, %iota3A, %eq3A_1464 : vector<16xi32>
    %select_n3A_1466 = arith.select %eq3A_1465, %select_n3A_1462, %select_n3A_1369 : vector<16xi1>, vector<16xf32>
    %add3A_1467 = arith.constant 15 : i32
    %add3A_1468 = vector.broadcast %add3A_1467 : i32 to vector<16xi32>
    %add3A_1469 = arith.addi %sub3A, %add3A_1468 : vector<16xi32>
    %lt3A_1470 = arith.constant 0 : i32
    %lt3A_1471 = vector.broadcast %lt3A_1470 : i32 to vector<16xi32>
    %lt3A_1472 = arith.cmpi slt, %add3A_1469, %lt3A_1471 : vector<16xi32>
    %add3A_1473 = arith.constant 16 : i32
    %add3A_1474 = vector.broadcast %add3A_1473 : i32 to vector<16xi32>
    %add3A_1475 = arith.addi %add3A_1469, %add3A_1474 : vector<16xi32>
    %select_n3A_1476 = arith.select %lt3A_1472, %add3A_1475, %add3A_1469 : vector<16xi1>, vector<16xi32>
    %broadcast_in_dim3A_1477 = vector.shape_cast %select_n3A_1476 : vector<16xi32> to vector<16x1xi32>
    %gather3A_1478 = vector.shape_cast %broadcast_in_dim3A_1477 : vector<16x1xi32> to vector<16xi32>
    %gather3A_1479 = tpu.dynamic_gather %get3A_2[%gather3A_1478] in [0] : vector<16xf32>, vector<16xi32> -> vector<16xf32>
    %gt3A_1480 = arith.cmpf ogt, %get3A_2, %gather3A_1479 : vector<16xf32>
    %eq3A_1481 = arith.cmpf oeq, %get3A_2, %gather3A_1479 : vector<16xf32>
    %lt3A_1482 = arith.constant 15 : i32
    %lt3A_1483 = vector.broadcast %lt3A_1482 : i32 to vector<16xi32>
    %lt3A_1484 = arith.cmpi slt, %iota3A, %lt3A_1483 : vector<16xi32>
    %and3A_1485 = arith.andi %eq3A_1481, %lt3A_1484 : vector<16xi1>
    %or3A_1486 = arith.ori %gt3A_1480, %and3A_1485 : vector<16xi1>
    %gt3A_1487 = arith.cmpf ogt, %select_n3A, %gather3A_1479 : vector<16xf32>
    %eq3A_1488 = arith.cmpf oeq, %select_n3A, %gather3A_1479 : vector<16xf32>
    %add3A_1489 = arith.constant 16 : i32
    %add3A_1490 = vector.broadcast %add3A_1489 : i32 to vector<16xi32>
    %add3A_1491 = arith.addi %iota3A, %add3A_1490 : vector<16xi32>
    %lt3A_1492 = arith.constant 15 : i32
    %lt3A_1493 = vector.broadcast %lt3A_1492 : i32 to vector<16xi32>
    %lt3A_1494 = arith.cmpi slt, %add3A_1491, %lt3A_1493 : vector<16xi32>
    %and3A_1495 = arith.andi %eq3A_1488, %lt3A_1494 : vector<16xi1>
    %or3A_1496 = arith.ori %gt3A_1487, %and3A_1495 : vector<16xi1>
    %select_n3A_1497 = arith.select %or3A_1486, %broadcast_in_dim3A_16, %broadcast_in_dim3A_18 : vector<16xi1>, vector<16xi32>
    %select_n3A_1498 = arith.select %or3A_1496, %broadcast_in_dim3A_16, %broadcast_in_dim3A_18 : vector<16xi1>, vector<16xi32>
    %add3A_1499 = arith.addi %select_n3A_1497, %select_n3A_1498 : vector<16xi32>
    %xor3A_1500 = arith.constant 1 : i32
    %xor3A_1501 = vector.broadcast %xor3A_1500 : i32 to vector<16xi32>
    %xor3A_1502 = arith.xori %iota3A, %xor3A_1501 : vector<16xi32>
    %lt3A_1503 = arith.constant 0 : i32
    %lt3A_1504 = vector.broadcast %lt3A_1503 : i32 to vector<16xi32>
    %lt3A_1505 = arith.cmpi slt, %xor3A_1502, %lt3A_1504 : vector<16xi32>
    %add3A_1506 = arith.constant 16 : i32
    %add3A_1507 = vector.broadcast %add3A_1506 : i32 to vector<16xi32>
    %add3A_1508 = arith.addi %xor3A_1502, %add3A_1507 : vector<16xi32>
    %select_n3A_1509 = arith.select %lt3A_1505, %add3A_1508, %xor3A_1502 : vector<16xi1>, vector<16xi32>
    %broadcast_in_dim3A_1510 = vector.shape_cast %select_n3A_1509 : vector<16xi32> to vector<16x1xi32>
    %gather3A_1511 = vector.shape_cast %broadcast_in_dim3A_1510 : vector<16x1xi32> to vector<16xi32>
    %gather3A_1512 = tpu.dynamic_gather %add3A_1499[%gather3A_1511] in [0] : vector<16xi32>, vector<16xi32> -> vector<16xi32>
    %add3A_1513 = arith.addi %add3A_1499, %gather3A_1512 : vector<16xi32>
    %xor3A_1514 = arith.constant 2 : i32
    %xor3A_1515 = vector.broadcast %xor3A_1514 : i32 to vector<16xi32>
    %xor3A_1516 = arith.xori %iota3A, %xor3A_1515 : vector<16xi32>
    %lt3A_1517 = arith.constant 0 : i32
    %lt3A_1518 = vector.broadcast %lt3A_1517 : i32 to vector<16xi32>
    %lt3A_1519 = arith.cmpi slt, %xor3A_1516, %lt3A_1518 : vector<16xi32>
    %add3A_1520 = arith.constant 16 : i32
    %add3A_1521 = vector.broadcast %add3A_1520 : i32 to vector<16xi32>
    %add3A_1522 = arith.addi %xor3A_1516, %add3A_1521 : vector<16xi32>
    %select_n3A_1523 = arith.select %lt3A_1519, %add3A_1522, %xor3A_1516 : vector<16xi1>, vector<16xi32>
    %broadcast_in_dim3A_1524 = vector.shape_cast %select_n3A_1523 : vector<16xi32> to vector<16x1xi32>
    %gather3A_1525 = vector.shape_cast %broadcast_in_dim3A_1524 : vector<16x1xi32> to vector<16xi32>
    %gather3A_1526 = tpu.dynamic_gather %add3A_1513[%gather3A_1525] in [0] : vector<16xi32>, vector<16xi32> -> vector<16xi32>
    %add3A_1527 = arith.addi %add3A_1513, %gather3A_1526 : vector<16xi32>
    %xor3A_1528 = arith.constant 4 : i32
    %xor3A_1529 = vector.broadcast %xor3A_1528 : i32 to vector<16xi32>
    %xor3A_1530 = arith.xori %iota3A, %xor3A_1529 : vector<16xi32>
    %lt3A_1531 = arith.constant 0 : i32
    %lt3A_1532 = vector.broadcast %lt3A_1531 : i32 to vector<16xi32>
    %lt3A_1533 = arith.cmpi slt, %xor3A_1530, %lt3A_1532 : vector<16xi32>
    %add3A_1534 = arith.constant 16 : i32
    %add3A_1535 = vector.broadcast %add3A_1534 : i32 to vector<16xi32>
    %add3A_1536 = arith.addi %xor3A_1530, %add3A_1535 : vector<16xi32>
    %select_n3A_1537 = arith.select %lt3A_1533, %add3A_1536, %xor3A_1530 : vector<16xi1>, vector<16xi32>
    %broadcast_in_dim3A_1538 = vector.shape_cast %select_n3A_1537 : vector<16xi32> to vector<16x1xi32>
    %gather3A_1539 = vector.shape_cast %broadcast_in_dim3A_1538 : vector<16x1xi32> to vector<16xi32>
    %gather3A_1540 = tpu.dynamic_gather %add3A_1527[%gather3A_1539] in [0] : vector<16xi32>, vector<16xi32> -> vector<16xi32>
    %add3A_1541 = arith.addi %add3A_1527, %gather3A_1540 : vector<16xi32>
    %xor3A_1542 = arith.constant 8 : i32
    %xor3A_1543 = vector.broadcast %xor3A_1542 : i32 to vector<16xi32>
    %xor3A_1544 = arith.xori %iota3A, %xor3A_1543 : vector<16xi32>
    %lt3A_1545 = arith.constant 0 : i32
    %lt3A_1546 = vector.broadcast %lt3A_1545 : i32 to vector<16xi32>
    %lt3A_1547 = arith.cmpi slt, %xor3A_1544, %lt3A_1546 : vector<16xi32>
    %add3A_1548 = arith.constant 16 : i32
    %add3A_1549 = vector.broadcast %add3A_1548 : i32 to vector<16xi32>
    %add3A_1550 = arith.addi %xor3A_1544, %add3A_1549 : vector<16xi32>
    %select_n3A_1551 = arith.select %lt3A_1547, %add3A_1550, %xor3A_1544 : vector<16xi1>, vector<16xi32>
    %broadcast_in_dim3A_1552 = vector.shape_cast %select_n3A_1551 : vector<16xi32> to vector<16x1xi32>
    %gather3A_1553 = vector.shape_cast %broadcast_in_dim3A_1552 : vector<16x1xi32> to vector<16xi32>
    %gather3A_1554 = tpu.dynamic_gather %add3A_1541[%gather3A_1553] in [0] : vector<16xi32>, vector<16xi32> -> vector<16xi32>
    %add3A_1555 = arith.addi %add3A_1541, %gather3A_1554 : vector<16xi32>
    %lt3A_1556 = arith.constant 8 : i32
    %lt3A_1557 = vector.broadcast %lt3A_1556 : i32 to vector<16xi32>
    %lt3A_1558 = arith.cmpi slt, %add3A_1555, %lt3A_1557 : vector<16xi32>
    %select_n3A_1559 = arith.select %lt3A_1558, %broadcast_in_dim3A_12, %broadcast_in_dim3A_14 : vector<16xi1>, vector<16xf32>
    %eq3A_1560 = arith.constant 15 : i32
    %eq3A_1561 = vector.broadcast %eq3A_1560 : i32 to vector<16xi32>
    %eq3A_1562 = arith.cmpi eq, %iota3A, %eq3A_1561 : vector<16xi32>
    %select_n3A_1563 = arith.select %eq3A_1562, %select_n3A_1559, %select_n3A_1466 : vector<16xi1>, vector<16xf32>
    %add3A_1564 = arith.constant 0 : i32
    %add3A_1565 = vector.broadcast %add3A_1564 : i32 to vector<16xi32>
    %add3A_1566 = arith.addi %sub3A, %add3A_1565 : vector<16xi32>
    %lt3A_1567 = arith.constant 0 : i32
    %lt3A_1568 = vector.broadcast %lt3A_1567 : i32 to vector<16xi32>
    %lt3A_1569 = arith.cmpi slt, %add3A_1566, %lt3A_1568 : vector<16xi32>
    %add3A_1570 = arith.constant 16 : i32
    %add3A_1571 = vector.broadcast %add3A_1570 : i32 to vector<16xi32>
    %add3A_1572 = arith.addi %add3A_1566, %add3A_1571 : vector<16xi32>
    %select_n3A_1573 = arith.select %lt3A_1569, %add3A_1572, %add3A_1566 : vector<16xi1>, vector<16xi32>
    %broadcast_in_dim3A_1574 = vector.shape_cast %select_n3A_1573 : vector<16xi32> to vector<16x1xi32>
    %gather3A_1575 = vector.shape_cast %broadcast_in_dim3A_1574 : vector<16x1xi32> to vector<16xi32>
    %gather3A_1576 = tpu.dynamic_gather %select_n3A[%gather3A_1575] in [0] : vector<16xf32>, vector<16xi32> -> vector<16xf32>
    %gt3A_1577 = arith.cmpf ogt, %get3A_2, %gather3A_1576 : vector<16xf32>
    %eq3A_1578 = arith.cmpf oeq, %get3A_2, %gather3A_1576 : vector<16xf32>
    %lt3A_1579 = arith.constant 16 : i32
    %lt3A_1580 = vector.broadcast %lt3A_1579 : i32 to vector<16xi32>
    %lt3A_1581 = arith.cmpi slt, %iota3A, %lt3A_1580 : vector<16xi32>
    %and3A_1582 = arith.andi %eq3A_1578, %lt3A_1581 : vector<16xi1>
    %or3A_1583 = arith.ori %gt3A_1577, %and3A_1582 : vector<16xi1>
    %gt3A_1584 = arith.cmpf ogt, %select_n3A, %gather3A_1576 : vector<16xf32>
    %eq3A_1585 = arith.cmpf oeq, %select_n3A, %gather3A_1576 : vector<16xf32>
    %add3A_1586 = arith.constant 16 : i32
    %add3A_1587 = vector.broadcast %add3A_1586 : i32 to vector<16xi32>
    %add3A_1588 = arith.addi %iota3A, %add3A_1587 : vector<16xi32>
    %lt3A_1589 = arith.constant 16 : i32
    %lt3A_1590 = vector.broadcast %lt3A_1589 : i32 to vector<16xi32>
    %lt3A_1591 = arith.cmpi slt, %add3A_1588, %lt3A_1590 : vector<16xi32>
    %and3A_1592 = arith.andi %eq3A_1585, %lt3A_1591 : vector<16xi1>
    %or3A_1593 = arith.ori %gt3A_1584, %and3A_1592 : vector<16xi1>
    %select_n3A_1594 = arith.select %or3A_1583, %broadcast_in_dim3A_16, %broadcast_in_dim3A_18 : vector<16xi1>, vector<16xi32>
    %select_n3A_1595 = arith.select %or3A_1593, %broadcast_in_dim3A_16, %broadcast_in_dim3A_18 : vector<16xi1>, vector<16xi32>
    %add3A_1596 = arith.addi %select_n3A_1594, %select_n3A_1595 : vector<16xi32>
    %xor3A_1597 = arith.constant 1 : i32
    %xor3A_1598 = vector.broadcast %xor3A_1597 : i32 to vector<16xi32>
    %xor3A_1599 = arith.xori %iota3A, %xor3A_1598 : vector<16xi32>
    %lt3A_1600 = arith.constant 0 : i32
    %lt3A_1601 = vector.broadcast %lt3A_1600 : i32 to vector<16xi32>
    %lt3A_1602 = arith.cmpi slt, %xor3A_1599, %lt3A_1601 : vector<16xi32>
    %add3A_1603 = arith.constant 16 : i32
    %add3A_1604 = vector.broadcast %add3A_1603 : i32 to vector<16xi32>
    %add3A_1605 = arith.addi %xor3A_1599, %add3A_1604 : vector<16xi32>
    %select_n3A_1606 = arith.select %lt3A_1602, %add3A_1605, %xor3A_1599 : vector<16xi1>, vector<16xi32>
    %broadcast_in_dim3A_1607 = vector.shape_cast %select_n3A_1606 : vector<16xi32> to vector<16x1xi32>
    %gather3A_1608 = vector.shape_cast %broadcast_in_dim3A_1607 : vector<16x1xi32> to vector<16xi32>
    %gather3A_1609 = tpu.dynamic_gather %add3A_1596[%gather3A_1608] in [0] : vector<16xi32>, vector<16xi32> -> vector<16xi32>
    %add3A_1610 = arith.addi %add3A_1596, %gather3A_1609 : vector<16xi32>
    %xor3A_1611 = arith.constant 2 : i32
    %xor3A_1612 = vector.broadcast %xor3A_1611 : i32 to vector<16xi32>
    %xor3A_1613 = arith.xori %iota3A, %xor3A_1612 : vector<16xi32>
    %lt3A_1614 = arith.constant 0 : i32
    %lt3A_1615 = vector.broadcast %lt3A_1614 : i32 to vector<16xi32>
    %lt3A_1616 = arith.cmpi slt, %xor3A_1613, %lt3A_1615 : vector<16xi32>
    %add3A_1617 = arith.constant 16 : i32
    %add3A_1618 = vector.broadcast %add3A_1617 : i32 to vector<16xi32>
    %add3A_1619 = arith.addi %xor3A_1613, %add3A_1618 : vector<16xi32>
    %select_n3A_1620 = arith.select %lt3A_1616, %add3A_1619, %xor3A_1613 : vector<16xi1>, vector<16xi32>
    %broadcast_in_dim3A_1621 = vector.shape_cast %select_n3A_1620 : vector<16xi32> to vector<16x1xi32>
    %gather3A_1622 = vector.shape_cast %broadcast_in_dim3A_1621 : vector<16x1xi32> to vector<16xi32>
    %gather3A_1623 = tpu.dynamic_gather %add3A_1610[%gather3A_1622] in [0] : vector<16xi32>, vector<16xi32> -> vector<16xi32>
    %add3A_1624 = arith.addi %add3A_1610, %gather3A_1623 : vector<16xi32>
    %xor3A_1625 = arith.constant 4 : i32
    %xor3A_1626 = vector.broadcast %xor3A_1625 : i32 to vector<16xi32>
    %xor3A_1627 = arith.xori %iota3A, %xor3A_1626 : vector<16xi32>
    %lt3A_1628 = arith.constant 0 : i32
    %lt3A_1629 = vector.broadcast %lt3A_1628 : i32 to vector<16xi32>
    %lt3A_1630 = arith.cmpi slt, %xor3A_1627, %lt3A_1629 : vector<16xi32>
    %add3A_1631 = arith.constant 16 : i32
    %add3A_1632 = vector.broadcast %add3A_1631 : i32 to vector<16xi32>
    %add3A_1633 = arith.addi %xor3A_1627, %add3A_1632 : vector<16xi32>
    %select_n3A_1634 = arith.select %lt3A_1630, %add3A_1633, %xor3A_1627 : vector<16xi1>, vector<16xi32>
    %broadcast_in_dim3A_1635 = vector.shape_cast %select_n3A_1634 : vector<16xi32> to vector<16x1xi32>
    %gather3A_1636 = vector.shape_cast %broadcast_in_dim3A_1635 : vector<16x1xi32> to vector<16xi32>
    %gather3A_1637 = tpu.dynamic_gather %add3A_1624[%gather3A_1636] in [0] : vector<16xi32>, vector<16xi32> -> vector<16xi32>
    %add3A_1638 = arith.addi %add3A_1624, %gather3A_1637 : vector<16xi32>
    %xor3A_1639 = arith.constant 8 : i32
    %xor3A_1640 = vector.broadcast %xor3A_1639 : i32 to vector<16xi32>
    %xor3A_1641 = arith.xori %iota3A, %xor3A_1640 : vector<16xi32>
    %lt3A_1642 = arith.constant 0 : i32
    %lt3A_1643 = vector.broadcast %lt3A_1642 : i32 to vector<16xi32>
    %lt3A_1644 = arith.cmpi slt, %xor3A_1641, %lt3A_1643 : vector<16xi32>
    %add3A_1645 = arith.constant 16 : i32
    %add3A_1646 = vector.broadcast %add3A_1645 : i32 to vector<16xi32>
    %add3A_1647 = arith.addi %xor3A_1641, %add3A_1646 : vector<16xi32>
    %select_n3A_1648 = arith.select %lt3A_1644, %add3A_1647, %xor3A_1641 : vector<16xi1>, vector<16xi32>
    %broadcast_in_dim3A_1649 = vector.shape_cast %select_n3A_1648 : vector<16xi32> to vector<16x1xi32>
    %gather3A_1650 = vector.shape_cast %broadcast_in_dim3A_1649 : vector<16x1xi32> to vector<16xi32>
    %gather3A_1651 = tpu.dynamic_gather %add3A_1638[%gather3A_1650] in [0] : vector<16xi32>, vector<16xi32> -> vector<16xi32>
    %add3A_1652 = arith.addi %add3A_1638, %gather3A_1651 : vector<16xi32>
    %lt3A_1653 = arith.constant 8 : i32
    %lt3A_1654 = vector.broadcast %lt3A_1653 : i32 to vector<16xi32>
    %lt3A_1655 = arith.cmpi slt, %add3A_1652, %lt3A_1654 : vector<16xi32>
    %select_n3A_1656 = arith.select %lt3A_1655, %broadcast_in_dim3A_12, %broadcast_in_dim3A_14 : vector<16xi1>, vector<16xf32>
    %eq3A_1657 = arith.constant 0 : i32
    %eq3A_1658 = vector.broadcast %eq3A_1657 : i32 to vector<16xi32>
    %eq3A_1659 = arith.cmpi eq, %iota3A, %eq3A_1658 : vector<16xi32>
    %select_n3A_1660 = arith.select %eq3A_1659, %select_n3A_1656, %broadcast_in_dim3A_14 : vector<16xi1>, vector<16xf32>
    %add3A_1661 = arith.constant 1 : i32
    %add3A_1662 = vector.broadcast %add3A_1661 : i32 to vector<16xi32>
    %add3A_1663 = arith.addi %sub3A, %add3A_1662 : vector<16xi32>
    %lt3A_1664 = arith.constant 0 : i32
    %lt3A_1665 = vector.broadcast %lt3A_1664 : i32 to vector<16xi32>
    %lt3A_1666 = arith.cmpi slt, %add3A_1663, %lt3A_1665 : vector<16xi32>
    %add3A_1667 = arith.constant 16 : i32
    %add3A_1668 = vector.broadcast %add3A_1667 : i32 to vector<16xi32>
    %add3A_1669 = arith.addi %add3A_1663, %add3A_1668 : vector<16xi32>
    %select_n3A_1670 = arith.select %lt3A_1666, %add3A_1669, %add3A_1663 : vector<16xi1>, vector<16xi32>
    %broadcast_in_dim3A_1671 = vector.shape_cast %select_n3A_1670 : vector<16xi32> to vector<16x1xi32>
    %gather3A_1672 = vector.shape_cast %broadcast_in_dim3A_1671 : vector<16x1xi32> to vector<16xi32>
    %gather3A_1673 = tpu.dynamic_gather %select_n3A[%gather3A_1672] in [0] : vector<16xf32>, vector<16xi32> -> vector<16xf32>
    %gt3A_1674 = arith.cmpf ogt, %get3A_2, %gather3A_1673 : vector<16xf32>
    %eq3A_1675 = arith.cmpf oeq, %get3A_2, %gather3A_1673 : vector<16xf32>
    %lt3A_1676 = arith.constant 17 : i32
    %lt3A_1677 = vector.broadcast %lt3A_1676 : i32 to vector<16xi32>
    %lt3A_1678 = arith.cmpi slt, %iota3A, %lt3A_1677 : vector<16xi32>
    %and3A_1679 = arith.andi %eq3A_1675, %lt3A_1678 : vector<16xi1>
    %or3A_1680 = arith.ori %gt3A_1674, %and3A_1679 : vector<16xi1>
    %gt3A_1681 = arith.cmpf ogt, %select_n3A, %gather3A_1673 : vector<16xf32>
    %eq3A_1682 = arith.cmpf oeq, %select_n3A, %gather3A_1673 : vector<16xf32>
    %add3A_1683 = arith.constant 16 : i32
    %add3A_1684 = vector.broadcast %add3A_1683 : i32 to vector<16xi32>
    %add3A_1685 = arith.addi %iota3A, %add3A_1684 : vector<16xi32>
    %lt3A_1686 = arith.constant 17 : i32
    %lt3A_1687 = vector.broadcast %lt3A_1686 : i32 to vector<16xi32>
    %lt3A_1688 = arith.cmpi slt, %add3A_1685, %lt3A_1687 : vector<16xi32>
    %and3A_1689 = arith.andi %eq3A_1682, %lt3A_1688 : vector<16xi1>
    %or3A_1690 = arith.ori %gt3A_1681, %and3A_1689 : vector<16xi1>
    %select_n3A_1691 = arith.select %or3A_1680, %broadcast_in_dim3A_16, %broadcast_in_dim3A_18 : vector<16xi1>, vector<16xi32>
    %select_n3A_1692 = arith.select %or3A_1690, %broadcast_in_dim3A_16, %broadcast_in_dim3A_18 : vector<16xi1>, vector<16xi32>
    %add3A_1693 = arith.addi %select_n3A_1691, %select_n3A_1692 : vector<16xi32>
    %xor3A_1694 = arith.constant 1 : i32
    %xor3A_1695 = vector.broadcast %xor3A_1694 : i32 to vector<16xi32>
    %xor3A_1696 = arith.xori %iota3A, %xor3A_1695 : vector<16xi32>
    %lt3A_1697 = arith.constant 0 : i32
    %lt3A_1698 = vector.broadcast %lt3A_1697 : i32 to vector<16xi32>
    %lt3A_1699 = arith.cmpi slt, %xor3A_1696, %lt3A_1698 : vector<16xi32>
    %add3A_1700 = arith.constant 16 : i32
    %add3A_1701 = vector.broadcast %add3A_1700 : i32 to vector<16xi32>
    %add3A_1702 = arith.addi %xor3A_1696, %add3A_1701 : vector<16xi32>
    %select_n3A_1703 = arith.select %lt3A_1699, %add3A_1702, %xor3A_1696 : vector<16xi1>, vector<16xi32>
    %broadcast_in_dim3A_1704 = vector.shape_cast %select_n3A_1703 : vector<16xi32> to vector<16x1xi32>
    %gather3A_1705 = vector.shape_cast %broadcast_in_dim3A_1704 : vector<16x1xi32> to vector<16xi32>
    %gather3A_1706 = tpu.dynamic_gather %add3A_1693[%gather3A_1705] in [0] : vector<16xi32>, vector<16xi32> -> vector<16xi32>
    %add3A_1707 = arith.addi %add3A_1693, %gather3A_1706 : vector<16xi32>
    %xor3A_1708 = arith.constant 2 : i32
    %xor3A_1709 = vector.broadcast %xor3A_1708 : i32 to vector<16xi32>
    %xor3A_1710 = arith.xori %iota3A, %xor3A_1709 : vector<16xi32>
    %lt3A_1711 = arith.constant 0 : i32
    %lt3A_1712 = vector.broadcast %lt3A_1711 : i32 to vector<16xi32>
    %lt3A_1713 = arith.cmpi slt, %xor3A_1710, %lt3A_1712 : vector<16xi32>
    %add3A_1714 = arith.constant 16 : i32
    %add3A_1715 = vector.broadcast %add3A_1714 : i32 to vector<16xi32>
    %add3A_1716 = arith.addi %xor3A_1710, %add3A_1715 : vector<16xi32>
    %select_n3A_1717 = arith.select %lt3A_1713, %add3A_1716, %xor3A_1710 : vector<16xi1>, vector<16xi32>
    %broadcast_in_dim3A_1718 = vector.shape_cast %select_n3A_1717 : vector<16xi32> to vector<16x1xi32>
    %gather3A_1719 = vector.shape_cast %broadcast_in_dim3A_1718 : vector<16x1xi32> to vector<16xi32>
    %gather3A_1720 = tpu.dynamic_gather %add3A_1707[%gather3A_1719] in [0] : vector<16xi32>, vector<16xi32> -> vector<16xi32>
    %add3A_1721 = arith.addi %add3A_1707, %gather3A_1720 : vector<16xi32>
    %xor3A_1722 = arith.constant 4 : i32
    %xor3A_1723 = vector.broadcast %xor3A_1722 : i32 to vector<16xi32>
    %xor3A_1724 = arith.xori %iota3A, %xor3A_1723 : vector<16xi32>
    %lt3A_1725 = arith.constant 0 : i32
    %lt3A_1726 = vector.broadcast %lt3A_1725 : i32 to vector<16xi32>
    %lt3A_1727 = arith.cmpi slt, %xor3A_1724, %lt3A_1726 : vector<16xi32>
    %add3A_1728 = arith.constant 16 : i32
    %add3A_1729 = vector.broadcast %add3A_1728 : i32 to vector<16xi32>
    %add3A_1730 = arith.addi %xor3A_1724, %add3A_1729 : vector<16xi32>
    %select_n3A_1731 = arith.select %lt3A_1727, %add3A_1730, %xor3A_1724 : vector<16xi1>, vector<16xi32>
    %broadcast_in_dim3A_1732 = vector.shape_cast %select_n3A_1731 : vector<16xi32> to vector<16x1xi32>
    %gather3A_1733 = vector.shape_cast %broadcast_in_dim3A_1732 : vector<16x1xi32> to vector<16xi32>
    %gather3A_1734 = tpu.dynamic_gather %add3A_1721[%gather3A_1733] in [0] : vector<16xi32>, vector<16xi32> -> vector<16xi32>
    %add3A_1735 = arith.addi %add3A_1721, %gather3A_1734 : vector<16xi32>
    %xor3A_1736 = arith.constant 8 : i32
    %xor3A_1737 = vector.broadcast %xor3A_1736 : i32 to vector<16xi32>
    %xor3A_1738 = arith.xori %iota3A, %xor3A_1737 : vector<16xi32>
    %lt3A_1739 = arith.constant 0 : i32
    %lt3A_1740 = vector.broadcast %lt3A_1739 : i32 to vector<16xi32>
    %lt3A_1741 = arith.cmpi slt, %xor3A_1738, %lt3A_1740 : vector<16xi32>
    %add3A_1742 = arith.constant 16 : i32
    %add3A_1743 = vector.broadcast %add3A_1742 : i32 to vector<16xi32>
    %add3A_1744 = arith.addi %xor3A_1738, %add3A_1743 : vector<16xi32>
    %select_n3A_1745 = arith.select %lt3A_1741, %add3A_1744, %xor3A_1738 : vector<16xi1>, vector<16xi32>
    %broadcast_in_dim3A_1746 = vector.shape_cast %select_n3A_1745 : vector<16xi32> to vector<16x1xi32>
    %gather3A_1747 = vector.shape_cast %broadcast_in_dim3A_1746 : vector<16x1xi32> to vector<16xi32>
    %gather3A_1748 = tpu.dynamic_gather %add3A_1735[%gather3A_1747] in [0] : vector<16xi32>, vector<16xi32> -> vector<16xi32>
    %add3A_1749 = arith.addi %add3A_1735, %gather3A_1748 : vector<16xi32>
    %lt3A_1750 = arith.constant 8 : i32
    %lt3A_1751 = vector.broadcast %lt3A_1750 : i32 to vector<16xi32>
    %lt3A_1752 = arith.cmpi slt, %add3A_1749, %lt3A_1751 : vector<16xi32>
    %select_n3A_1753 = arith.select %lt3A_1752, %broadcast_in_dim3A_12, %broadcast_in_dim3A_14 : vector<16xi1>, vector<16xf32>
    %eq3A_1754 = arith.constant 1 : i32
    %eq3A_1755 = vector.broadcast %eq3A_1754 : i32 to vector<16xi32>
    %eq3A_1756 = arith.cmpi eq, %iota3A, %eq3A_1755 : vector<16xi32>
    %select_n3A_1757 = arith.select %eq3A_1756, %select_n3A_1753, %select_n3A_1660 : vector<16xi1>, vector<16xf32>
    %add3A_1758 = arith.constant 2 : i32
    %add3A_1759 = vector.broadcast %add3A_1758 : i32 to vector<16xi32>
    %add3A_1760 = arith.addi %sub3A, %add3A_1759 : vector<16xi32>
    %lt3A_1761 = arith.constant 0 : i32
    %lt3A_1762 = vector.broadcast %lt3A_1761 : i32 to vector<16xi32>
    %lt3A_1763 = arith.cmpi slt, %add3A_1760, %lt3A_1762 : vector<16xi32>
    %add3A_1764 = arith.constant 16 : i32
    %add3A_1765 = vector.broadcast %add3A_1764 : i32 to vector<16xi32>
    %add3A_1766 = arith.addi %add3A_1760, %add3A_1765 : vector<16xi32>
    %select_n3A_1767 = arith.select %lt3A_1763, %add3A_1766, %add3A_1760 : vector<16xi1>, vector<16xi32>
    %broadcast_in_dim3A_1768 = vector.shape_cast %select_n3A_1767 : vector<16xi32> to vector<16x1xi32>
    %gather3A_1769 = vector.shape_cast %broadcast_in_dim3A_1768 : vector<16x1xi32> to vector<16xi32>
    %gather3A_1770 = tpu.dynamic_gather %select_n3A[%gather3A_1769] in [0] : vector<16xf32>, vector<16xi32> -> vector<16xf32>
    %gt3A_1771 = arith.cmpf ogt, %get3A_2, %gather3A_1770 : vector<16xf32>
    %eq3A_1772 = arith.cmpf oeq, %get3A_2, %gather3A_1770 : vector<16xf32>
    %lt3A_1773 = arith.constant 18 : i32
    %lt3A_1774 = vector.broadcast %lt3A_1773 : i32 to vector<16xi32>
    %lt3A_1775 = arith.cmpi slt, %iota3A, %lt3A_1774 : vector<16xi32>
    %and3A_1776 = arith.andi %eq3A_1772, %lt3A_1775 : vector<16xi1>
    %or3A_1777 = arith.ori %gt3A_1771, %and3A_1776 : vector<16xi1>
    %gt3A_1778 = arith.cmpf ogt, %select_n3A, %gather3A_1770 : vector<16xf32>
    %eq3A_1779 = arith.cmpf oeq, %select_n3A, %gather3A_1770 : vector<16xf32>
    %add3A_1780 = arith.constant 16 : i32
    %add3A_1781 = vector.broadcast %add3A_1780 : i32 to vector<16xi32>
    %add3A_1782 = arith.addi %iota3A, %add3A_1781 : vector<16xi32>
    %lt3A_1783 = arith.constant 18 : i32
    %lt3A_1784 = vector.broadcast %lt3A_1783 : i32 to vector<16xi32>
    %lt3A_1785 = arith.cmpi slt, %add3A_1782, %lt3A_1784 : vector<16xi32>
    %and3A_1786 = arith.andi %eq3A_1779, %lt3A_1785 : vector<16xi1>
    %or3A_1787 = arith.ori %gt3A_1778, %and3A_1786 : vector<16xi1>
    %select_n3A_1788 = arith.select %or3A_1777, %broadcast_in_dim3A_16, %broadcast_in_dim3A_18 : vector<16xi1>, vector<16xi32>
    %select_n3A_1789 = arith.select %or3A_1787, %broadcast_in_dim3A_16, %broadcast_in_dim3A_18 : vector<16xi1>, vector<16xi32>
    %add3A_1790 = arith.addi %select_n3A_1788, %select_n3A_1789 : vector<16xi32>
    %xor3A_1791 = arith.constant 1 : i32
    %xor3A_1792 = vector.broadcast %xor3A_1791 : i32 to vector<16xi32>
    %xor3A_1793 = arith.xori %iota3A, %xor3A_1792 : vector<16xi32>
    %lt3A_1794 = arith.constant 0 : i32
    %lt3A_1795 = vector.broadcast %lt3A_1794 : i32 to vector<16xi32>
    %lt3A_1796 = arith.cmpi slt, %xor3A_1793, %lt3A_1795 : vector<16xi32>
    %add3A_1797 = arith.constant 16 : i32
    %add3A_1798 = vector.broadcast %add3A_1797 : i32 to vector<16xi32>
    %add3A_1799 = arith.addi %xor3A_1793, %add3A_1798 : vector<16xi32>
    %select_n3A_1800 = arith.select %lt3A_1796, %add3A_1799, %xor3A_1793 : vector<16xi1>, vector<16xi32>
    %broadcast_in_dim3A_1801 = vector.shape_cast %select_n3A_1800 : vector<16xi32> to vector<16x1xi32>
    %gather3A_1802 = vector.shape_cast %broadcast_in_dim3A_1801 : vector<16x1xi32> to vector<16xi32>
    %gather3A_1803 = tpu.dynamic_gather %add3A_1790[%gather3A_1802] in [0] : vector<16xi32>, vector<16xi32> -> vector<16xi32>
    %add3A_1804 = arith.addi %add3A_1790, %gather3A_1803 : vector<16xi32>
    %xor3A_1805 = arith.constant 2 : i32
    %xor3A_1806 = vector.broadcast %xor3A_1805 : i32 to vector<16xi32>
    %xor3A_1807 = arith.xori %iota3A, %xor3A_1806 : vector<16xi32>
    %lt3A_1808 = arith.constant 0 : i32
    %lt3A_1809 = vector.broadcast %lt3A_1808 : i32 to vector<16xi32>
    %lt3A_1810 = arith.cmpi slt, %xor3A_1807, %lt3A_1809 : vector<16xi32>
    %add3A_1811 = arith.constant 16 : i32
    %add3A_1812 = vector.broadcast %add3A_1811 : i32 to vector<16xi32>
    %add3A_1813 = arith.addi %xor3A_1807, %add3A_1812 : vector<16xi32>
    %select_n3A_1814 = arith.select %lt3A_1810, %add3A_1813, %xor3A_1807 : vector<16xi1>, vector<16xi32>
    %broadcast_in_dim3A_1815 = vector.shape_cast %select_n3A_1814 : vector<16xi32> to vector<16x1xi32>
    %gather3A_1816 = vector.shape_cast %broadcast_in_dim3A_1815 : vector<16x1xi32> to vector<16xi32>
    %gather3A_1817 = tpu.dynamic_gather %add3A_1804[%gather3A_1816] in [0] : vector<16xi32>, vector<16xi32> -> vector<16xi32>
    %add3A_1818 = arith.addi %add3A_1804, %gather3A_1817 : vector<16xi32>
    %xor3A_1819 = arith.constant 4 : i32
    %xor3A_1820 = vector.broadcast %xor3A_1819 : i32 to vector<16xi32>
    %xor3A_1821 = arith.xori %iota3A, %xor3A_1820 : vector<16xi32>
    %lt3A_1822 = arith.constant 0 : i32
    %lt3A_1823 = vector.broadcast %lt3A_1822 : i32 to vector<16xi32>
    %lt3A_1824 = arith.cmpi slt, %xor3A_1821, %lt3A_1823 : vector<16xi32>
    %add3A_1825 = arith.constant 16 : i32
    %add3A_1826 = vector.broadcast %add3A_1825 : i32 to vector<16xi32>
    %add3A_1827 = arith.addi %xor3A_1821, %add3A_1826 : vector<16xi32>
    %select_n3A_1828 = arith.select %lt3A_1824, %add3A_1827, %xor3A_1821 : vector<16xi1>, vector<16xi32>
    %broadcast_in_dim3A_1829 = vector.shape_cast %select_n3A_1828 : vector<16xi32> to vector<16x1xi32>
    %gather3A_1830 = vector.shape_cast %broadcast_in_dim3A_1829 : vector<16x1xi32> to vector<16xi32>
    %gather3A_1831 = tpu.dynamic_gather %add3A_1818[%gather3A_1830] in [0] : vector<16xi32>, vector<16xi32> -> vector<16xi32>
    %add3A_1832 = arith.addi %add3A_1818, %gather3A_1831 : vector<16xi32>
    %xor3A_1833 = arith.constant 8 : i32
    %xor3A_1834 = vector.broadcast %xor3A_1833 : i32 to vector<16xi32>
    %xor3A_1835 = arith.xori %iota3A, %xor3A_1834 : vector<16xi32>
    %lt3A_1836 = arith.constant 0 : i32
    %lt3A_1837 = vector.broadcast %lt3A_1836 : i32 to vector<16xi32>
    %lt3A_1838 = arith.cmpi slt, %xor3A_1835, %lt3A_1837 : vector<16xi32>
    %add3A_1839 = arith.constant 16 : i32
    %add3A_1840 = vector.broadcast %add3A_1839 : i32 to vector<16xi32>
    %add3A_1841 = arith.addi %xor3A_1835, %add3A_1840 : vector<16xi32>
    %select_n3A_1842 = arith.select %lt3A_1838, %add3A_1841, %xor3A_1835 : vector<16xi1>, vector<16xi32>
    %broadcast_in_dim3A_1843 = vector.shape_cast %select_n3A_1842 : vector<16xi32> to vector<16x1xi32>
    %gather3A_1844 = vector.shape_cast %broadcast_in_dim3A_1843 : vector<16x1xi32> to vector<16xi32>
    %gather3A_1845 = tpu.dynamic_gather %add3A_1832[%gather3A_1844] in [0] : vector<16xi32>, vector<16xi32> -> vector<16xi32>
    %add3A_1846 = arith.addi %add3A_1832, %gather3A_1845 : vector<16xi32>
    %lt3A_1847 = arith.constant 8 : i32
    %lt3A_1848 = vector.broadcast %lt3A_1847 : i32 to vector<16xi32>
    %lt3A_1849 = arith.cmpi slt, %add3A_1846, %lt3A_1848 : vector<16xi32>
    %select_n3A_1850 = arith.select %lt3A_1849, %broadcast_in_dim3A_12, %broadcast_in_dim3A_14 : vector<16xi1>, vector<16xf32>
    %eq3A_1851 = arith.constant 2 : i32
    %eq3A_1852 = vector.broadcast %eq3A_1851 : i32 to vector<16xi32>
    %eq3A_1853 = arith.cmpi eq, %iota3A, %eq3A_1852 : vector<16xi32>
    %select_n3A_1854 = arith.select %eq3A_1853, %select_n3A_1850, %select_n3A_1757 : vector<16xi1>, vector<16xf32>
    %add3A_1855 = arith.constant 3 : i32
    %add3A_1856 = vector.broadcast %add3A_1855 : i32 to vector<16xi32>
    %add3A_1857 = arith.addi %sub3A, %add3A_1856 : vector<16xi32>
    %lt3A_1858 = arith.constant 0 : i32
    %lt3A_1859 = vector.broadcast %lt3A_1858 : i32 to vector<16xi32>
    %lt3A_1860 = arith.cmpi slt, %add3A_1857, %lt3A_1859 : vector<16xi32>
    %add3A_1861 = arith.constant 16 : i32
    %add3A_1862 = vector.broadcast %add3A_1861 : i32 to vector<16xi32>
    %add3A_1863 = arith.addi %add3A_1857, %add3A_1862 : vector<16xi32>
    %select_n3A_1864 = arith.select %lt3A_1860, %add3A_1863, %add3A_1857 : vector<16xi1>, vector<16xi32>
    %broadcast_in_dim3A_1865 = vector.shape_cast %select_n3A_1864 : vector<16xi32> to vector<16x1xi32>
    %gather3A_1866 = vector.shape_cast %broadcast_in_dim3A_1865 : vector<16x1xi32> to vector<16xi32>
    %gather3A_1867 = tpu.dynamic_gather %select_n3A[%gather3A_1866] in [0] : vector<16xf32>, vector<16xi32> -> vector<16xf32>
    %gt3A_1868 = arith.cmpf ogt, %get3A_2, %gather3A_1867 : vector<16xf32>
    %eq3A_1869 = arith.cmpf oeq, %get3A_2, %gather3A_1867 : vector<16xf32>
    %lt3A_1870 = arith.constant 19 : i32
    %lt3A_1871 = vector.broadcast %lt3A_1870 : i32 to vector<16xi32>
    %lt3A_1872 = arith.cmpi slt, %iota3A, %lt3A_1871 : vector<16xi32>
    %and3A_1873 = arith.andi %eq3A_1869, %lt3A_1872 : vector<16xi1>
    %or3A_1874 = arith.ori %gt3A_1868, %and3A_1873 : vector<16xi1>
    %gt3A_1875 = arith.cmpf ogt, %select_n3A, %gather3A_1867 : vector<16xf32>
    %eq3A_1876 = arith.cmpf oeq, %select_n3A, %gather3A_1867 : vector<16xf32>
    %add3A_1877 = arith.constant 16 : i32
    %add3A_1878 = vector.broadcast %add3A_1877 : i32 to vector<16xi32>
    %add3A_1879 = arith.addi %iota3A, %add3A_1878 : vector<16xi32>
    %lt3A_1880 = arith.constant 19 : i32
    %lt3A_1881 = vector.broadcast %lt3A_1880 : i32 to vector<16xi32>
    %lt3A_1882 = arith.cmpi slt, %add3A_1879, %lt3A_1881 : vector<16xi32>
    %and3A_1883 = arith.andi %eq3A_1876, %lt3A_1882 : vector<16xi1>
    %or3A_1884 = arith.ori %gt3A_1875, %and3A_1883 : vector<16xi1>
    %select_n3A_1885 = arith.select %or3A_1874, %broadcast_in_dim3A_16, %broadcast_in_dim3A_18 : vector<16xi1>, vector<16xi32>
    %select_n3A_1886 = arith.select %or3A_1884, %broadcast_in_dim3A_16, %broadcast_in_dim3A_18 : vector<16xi1>, vector<16xi32>
    %add3A_1887 = arith.addi %select_n3A_1885, %select_n3A_1886 : vector<16xi32>
    %xor3A_1888 = arith.constant 1 : i32
    %xor3A_1889 = vector.broadcast %xor3A_1888 : i32 to vector<16xi32>
    %xor3A_1890 = arith.xori %iota3A, %xor3A_1889 : vector<16xi32>
    %lt3A_1891 = arith.constant 0 : i32
    %lt3A_1892 = vector.broadcast %lt3A_1891 : i32 to vector<16xi32>
    %lt3A_1893 = arith.cmpi slt, %xor3A_1890, %lt3A_1892 : vector<16xi32>
    %add3A_1894 = arith.constant 16 : i32
    %add3A_1895 = vector.broadcast %add3A_1894 : i32 to vector<16xi32>
    %add3A_1896 = arith.addi %xor3A_1890, %add3A_1895 : vector<16xi32>
    %select_n3A_1897 = arith.select %lt3A_1893, %add3A_1896, %xor3A_1890 : vector<16xi1>, vector<16xi32>
    %broadcast_in_dim3A_1898 = vector.shape_cast %select_n3A_1897 : vector<16xi32> to vector<16x1xi32>
    %gather3A_1899 = vector.shape_cast %broadcast_in_dim3A_1898 : vector<16x1xi32> to vector<16xi32>
    %gather3A_1900 = tpu.dynamic_gather %add3A_1887[%gather3A_1899] in [0] : vector<16xi32>, vector<16xi32> -> vector<16xi32>
    %add3A_1901 = arith.addi %add3A_1887, %gather3A_1900 : vector<16xi32>
    %xor3A_1902 = arith.constant 2 : i32
    %xor3A_1903 = vector.broadcast %xor3A_1902 : i32 to vector<16xi32>
    %xor3A_1904 = arith.xori %iota3A, %xor3A_1903 : vector<16xi32>
    %lt3A_1905 = arith.constant 0 : i32
    %lt3A_1906 = vector.broadcast %lt3A_1905 : i32 to vector<16xi32>
    %lt3A_1907 = arith.cmpi slt, %xor3A_1904, %lt3A_1906 : vector<16xi32>
    %add3A_1908 = arith.constant 16 : i32
    %add3A_1909 = vector.broadcast %add3A_1908 : i32 to vector<16xi32>
    %add3A_1910 = arith.addi %xor3A_1904, %add3A_1909 : vector<16xi32>
    %select_n3A_1911 = arith.select %lt3A_1907, %add3A_1910, %xor3A_1904 : vector<16xi1>, vector<16xi32>
    %broadcast_in_dim3A_1912 = vector.shape_cast %select_n3A_1911 : vector<16xi32> to vector<16x1xi32>
    %gather3A_1913 = vector.shape_cast %broadcast_in_dim3A_1912 : vector<16x1xi32> to vector<16xi32>
    %gather3A_1914 = tpu.dynamic_gather %add3A_1901[%gather3A_1913] in [0] : vector<16xi32>, vector<16xi32> -> vector<16xi32>
    %add3A_1915 = arith.addi %add3A_1901, %gather3A_1914 : vector<16xi32>
    %xor3A_1916 = arith.constant 4 : i32
    %xor3A_1917 = vector.broadcast %xor3A_1916 : i32 to vector<16xi32>
    %xor3A_1918 = arith.xori %iota3A, %xor3A_1917 : vector<16xi32>
    %lt3A_1919 = arith.constant 0 : i32
    %lt3A_1920 = vector.broadcast %lt3A_1919 : i32 to vector<16xi32>
    %lt3A_1921 = arith.cmpi slt, %xor3A_1918, %lt3A_1920 : vector<16xi32>
    %add3A_1922 = arith.constant 16 : i32
    %add3A_1923 = vector.broadcast %add3A_1922 : i32 to vector<16xi32>
    %add3A_1924 = arith.addi %xor3A_1918, %add3A_1923 : vector<16xi32>
    %select_n3A_1925 = arith.select %lt3A_1921, %add3A_1924, %xor3A_1918 : vector<16xi1>, vector<16xi32>
    %broadcast_in_dim3A_1926 = vector.shape_cast %select_n3A_1925 : vector<16xi32> to vector<16x1xi32>
    %gather3A_1927 = vector.shape_cast %broadcast_in_dim3A_1926 : vector<16x1xi32> to vector<16xi32>
    %gather3A_1928 = tpu.dynamic_gather %add3A_1915[%gather3A_1927] in [0] : vector<16xi32>, vector<16xi32> -> vector<16xi32>
    %add3A_1929 = arith.addi %add3A_1915, %gather3A_1928 : vector<16xi32>
    %xor3A_1930 = arith.constant 8 : i32
    %xor3A_1931 = vector.broadcast %xor3A_1930 : i32 to vector<16xi32>
    %xor3A_1932 = arith.xori %iota3A, %xor3A_1931 : vector<16xi32>
    %lt3A_1933 = arith.constant 0 : i32
    %lt3A_1934 = vector.broadcast %lt3A_1933 : i32 to vector<16xi32>
    %lt3A_1935 = arith.cmpi slt, %xor3A_1932, %lt3A_1934 : vector<16xi32>
    %add3A_1936 = arith.constant 16 : i32
    %add3A_1937 = vector.broadcast %add3A_1936 : i32 to vector<16xi32>
    %add3A_1938 = arith.addi %xor3A_1932, %add3A_1937 : vector<16xi32>
    %select_n3A_1939 = arith.select %lt3A_1935, %add3A_1938, %xor3A_1932 : vector<16xi1>, vector<16xi32>
    %broadcast_in_dim3A_1940 = vector.shape_cast %select_n3A_1939 : vector<16xi32> to vector<16x1xi32>
    %gather3A_1941 = vector.shape_cast %broadcast_in_dim3A_1940 : vector<16x1xi32> to vector<16xi32>
    %gather3A_1942 = tpu.dynamic_gather %add3A_1929[%gather3A_1941] in [0] : vector<16xi32>, vector<16xi32> -> vector<16xi32>
    %add3A_1943 = arith.addi %add3A_1929, %gather3A_1942 : vector<16xi32>
    %lt3A_1944 = arith.constant 8 : i32
    %lt3A_1945 = vector.broadcast %lt3A_1944 : i32 to vector<16xi32>
    %lt3A_1946 = arith.cmpi slt, %add3A_1943, %lt3A_1945 : vector<16xi32>
    %select_n3A_1947 = arith.select %lt3A_1946, %broadcast_in_dim3A_12, %broadcast_in_dim3A_14 : vector<16xi1>, vector<16xf32>
    %eq3A_1948 = arith.constant 3 : i32
    %eq3A_1949 = vector.broadcast %eq3A_1948 : i32 to vector<16xi32>
    %eq3A_1950 = arith.cmpi eq, %iota3A, %eq3A_1949 : vector<16xi32>
    %select_n3A_1951 = arith.select %eq3A_1950, %select_n3A_1947, %select_n3A_1854 : vector<16xi1>, vector<16xf32>
    %add3A_1952 = arith.constant 4 : i32
    %add3A_1953 = vector.broadcast %add3A_1952 : i32 to vector<16xi32>
    %add3A_1954 = arith.addi %sub3A, %add3A_1953 : vector<16xi32>
    %lt3A_1955 = arith.constant 0 : i32
    %lt3A_1956 = vector.broadcast %lt3A_1955 : i32 to vector<16xi32>
    %lt3A_1957 = arith.cmpi slt, %add3A_1954, %lt3A_1956 : vector<16xi32>
    %add3A_1958 = arith.constant 16 : i32
    %add3A_1959 = vector.broadcast %add3A_1958 : i32 to vector<16xi32>
    %add3A_1960 = arith.addi %add3A_1954, %add3A_1959 : vector<16xi32>
    %select_n3A_1961 = arith.select %lt3A_1957, %add3A_1960, %add3A_1954 : vector<16xi1>, vector<16xi32>
    %broadcast_in_dim3A_1962 = vector.shape_cast %select_n3A_1961 : vector<16xi32> to vector<16x1xi32>
    %gather3A_1963 = vector.shape_cast %broadcast_in_dim3A_1962 : vector<16x1xi32> to vector<16xi32>
    %gather3A_1964 = tpu.dynamic_gather %select_n3A[%gather3A_1963] in [0] : vector<16xf32>, vector<16xi32> -> vector<16xf32>
    %gt3A_1965 = arith.cmpf ogt, %get3A_2, %gather3A_1964 : vector<16xf32>
    %eq3A_1966 = arith.cmpf oeq, %get3A_2, %gather3A_1964 : vector<16xf32>
    %lt3A_1967 = arith.constant 20 : i32
    %lt3A_1968 = vector.broadcast %lt3A_1967 : i32 to vector<16xi32>
    %lt3A_1969 = arith.cmpi slt, %iota3A, %lt3A_1968 : vector<16xi32>
    %and3A_1970 = arith.andi %eq3A_1966, %lt3A_1969 : vector<16xi1>
    %or3A_1971 = arith.ori %gt3A_1965, %and3A_1970 : vector<16xi1>
    %gt3A_1972 = arith.cmpf ogt, %select_n3A, %gather3A_1964 : vector<16xf32>
    %eq3A_1973 = arith.cmpf oeq, %select_n3A, %gather3A_1964 : vector<16xf32>
    %add3A_1974 = arith.constant 16 : i32
    %add3A_1975 = vector.broadcast %add3A_1974 : i32 to vector<16xi32>
    %add3A_1976 = arith.addi %iota3A, %add3A_1975 : vector<16xi32>
    %lt3A_1977 = arith.constant 20 : i32
    %lt3A_1978 = vector.broadcast %lt3A_1977 : i32 to vector<16xi32>
    %lt3A_1979 = arith.cmpi slt, %add3A_1976, %lt3A_1978 : vector<16xi32>
    %and3A_1980 = arith.andi %eq3A_1973, %lt3A_1979 : vector<16xi1>
    %or3A_1981 = arith.ori %gt3A_1972, %and3A_1980 : vector<16xi1>
    %select_n3A_1982 = arith.select %or3A_1971, %broadcast_in_dim3A_16, %broadcast_in_dim3A_18 : vector<16xi1>, vector<16xi32>
    %select_n3A_1983 = arith.select %or3A_1981, %broadcast_in_dim3A_16, %broadcast_in_dim3A_18 : vector<16xi1>, vector<16xi32>
    %add3A_1984 = arith.addi %select_n3A_1982, %select_n3A_1983 : vector<16xi32>
    %xor3A_1985 = arith.constant 1 : i32
    %xor3A_1986 = vector.broadcast %xor3A_1985 : i32 to vector<16xi32>
    %xor3A_1987 = arith.xori %iota3A, %xor3A_1986 : vector<16xi32>
    %lt3A_1988 = arith.constant 0 : i32
    %lt3A_1989 = vector.broadcast %lt3A_1988 : i32 to vector<16xi32>
    %lt3A_1990 = arith.cmpi slt, %xor3A_1987, %lt3A_1989 : vector<16xi32>
    %add3A_1991 = arith.constant 16 : i32
    %add3A_1992 = vector.broadcast %add3A_1991 : i32 to vector<16xi32>
    %add3A_1993 = arith.addi %xor3A_1987, %add3A_1992 : vector<16xi32>
    %select_n3A_1994 = arith.select %lt3A_1990, %add3A_1993, %xor3A_1987 : vector<16xi1>, vector<16xi32>
    %broadcast_in_dim3A_1995 = vector.shape_cast %select_n3A_1994 : vector<16xi32> to vector<16x1xi32>
    %gather3A_1996 = vector.shape_cast %broadcast_in_dim3A_1995 : vector<16x1xi32> to vector<16xi32>
    %gather3A_1997 = tpu.dynamic_gather %add3A_1984[%gather3A_1996] in [0] : vector<16xi32>, vector<16xi32> -> vector<16xi32>
    %add3A_1998 = arith.addi %add3A_1984, %gather3A_1997 : vector<16xi32>
    %xor3A_1999 = arith.constant 2 : i32
    %xor3A_2000 = vector.broadcast %xor3A_1999 : i32 to vector<16xi32>
    %xor3A_2001 = arith.xori %iota3A, %xor3A_2000 : vector<16xi32>
    %lt3A_2002 = arith.constant 0 : i32
    %lt3A_2003 = vector.broadcast %lt3A_2002 : i32 to vector<16xi32>
    %lt3A_2004 = arith.cmpi slt, %xor3A_2001, %lt3A_2003 : vector<16xi32>
    %add3A_2005 = arith.constant 16 : i32
    %add3A_2006 = vector.broadcast %add3A_2005 : i32 to vector<16xi32>
    %add3A_2007 = arith.addi %xor3A_2001, %add3A_2006 : vector<16xi32>
    %select_n3A_2008 = arith.select %lt3A_2004, %add3A_2007, %xor3A_2001 : vector<16xi1>, vector<16xi32>
    %broadcast_in_dim3A_2009 = vector.shape_cast %select_n3A_2008 : vector<16xi32> to vector<16x1xi32>
    %gather3A_2010 = vector.shape_cast %broadcast_in_dim3A_2009 : vector<16x1xi32> to vector<16xi32>
    %gather3A_2011 = tpu.dynamic_gather %add3A_1998[%gather3A_2010] in [0] : vector<16xi32>, vector<16xi32> -> vector<16xi32>
    %add3A_2012 = arith.addi %add3A_1998, %gather3A_2011 : vector<16xi32>
    %xor3A_2013 = arith.constant 4 : i32
    %xor3A_2014 = vector.broadcast %xor3A_2013 : i32 to vector<16xi32>
    %xor3A_2015 = arith.xori %iota3A, %xor3A_2014 : vector<16xi32>
    %lt3A_2016 = arith.constant 0 : i32
    %lt3A_2017 = vector.broadcast %lt3A_2016 : i32 to vector<16xi32>
    %lt3A_2018 = arith.cmpi slt, %xor3A_2015, %lt3A_2017 : vector<16xi32>
    %add3A_2019 = arith.constant 16 : i32
    %add3A_2020 = vector.broadcast %add3A_2019 : i32 to vector<16xi32>
    %add3A_2021 = arith.addi %xor3A_2015, %add3A_2020 : vector<16xi32>
    %select_n3A_2022 = arith.select %lt3A_2018, %add3A_2021, %xor3A_2015 : vector<16xi1>, vector<16xi32>
    %broadcast_in_dim3A_2023 = vector.shape_cast %select_n3A_2022 : vector<16xi32> to vector<16x1xi32>
    %gather3A_2024 = vector.shape_cast %broadcast_in_dim3A_2023 : vector<16x1xi32> to vector<16xi32>
    %gather3A_2025 = tpu.dynamic_gather %add3A_2012[%gather3A_2024] in [0] : vector<16xi32>, vector<16xi32> -> vector<16xi32>
    %add3A_2026 = arith.addi %add3A_2012, %gather3A_2025 : vector<16xi32>
    %xor3A_2027 = arith.constant 8 : i32
    %xor3A_2028 = vector.broadcast %xor3A_2027 : i32 to vector<16xi32>
    %xor3A_2029 = arith.xori %iota3A, %xor3A_2028 : vector<16xi32>
    %lt3A_2030 = arith.constant 0 : i32
    %lt3A_2031 = vector.broadcast %lt3A_2030 : i32 to vector<16xi32>
    %lt3A_2032 = arith.cmpi slt, %xor3A_2029, %lt3A_2031 : vector<16xi32>
    %add3A_2033 = arith.constant 16 : i32
    %add3A_2034 = vector.broadcast %add3A_2033 : i32 to vector<16xi32>
    %add3A_2035 = arith.addi %xor3A_2029, %add3A_2034 : vector<16xi32>
    %select_n3A_2036 = arith.select %lt3A_2032, %add3A_2035, %xor3A_2029 : vector<16xi1>, vector<16xi32>
    %broadcast_in_dim3A_2037 = vector.shape_cast %select_n3A_2036 : vector<16xi32> to vector<16x1xi32>
    %gather3A_2038 = vector.shape_cast %broadcast_in_dim3A_2037 : vector<16x1xi32> to vector<16xi32>
    %gather3A_2039 = tpu.dynamic_gather %add3A_2026[%gather3A_2038] in [0] : vector<16xi32>, vector<16xi32> -> vector<16xi32>
    %add3A_2040 = arith.addi %add3A_2026, %gather3A_2039 : vector<16xi32>
    %lt3A_2041 = arith.constant 8 : i32
    %lt3A_2042 = vector.broadcast %lt3A_2041 : i32 to vector<16xi32>
    %lt3A_2043 = arith.cmpi slt, %add3A_2040, %lt3A_2042 : vector<16xi32>
    %select_n3A_2044 = arith.select %lt3A_2043, %broadcast_in_dim3A_12, %broadcast_in_dim3A_14 : vector<16xi1>, vector<16xf32>
    %eq3A_2045 = arith.constant 4 : i32
    %eq3A_2046 = vector.broadcast %eq3A_2045 : i32 to vector<16xi32>
    %eq3A_2047 = arith.cmpi eq, %iota3A, %eq3A_2046 : vector<16xi32>
    %select_n3A_2048 = arith.select %eq3A_2047, %select_n3A_2044, %select_n3A_1951 : vector<16xi1>, vector<16xf32>
    %add3A_2049 = arith.constant 5 : i32
    %add3A_2050 = vector.broadcast %add3A_2049 : i32 to vector<16xi32>
    %add3A_2051 = arith.addi %sub3A, %add3A_2050 : vector<16xi32>
    %lt3A_2052 = arith.constant 0 : i32
    %lt3A_2053 = vector.broadcast %lt3A_2052 : i32 to vector<16xi32>
    %lt3A_2054 = arith.cmpi slt, %add3A_2051, %lt3A_2053 : vector<16xi32>
    %add3A_2055 = arith.constant 16 : i32
    %add3A_2056 = vector.broadcast %add3A_2055 : i32 to vector<16xi32>
    %add3A_2057 = arith.addi %add3A_2051, %add3A_2056 : vector<16xi32>
    %select_n3A_2058 = arith.select %lt3A_2054, %add3A_2057, %add3A_2051 : vector<16xi1>, vector<16xi32>
    %broadcast_in_dim3A_2059 = vector.shape_cast %select_n3A_2058 : vector<16xi32> to vector<16x1xi32>
    %gather3A_2060 = vector.shape_cast %broadcast_in_dim3A_2059 : vector<16x1xi32> to vector<16xi32>
    %gather3A_2061 = tpu.dynamic_gather %select_n3A[%gather3A_2060] in [0] : vector<16xf32>, vector<16xi32> -> vector<16xf32>
    %gt3A_2062 = arith.cmpf ogt, %get3A_2, %gather3A_2061 : vector<16xf32>
    %eq3A_2063 = arith.cmpf oeq, %get3A_2, %gather3A_2061 : vector<16xf32>
    %lt3A_2064 = arith.constant 21 : i32
    %lt3A_2065 = vector.broadcast %lt3A_2064 : i32 to vector<16xi32>
    %lt3A_2066 = arith.cmpi slt, %iota3A, %lt3A_2065 : vector<16xi32>
    %and3A_2067 = arith.andi %eq3A_2063, %lt3A_2066 : vector<16xi1>
    %or3A_2068 = arith.ori %gt3A_2062, %and3A_2067 : vector<16xi1>
    %gt3A_2069 = arith.cmpf ogt, %select_n3A, %gather3A_2061 : vector<16xf32>
    %eq3A_2070 = arith.cmpf oeq, %select_n3A, %gather3A_2061 : vector<16xf32>
    %add3A_2071 = arith.constant 16 : i32
    %add3A_2072 = vector.broadcast %add3A_2071 : i32 to vector<16xi32>
    %add3A_2073 = arith.addi %iota3A, %add3A_2072 : vector<16xi32>
    %lt3A_2074 = arith.constant 21 : i32
    %lt3A_2075 = vector.broadcast %lt3A_2074 : i32 to vector<16xi32>
    %lt3A_2076 = arith.cmpi slt, %add3A_2073, %lt3A_2075 : vector<16xi32>
    %and3A_2077 = arith.andi %eq3A_2070, %lt3A_2076 : vector<16xi1>
    %or3A_2078 = arith.ori %gt3A_2069, %and3A_2077 : vector<16xi1>
    %select_n3A_2079 = arith.select %or3A_2068, %broadcast_in_dim3A_16, %broadcast_in_dim3A_18 : vector<16xi1>, vector<16xi32>
    %select_n3A_2080 = arith.select %or3A_2078, %broadcast_in_dim3A_16, %broadcast_in_dim3A_18 : vector<16xi1>, vector<16xi32>
    %add3A_2081 = arith.addi %select_n3A_2079, %select_n3A_2080 : vector<16xi32>
    %xor3A_2082 = arith.constant 1 : i32
    %xor3A_2083 = vector.broadcast %xor3A_2082 : i32 to vector<16xi32>
    %xor3A_2084 = arith.xori %iota3A, %xor3A_2083 : vector<16xi32>
    %lt3A_2085 = arith.constant 0 : i32
    %lt3A_2086 = vector.broadcast %lt3A_2085 : i32 to vector<16xi32>
    %lt3A_2087 = arith.cmpi slt, %xor3A_2084, %lt3A_2086 : vector<16xi32>
    %add3A_2088 = arith.constant 16 : i32
    %add3A_2089 = vector.broadcast %add3A_2088 : i32 to vector<16xi32>
    %add3A_2090 = arith.addi %xor3A_2084, %add3A_2089 : vector<16xi32>
    %select_n3A_2091 = arith.select %lt3A_2087, %add3A_2090, %xor3A_2084 : vector<16xi1>, vector<16xi32>
    %broadcast_in_dim3A_2092 = vector.shape_cast %select_n3A_2091 : vector<16xi32> to vector<16x1xi32>
    %gather3A_2093 = vector.shape_cast %broadcast_in_dim3A_2092 : vector<16x1xi32> to vector<16xi32>
    %gather3A_2094 = tpu.dynamic_gather %add3A_2081[%gather3A_2093] in [0] : vector<16xi32>, vector<16xi32> -> vector<16xi32>
    %add3A_2095 = arith.addi %add3A_2081, %gather3A_2094 : vector<16xi32>
    %xor3A_2096 = arith.constant 2 : i32
    %xor3A_2097 = vector.broadcast %xor3A_2096 : i32 to vector<16xi32>
    %xor3A_2098 = arith.xori %iota3A, %xor3A_2097 : vector<16xi32>
    %lt3A_2099 = arith.constant 0 : i32
    %lt3A_2100 = vector.broadcast %lt3A_2099 : i32 to vector<16xi32>
    %lt3A_2101 = arith.cmpi slt, %xor3A_2098, %lt3A_2100 : vector<16xi32>
    %add3A_2102 = arith.constant 16 : i32
    %add3A_2103 = vector.broadcast %add3A_2102 : i32 to vector<16xi32>
    %add3A_2104 = arith.addi %xor3A_2098, %add3A_2103 : vector<16xi32>
    %select_n3A_2105 = arith.select %lt3A_2101, %add3A_2104, %xor3A_2098 : vector<16xi1>, vector<16xi32>
    %broadcast_in_dim3A_2106 = vector.shape_cast %select_n3A_2105 : vector<16xi32> to vector<16x1xi32>
    %gather3A_2107 = vector.shape_cast %broadcast_in_dim3A_2106 : vector<16x1xi32> to vector<16xi32>
    %gather3A_2108 = tpu.dynamic_gather %add3A_2095[%gather3A_2107] in [0] : vector<16xi32>, vector<16xi32> -> vector<16xi32>
    %add3A_2109 = arith.addi %add3A_2095, %gather3A_2108 : vector<16xi32>
    %xor3A_2110 = arith.constant 4 : i32
    %xor3A_2111 = vector.broadcast %xor3A_2110 : i32 to vector<16xi32>
    %xor3A_2112 = arith.xori %iota3A, %xor3A_2111 : vector<16xi32>
    %lt3A_2113 = arith.constant 0 : i32
    %lt3A_2114 = vector.broadcast %lt3A_2113 : i32 to vector<16xi32>
    %lt3A_2115 = arith.cmpi slt, %xor3A_2112, %lt3A_2114 : vector<16xi32>
    %add3A_2116 = arith.constant 16 : i32
    %add3A_2117 = vector.broadcast %add3A_2116 : i32 to vector<16xi32>
    %add3A_2118 = arith.addi %xor3A_2112, %add3A_2117 : vector<16xi32>
    %select_n3A_2119 = arith.select %lt3A_2115, %add3A_2118, %xor3A_2112 : vector<16xi1>, vector<16xi32>
    %broadcast_in_dim3A_2120 = vector.shape_cast %select_n3A_2119 : vector<16xi32> to vector<16x1xi32>
    %gather3A_2121 = vector.shape_cast %broadcast_in_dim3A_2120 : vector<16x1xi32> to vector<16xi32>
    %gather3A_2122 = tpu.dynamic_gather %add3A_2109[%gather3A_2121] in [0] : vector<16xi32>, vector<16xi32> -> vector<16xi32>
    %add3A_2123 = arith.addi %add3A_2109, %gather3A_2122 : vector<16xi32>
    %xor3A_2124 = arith.constant 8 : i32
    %xor3A_2125 = vector.broadcast %xor3A_2124 : i32 to vector<16xi32>
    %xor3A_2126 = arith.xori %iota3A, %xor3A_2125 : vector<16xi32>
    %lt3A_2127 = arith.constant 0 : i32
    %lt3A_2128 = vector.broadcast %lt3A_2127 : i32 to vector<16xi32>
    %lt3A_2129 = arith.cmpi slt, %xor3A_2126, %lt3A_2128 : vector<16xi32>
    %add3A_2130 = arith.constant 16 : i32
    %add3A_2131 = vector.broadcast %add3A_2130 : i32 to vector<16xi32>
    %add3A_2132 = arith.addi %xor3A_2126, %add3A_2131 : vector<16xi32>
    %select_n3A_2133 = arith.select %lt3A_2129, %add3A_2132, %xor3A_2126 : vector<16xi1>, vector<16xi32>
    %broadcast_in_dim3A_2134 = vector.shape_cast %select_n3A_2133 : vector<16xi32> to vector<16x1xi32>
    %gather3A_2135 = vector.shape_cast %broadcast_in_dim3A_2134 : vector<16x1xi32> to vector<16xi32>
    %gather3A_2136 = tpu.dynamic_gather %add3A_2123[%gather3A_2135] in [0] : vector<16xi32>, vector<16xi32> -> vector<16xi32>
    %add3A_2137 = arith.addi %add3A_2123, %gather3A_2136 : vector<16xi32>
    %lt3A_2138 = arith.constant 8 : i32
    %lt3A_2139 = vector.broadcast %lt3A_2138 : i32 to vector<16xi32>
    %lt3A_2140 = arith.cmpi slt, %add3A_2137, %lt3A_2139 : vector<16xi32>
    %select_n3A_2141 = arith.select %lt3A_2140, %broadcast_in_dim3A_12, %broadcast_in_dim3A_14 : vector<16xi1>, vector<16xf32>
    %eq3A_2142 = arith.constant 5 : i32
    %eq3A_2143 = vector.broadcast %eq3A_2142 : i32 to vector<16xi32>
    %eq3A_2144 = arith.cmpi eq, %iota3A, %eq3A_2143 : vector<16xi32>
    %select_n3A_2145 = arith.select %eq3A_2144, %select_n3A_2141, %select_n3A_2048 : vector<16xi1>, vector<16xf32>
    %add3A_2146 = arith.constant 6 : i32
    %add3A_2147 = vector.broadcast %add3A_2146 : i32 to vector<16xi32>
    %add3A_2148 = arith.addi %sub3A, %add3A_2147 : vector<16xi32>
    %lt3A_2149 = arith.constant 0 : i32
    %lt3A_2150 = vector.broadcast %lt3A_2149 : i32 to vector<16xi32>
    %lt3A_2151 = arith.cmpi slt, %add3A_2148, %lt3A_2150 : vector<16xi32>
    %add3A_2152 = arith.constant 16 : i32
    %add3A_2153 = vector.broadcast %add3A_2152 : i32 to vector<16xi32>
    %add3A_2154 = arith.addi %add3A_2148, %add3A_2153 : vector<16xi32>
    %select_n3A_2155 = arith.select %lt3A_2151, %add3A_2154, %add3A_2148 : vector<16xi1>, vector<16xi32>
    %broadcast_in_dim3A_2156 = vector.shape_cast %select_n3A_2155 : vector<16xi32> to vector<16x1xi32>
    %gather3A_2157 = vector.shape_cast %broadcast_in_dim3A_2156 : vector<16x1xi32> to vector<16xi32>
    %gather3A_2158 = tpu.dynamic_gather %select_n3A[%gather3A_2157] in [0] : vector<16xf32>, vector<16xi32> -> vector<16xf32>
    %gt3A_2159 = arith.cmpf ogt, %get3A_2, %gather3A_2158 : vector<16xf32>
    %eq3A_2160 = arith.cmpf oeq, %get3A_2, %gather3A_2158 : vector<16xf32>
    %lt3A_2161 = arith.constant 22 : i32
    %lt3A_2162 = vector.broadcast %lt3A_2161 : i32 to vector<16xi32>
    %lt3A_2163 = arith.cmpi slt, %iota3A, %lt3A_2162 : vector<16xi32>
    %and3A_2164 = arith.andi %eq3A_2160, %lt3A_2163 : vector<16xi1>
    %or3A_2165 = arith.ori %gt3A_2159, %and3A_2164 : vector<16xi1>
    %gt3A_2166 = arith.cmpf ogt, %select_n3A, %gather3A_2158 : vector<16xf32>
    %eq3A_2167 = arith.cmpf oeq, %select_n3A, %gather3A_2158 : vector<16xf32>
    %add3A_2168 = arith.constant 16 : i32
    %add3A_2169 = vector.broadcast %add3A_2168 : i32 to vector<16xi32>
    %add3A_2170 = arith.addi %iota3A, %add3A_2169 : vector<16xi32>
    %lt3A_2171 = arith.constant 22 : i32
    %lt3A_2172 = vector.broadcast %lt3A_2171 : i32 to vector<16xi32>
    %lt3A_2173 = arith.cmpi slt, %add3A_2170, %lt3A_2172 : vector<16xi32>
    %and3A_2174 = arith.andi %eq3A_2167, %lt3A_2173 : vector<16xi1>
    %or3A_2175 = arith.ori %gt3A_2166, %and3A_2174 : vector<16xi1>
    %select_n3A_2176 = arith.select %or3A_2165, %broadcast_in_dim3A_16, %broadcast_in_dim3A_18 : vector<16xi1>, vector<16xi32>
    %select_n3A_2177 = arith.select %or3A_2175, %broadcast_in_dim3A_16, %broadcast_in_dim3A_18 : vector<16xi1>, vector<16xi32>
    %add3A_2178 = arith.addi %select_n3A_2176, %select_n3A_2177 : vector<16xi32>
    %xor3A_2179 = arith.constant 1 : i32
    %xor3A_2180 = vector.broadcast %xor3A_2179 : i32 to vector<16xi32>
    %xor3A_2181 = arith.xori %iota3A, %xor3A_2180 : vector<16xi32>
    %lt3A_2182 = arith.constant 0 : i32
    %lt3A_2183 = vector.broadcast %lt3A_2182 : i32 to vector<16xi32>
    %lt3A_2184 = arith.cmpi slt, %xor3A_2181, %lt3A_2183 : vector<16xi32>
    %add3A_2185 = arith.constant 16 : i32
    %add3A_2186 = vector.broadcast %add3A_2185 : i32 to vector<16xi32>
    %add3A_2187 = arith.addi %xor3A_2181, %add3A_2186 : vector<16xi32>
    %select_n3A_2188 = arith.select %lt3A_2184, %add3A_2187, %xor3A_2181 : vector<16xi1>, vector<16xi32>
    %broadcast_in_dim3A_2189 = vector.shape_cast %select_n3A_2188 : vector<16xi32> to vector<16x1xi32>
    %gather3A_2190 = vector.shape_cast %broadcast_in_dim3A_2189 : vector<16x1xi32> to vector<16xi32>
    %gather3A_2191 = tpu.dynamic_gather %add3A_2178[%gather3A_2190] in [0] : vector<16xi32>, vector<16xi32> -> vector<16xi32>
    %add3A_2192 = arith.addi %add3A_2178, %gather3A_2191 : vector<16xi32>
    %xor3A_2193 = arith.constant 2 : i32
    %xor3A_2194 = vector.broadcast %xor3A_2193 : i32 to vector<16xi32>
    %xor3A_2195 = arith.xori %iota3A, %xor3A_2194 : vector<16xi32>
    %lt3A_2196 = arith.constant 0 : i32
    %lt3A_2197 = vector.broadcast %lt3A_2196 : i32 to vector<16xi32>
    %lt3A_2198 = arith.cmpi slt, %xor3A_2195, %lt3A_2197 : vector<16xi32>
    %add3A_2199 = arith.constant 16 : i32
    %add3A_2200 = vector.broadcast %add3A_2199 : i32 to vector<16xi32>
    %add3A_2201 = arith.addi %xor3A_2195, %add3A_2200 : vector<16xi32>
    %select_n3A_2202 = arith.select %lt3A_2198, %add3A_2201, %xor3A_2195 : vector<16xi1>, vector<16xi32>
    %broadcast_in_dim3A_2203 = vector.shape_cast %select_n3A_2202 : vector<16xi32> to vector<16x1xi32>
    %gather3A_2204 = vector.shape_cast %broadcast_in_dim3A_2203 : vector<16x1xi32> to vector<16xi32>
    %gather3A_2205 = tpu.dynamic_gather %add3A_2192[%gather3A_2204] in [0] : vector<16xi32>, vector<16xi32> -> vector<16xi32>
    %add3A_2206 = arith.addi %add3A_2192, %gather3A_2205 : vector<16xi32>
    %xor3A_2207 = arith.constant 4 : i32
    %xor3A_2208 = vector.broadcast %xor3A_2207 : i32 to vector<16xi32>
    %xor3A_2209 = arith.xori %iota3A, %xor3A_2208 : vector<16xi32>
    %lt3A_2210 = arith.constant 0 : i32
    %lt3A_2211 = vector.broadcast %lt3A_2210 : i32 to vector<16xi32>
    %lt3A_2212 = arith.cmpi slt, %xor3A_2209, %lt3A_2211 : vector<16xi32>
    %add3A_2213 = arith.constant 16 : i32
    %add3A_2214 = vector.broadcast %add3A_2213 : i32 to vector<16xi32>
    %add3A_2215 = arith.addi %xor3A_2209, %add3A_2214 : vector<16xi32>
    %select_n3A_2216 = arith.select %lt3A_2212, %add3A_2215, %xor3A_2209 : vector<16xi1>, vector<16xi32>
    %broadcast_in_dim3A_2217 = vector.shape_cast %select_n3A_2216 : vector<16xi32> to vector<16x1xi32>
    %gather3A_2218 = vector.shape_cast %broadcast_in_dim3A_2217 : vector<16x1xi32> to vector<16xi32>
    %gather3A_2219 = tpu.dynamic_gather %add3A_2206[%gather3A_2218] in [0] : vector<16xi32>, vector<16xi32> -> vector<16xi32>
    %add3A_2220 = arith.addi %add3A_2206, %gather3A_2219 : vector<16xi32>
    %xor3A_2221 = arith.constant 8 : i32
    %xor3A_2222 = vector.broadcast %xor3A_2221 : i32 to vector<16xi32>
    %xor3A_2223 = arith.xori %iota3A, %xor3A_2222 : vector<16xi32>
    %lt3A_2224 = arith.constant 0 : i32
    %lt3A_2225 = vector.broadcast %lt3A_2224 : i32 to vector<16xi32>
    %lt3A_2226 = arith.cmpi slt, %xor3A_2223, %lt3A_2225 : vector<16xi32>
    %add3A_2227 = arith.constant 16 : i32
    %add3A_2228 = vector.broadcast %add3A_2227 : i32 to vector<16xi32>
    %add3A_2229 = arith.addi %xor3A_2223, %add3A_2228 : vector<16xi32>
    %select_n3A_2230 = arith.select %lt3A_2226, %add3A_2229, %xor3A_2223 : vector<16xi1>, vector<16xi32>
    %broadcast_in_dim3A_2231 = vector.shape_cast %select_n3A_2230 : vector<16xi32> to vector<16x1xi32>
    %gather3A_2232 = vector.shape_cast %broadcast_in_dim3A_2231 : vector<16x1xi32> to vector<16xi32>
    %gather3A_2233 = tpu.dynamic_gather %add3A_2220[%gather3A_2232] in [0] : vector<16xi32>, vector<16xi32> -> vector<16xi32>
    %add3A_2234 = arith.addi %add3A_2220, %gather3A_2233 : vector<16xi32>
    %lt3A_2235 = arith.constant 8 : i32
    %lt3A_2236 = vector.broadcast %lt3A_2235 : i32 to vector<16xi32>
    %lt3A_2237 = arith.cmpi slt, %add3A_2234, %lt3A_2236 : vector<16xi32>
    %select_n3A_2238 = arith.select %lt3A_2237, %broadcast_in_dim3A_12, %broadcast_in_dim3A_14 : vector<16xi1>, vector<16xf32>
    %eq3A_2239 = arith.constant 6 : i32
    %eq3A_2240 = vector.broadcast %eq3A_2239 : i32 to vector<16xi32>
    %eq3A_2241 = arith.cmpi eq, %iota3A, %eq3A_2240 : vector<16xi32>
    %select_n3A_2242 = arith.select %eq3A_2241, %select_n3A_2238, %select_n3A_2145 : vector<16xi1>, vector<16xf32>
    %add3A_2243 = arith.constant 7 : i32
    %add3A_2244 = vector.broadcast %add3A_2243 : i32 to vector<16xi32>
    %add3A_2245 = arith.addi %sub3A, %add3A_2244 : vector<16xi32>
    %lt3A_2246 = arith.constant 0 : i32
    %lt3A_2247 = vector.broadcast %lt3A_2246 : i32 to vector<16xi32>
    %lt3A_2248 = arith.cmpi slt, %add3A_2245, %lt3A_2247 : vector<16xi32>
    %add3A_2249 = arith.constant 16 : i32
    %add3A_2250 = vector.broadcast %add3A_2249 : i32 to vector<16xi32>
    %add3A_2251 = arith.addi %add3A_2245, %add3A_2250 : vector<16xi32>
    %select_n3A_2252 = arith.select %lt3A_2248, %add3A_2251, %add3A_2245 : vector<16xi1>, vector<16xi32>
    %broadcast_in_dim3A_2253 = vector.shape_cast %select_n3A_2252 : vector<16xi32> to vector<16x1xi32>
    %gather3A_2254 = vector.shape_cast %broadcast_in_dim3A_2253 : vector<16x1xi32> to vector<16xi32>
    %gather3A_2255 = tpu.dynamic_gather %select_n3A[%gather3A_2254] in [0] : vector<16xf32>, vector<16xi32> -> vector<16xf32>
    %gt3A_2256 = arith.cmpf ogt, %get3A_2, %gather3A_2255 : vector<16xf32>
    %eq3A_2257 = arith.cmpf oeq, %get3A_2, %gather3A_2255 : vector<16xf32>
    %lt3A_2258 = arith.constant 23 : i32
    %lt3A_2259 = vector.broadcast %lt3A_2258 : i32 to vector<16xi32>
    %lt3A_2260 = arith.cmpi slt, %iota3A, %lt3A_2259 : vector<16xi32>
    %and3A_2261 = arith.andi %eq3A_2257, %lt3A_2260 : vector<16xi1>
    %or3A_2262 = arith.ori %gt3A_2256, %and3A_2261 : vector<16xi1>
    %gt3A_2263 = arith.cmpf ogt, %select_n3A, %gather3A_2255 : vector<16xf32>
    %eq3A_2264 = arith.cmpf oeq, %select_n3A, %gather3A_2255 : vector<16xf32>
    %add3A_2265 = arith.constant 16 : i32
    %add3A_2266 = vector.broadcast %add3A_2265 : i32 to vector<16xi32>
    %add3A_2267 = arith.addi %iota3A, %add3A_2266 : vector<16xi32>
    %lt3A_2268 = arith.constant 23 : i32
    %lt3A_2269 = vector.broadcast %lt3A_2268 : i32 to vector<16xi32>
    %lt3A_2270 = arith.cmpi slt, %add3A_2267, %lt3A_2269 : vector<16xi32>
    %and3A_2271 = arith.andi %eq3A_2264, %lt3A_2270 : vector<16xi1>
    %or3A_2272 = arith.ori %gt3A_2263, %and3A_2271 : vector<16xi1>
    %select_n3A_2273 = arith.select %or3A_2262, %broadcast_in_dim3A_16, %broadcast_in_dim3A_18 : vector<16xi1>, vector<16xi32>
    %select_n3A_2274 = arith.select %or3A_2272, %broadcast_in_dim3A_16, %broadcast_in_dim3A_18 : vector<16xi1>, vector<16xi32>
    %add3A_2275 = arith.addi %select_n3A_2273, %select_n3A_2274 : vector<16xi32>
    %xor3A_2276 = arith.constant 1 : i32
    %xor3A_2277 = vector.broadcast %xor3A_2276 : i32 to vector<16xi32>
    %xor3A_2278 = arith.xori %iota3A, %xor3A_2277 : vector<16xi32>
    %lt3A_2279 = arith.constant 0 : i32
    %lt3A_2280 = vector.broadcast %lt3A_2279 : i32 to vector<16xi32>
    %lt3A_2281 = arith.cmpi slt, %xor3A_2278, %lt3A_2280 : vector<16xi32>
    %add3A_2282 = arith.constant 16 : i32
    %add3A_2283 = vector.broadcast %add3A_2282 : i32 to vector<16xi32>
    %add3A_2284 = arith.addi %xor3A_2278, %add3A_2283 : vector<16xi32>
    %select_n3A_2285 = arith.select %lt3A_2281, %add3A_2284, %xor3A_2278 : vector<16xi1>, vector<16xi32>
    %broadcast_in_dim3A_2286 = vector.shape_cast %select_n3A_2285 : vector<16xi32> to vector<16x1xi32>
    %gather3A_2287 = vector.shape_cast %broadcast_in_dim3A_2286 : vector<16x1xi32> to vector<16xi32>
    %gather3A_2288 = tpu.dynamic_gather %add3A_2275[%gather3A_2287] in [0] : vector<16xi32>, vector<16xi32> -> vector<16xi32>
    %add3A_2289 = arith.addi %add3A_2275, %gather3A_2288 : vector<16xi32>
    %xor3A_2290 = arith.constant 2 : i32
    %xor3A_2291 = vector.broadcast %xor3A_2290 : i32 to vector<16xi32>
    %xor3A_2292 = arith.xori %iota3A, %xor3A_2291 : vector<16xi32>
    %lt3A_2293 = arith.constant 0 : i32
    %lt3A_2294 = vector.broadcast %lt3A_2293 : i32 to vector<16xi32>
    %lt3A_2295 = arith.cmpi slt, %xor3A_2292, %lt3A_2294 : vector<16xi32>
    %add3A_2296 = arith.constant 16 : i32
    %add3A_2297 = vector.broadcast %add3A_2296 : i32 to vector<16xi32>
    %add3A_2298 = arith.addi %xor3A_2292, %add3A_2297 : vector<16xi32>
    %select_n3A_2299 = arith.select %lt3A_2295, %add3A_2298, %xor3A_2292 : vector<16xi1>, vector<16xi32>
    %broadcast_in_dim3A_2300 = vector.shape_cast %select_n3A_2299 : vector<16xi32> to vector<16x1xi32>
    %gather3A_2301 = vector.shape_cast %broadcast_in_dim3A_2300 : vector<16x1xi32> to vector<16xi32>
    %gather3A_2302 = tpu.dynamic_gather %add3A_2289[%gather3A_2301] in [0] : vector<16xi32>, vector<16xi32> -> vector<16xi32>
    %add3A_2303 = arith.addi %add3A_2289, %gather3A_2302 : vector<16xi32>
    %xor3A_2304 = arith.constant 4 : i32
    %xor3A_2305 = vector.broadcast %xor3A_2304 : i32 to vector<16xi32>
    %xor3A_2306 = arith.xori %iota3A, %xor3A_2305 : vector<16xi32>
    %lt3A_2307 = arith.constant 0 : i32
    %lt3A_2308 = vector.broadcast %lt3A_2307 : i32 to vector<16xi32>
    %lt3A_2309 = arith.cmpi slt, %xor3A_2306, %lt3A_2308 : vector<16xi32>
    %add3A_2310 = arith.constant 16 : i32
    %add3A_2311 = vector.broadcast %add3A_2310 : i32 to vector<16xi32>
    %add3A_2312 = arith.addi %xor3A_2306, %add3A_2311 : vector<16xi32>
    %select_n3A_2313 = arith.select %lt3A_2309, %add3A_2312, %xor3A_2306 : vector<16xi1>, vector<16xi32>
    %broadcast_in_dim3A_2314 = vector.shape_cast %select_n3A_2313 : vector<16xi32> to vector<16x1xi32>
    %gather3A_2315 = vector.shape_cast %broadcast_in_dim3A_2314 : vector<16x1xi32> to vector<16xi32>
    %gather3A_2316 = tpu.dynamic_gather %add3A_2303[%gather3A_2315] in [0] : vector<16xi32>, vector<16xi32> -> vector<16xi32>
    %add3A_2317 = arith.addi %add3A_2303, %gather3A_2316 : vector<16xi32>
    %xor3A_2318 = arith.constant 8 : i32
    %xor3A_2319 = vector.broadcast %xor3A_2318 : i32 to vector<16xi32>
    %xor3A_2320 = arith.xori %iota3A, %xor3A_2319 : vector<16xi32>
    %lt3A_2321 = arith.constant 0 : i32
    %lt3A_2322 = vector.broadcast %lt3A_2321 : i32 to vector<16xi32>
    %lt3A_2323 = arith.cmpi slt, %xor3A_2320, %lt3A_2322 : vector<16xi32>
    %add3A_2324 = arith.constant 16 : i32
    %add3A_2325 = vector.broadcast %add3A_2324 : i32 to vector<16xi32>
    %add3A_2326 = arith.addi %xor3A_2320, %add3A_2325 : vector<16xi32>
    %select_n3A_2327 = arith.select %lt3A_2323, %add3A_2326, %xor3A_2320 : vector<16xi1>, vector<16xi32>
    %broadcast_in_dim3A_2328 = vector.shape_cast %select_n3A_2327 : vector<16xi32> to vector<16x1xi32>
    %gather3A_2329 = vector.shape_cast %broadcast_in_dim3A_2328 : vector<16x1xi32> to vector<16xi32>
    %gather3A_2330 = tpu.dynamic_gather %add3A_2317[%gather3A_2329] in [0] : vector<16xi32>, vector<16xi32> -> vector<16xi32>
    %add3A_2331 = arith.addi %add3A_2317, %gather3A_2330 : vector<16xi32>
    %lt3A_2332 = arith.constant 8 : i32
    %lt3A_2333 = vector.broadcast %lt3A_2332 : i32 to vector<16xi32>
    %lt3A_2334 = arith.cmpi slt, %add3A_2331, %lt3A_2333 : vector<16xi32>
    %select_n3A_2335 = arith.select %lt3A_2334, %broadcast_in_dim3A_12, %broadcast_in_dim3A_14 : vector<16xi1>, vector<16xf32>
    %eq3A_2336 = arith.constant 7 : i32
    %eq3A_2337 = vector.broadcast %eq3A_2336 : i32 to vector<16xi32>
    %eq3A_2338 = arith.cmpi eq, %iota3A, %eq3A_2337 : vector<16xi32>
    %select_n3A_2339 = arith.select %eq3A_2338, %select_n3A_2335, %select_n3A_2242 : vector<16xi1>, vector<16xf32>
    %add3A_2340 = arith.constant 8 : i32
    %add3A_2341 = vector.broadcast %add3A_2340 : i32 to vector<16xi32>
    %add3A_2342 = arith.addi %sub3A, %add3A_2341 : vector<16xi32>
    %lt3A_2343 = arith.constant 0 : i32
    %lt3A_2344 = vector.broadcast %lt3A_2343 : i32 to vector<16xi32>
    %lt3A_2345 = arith.cmpi slt, %add3A_2342, %lt3A_2344 : vector<16xi32>
    %add3A_2346 = arith.constant 16 : i32
    %add3A_2347 = vector.broadcast %add3A_2346 : i32 to vector<16xi32>
    %add3A_2348 = arith.addi %add3A_2342, %add3A_2347 : vector<16xi32>
    %select_n3A_2349 = arith.select %lt3A_2345, %add3A_2348, %add3A_2342 : vector<16xi1>, vector<16xi32>
    %broadcast_in_dim3A_2350 = vector.shape_cast %select_n3A_2349 : vector<16xi32> to vector<16x1xi32>
    %gather3A_2351 = vector.shape_cast %broadcast_in_dim3A_2350 : vector<16x1xi32> to vector<16xi32>
    %gather3A_2352 = tpu.dynamic_gather %select_n3A[%gather3A_2351] in [0] : vector<16xf32>, vector<16xi32> -> vector<16xf32>
    %gt3A_2353 = arith.cmpf ogt, %get3A_2, %gather3A_2352 : vector<16xf32>
    %eq3A_2354 = arith.cmpf oeq, %get3A_2, %gather3A_2352 : vector<16xf32>
    %lt3A_2355 = arith.constant 24 : i32
    %lt3A_2356 = vector.broadcast %lt3A_2355 : i32 to vector<16xi32>
    %lt3A_2357 = arith.cmpi slt, %iota3A, %lt3A_2356 : vector<16xi32>
    %and3A_2358 = arith.andi %eq3A_2354, %lt3A_2357 : vector<16xi1>
    %or3A_2359 = arith.ori %gt3A_2353, %and3A_2358 : vector<16xi1>
    %gt3A_2360 = arith.cmpf ogt, %select_n3A, %gather3A_2352 : vector<16xf32>
    %eq3A_2361 = arith.cmpf oeq, %select_n3A, %gather3A_2352 : vector<16xf32>
    %add3A_2362 = arith.constant 16 : i32
    %add3A_2363 = vector.broadcast %add3A_2362 : i32 to vector<16xi32>
    %add3A_2364 = arith.addi %iota3A, %add3A_2363 : vector<16xi32>
    %lt3A_2365 = arith.constant 24 : i32
    %lt3A_2366 = vector.broadcast %lt3A_2365 : i32 to vector<16xi32>
    %lt3A_2367 = arith.cmpi slt, %add3A_2364, %lt3A_2366 : vector<16xi32>
    %and3A_2368 = arith.andi %eq3A_2361, %lt3A_2367 : vector<16xi1>
    %or3A_2369 = arith.ori %gt3A_2360, %and3A_2368 : vector<16xi1>
    %select_n3A_2370 = arith.select %or3A_2359, %broadcast_in_dim3A_16, %broadcast_in_dim3A_18 : vector<16xi1>, vector<16xi32>
    %select_n3A_2371 = arith.select %or3A_2369, %broadcast_in_dim3A_16, %broadcast_in_dim3A_18 : vector<16xi1>, vector<16xi32>
    %add3A_2372 = arith.addi %select_n3A_2370, %select_n3A_2371 : vector<16xi32>
    %xor3A_2373 = arith.constant 1 : i32
    %xor3A_2374 = vector.broadcast %xor3A_2373 : i32 to vector<16xi32>
    %xor3A_2375 = arith.xori %iota3A, %xor3A_2374 : vector<16xi32>
    %lt3A_2376 = arith.constant 0 : i32
    %lt3A_2377 = vector.broadcast %lt3A_2376 : i32 to vector<16xi32>
    %lt3A_2378 = arith.cmpi slt, %xor3A_2375, %lt3A_2377 : vector<16xi32>
    %add3A_2379 = arith.constant 16 : i32
    %add3A_2380 = vector.broadcast %add3A_2379 : i32 to vector<16xi32>
    %add3A_2381 = arith.addi %xor3A_2375, %add3A_2380 : vector<16xi32>
    %select_n3A_2382 = arith.select %lt3A_2378, %add3A_2381, %xor3A_2375 : vector<16xi1>, vector<16xi32>
    %broadcast_in_dim3A_2383 = vector.shape_cast %select_n3A_2382 : vector<16xi32> to vector<16x1xi32>
    %gather3A_2384 = vector.shape_cast %broadcast_in_dim3A_2383 : vector<16x1xi32> to vector<16xi32>
    %gather3A_2385 = tpu.dynamic_gather %add3A_2372[%gather3A_2384] in [0] : vector<16xi32>, vector<16xi32> -> vector<16xi32>
    %add3A_2386 = arith.addi %add3A_2372, %gather3A_2385 : vector<16xi32>
    %xor3A_2387 = arith.constant 2 : i32
    %xor3A_2388 = vector.broadcast %xor3A_2387 : i32 to vector<16xi32>
    %xor3A_2389 = arith.xori %iota3A, %xor3A_2388 : vector<16xi32>
    %lt3A_2390 = arith.constant 0 : i32
    %lt3A_2391 = vector.broadcast %lt3A_2390 : i32 to vector<16xi32>
    %lt3A_2392 = arith.cmpi slt, %xor3A_2389, %lt3A_2391 : vector<16xi32>
    %add3A_2393 = arith.constant 16 : i32
    %add3A_2394 = vector.broadcast %add3A_2393 : i32 to vector<16xi32>
    %add3A_2395 = arith.addi %xor3A_2389, %add3A_2394 : vector<16xi32>
    %select_n3A_2396 = arith.select %lt3A_2392, %add3A_2395, %xor3A_2389 : vector<16xi1>, vector<16xi32>
    %broadcast_in_dim3A_2397 = vector.shape_cast %select_n3A_2396 : vector<16xi32> to vector<16x1xi32>
    %gather3A_2398 = vector.shape_cast %broadcast_in_dim3A_2397 : vector<16x1xi32> to vector<16xi32>
    %gather3A_2399 = tpu.dynamic_gather %add3A_2386[%gather3A_2398] in [0] : vector<16xi32>, vector<16xi32> -> vector<16xi32>
    %add3A_2400 = arith.addi %add3A_2386, %gather3A_2399 : vector<16xi32>
    %xor3A_2401 = arith.constant 4 : i32
    %xor3A_2402 = vector.broadcast %xor3A_2401 : i32 to vector<16xi32>
    %xor3A_2403 = arith.xori %iota3A, %xor3A_2402 : vector<16xi32>
    %lt3A_2404 = arith.constant 0 : i32
    %lt3A_2405 = vector.broadcast %lt3A_2404 : i32 to vector<16xi32>
    %lt3A_2406 = arith.cmpi slt, %xor3A_2403, %lt3A_2405 : vector<16xi32>
    %add3A_2407 = arith.constant 16 : i32
    %add3A_2408 = vector.broadcast %add3A_2407 : i32 to vector<16xi32>
    %add3A_2409 = arith.addi %xor3A_2403, %add3A_2408 : vector<16xi32>
    %select_n3A_2410 = arith.select %lt3A_2406, %add3A_2409, %xor3A_2403 : vector<16xi1>, vector<16xi32>
    %broadcast_in_dim3A_2411 = vector.shape_cast %select_n3A_2410 : vector<16xi32> to vector<16x1xi32>
    %gather3A_2412 = vector.shape_cast %broadcast_in_dim3A_2411 : vector<16x1xi32> to vector<16xi32>
    %gather3A_2413 = tpu.dynamic_gather %add3A_2400[%gather3A_2412] in [0] : vector<16xi32>, vector<16xi32> -> vector<16xi32>
    %add3A_2414 = arith.addi %add3A_2400, %gather3A_2413 : vector<16xi32>
    %xor3A_2415 = arith.constant 8 : i32
    %xor3A_2416 = vector.broadcast %xor3A_2415 : i32 to vector<16xi32>
    %xor3A_2417 = arith.xori %iota3A, %xor3A_2416 : vector<16xi32>
    %lt3A_2418 = arith.constant 0 : i32
    %lt3A_2419 = vector.broadcast %lt3A_2418 : i32 to vector<16xi32>
    %lt3A_2420 = arith.cmpi slt, %xor3A_2417, %lt3A_2419 : vector<16xi32>
    %add3A_2421 = arith.constant 16 : i32
    %add3A_2422 = vector.broadcast %add3A_2421 : i32 to vector<16xi32>
    %add3A_2423 = arith.addi %xor3A_2417, %add3A_2422 : vector<16xi32>
    %select_n3A_2424 = arith.select %lt3A_2420, %add3A_2423, %xor3A_2417 : vector<16xi1>, vector<16xi32>
    %broadcast_in_dim3A_2425 = vector.shape_cast %select_n3A_2424 : vector<16xi32> to vector<16x1xi32>
    %gather3A_2426 = vector.shape_cast %broadcast_in_dim3A_2425 : vector<16x1xi32> to vector<16xi32>
    %gather3A_2427 = tpu.dynamic_gather %add3A_2414[%gather3A_2426] in [0] : vector<16xi32>, vector<16xi32> -> vector<16xi32>
    %add3A_2428 = arith.addi %add3A_2414, %gather3A_2427 : vector<16xi32>
    %lt3A_2429 = arith.constant 8 : i32
    %lt3A_2430 = vector.broadcast %lt3A_2429 : i32 to vector<16xi32>
    %lt3A_2431 = arith.cmpi slt, %add3A_2428, %lt3A_2430 : vector<16xi32>
    %select_n3A_2432 = arith.select %lt3A_2431, %broadcast_in_dim3A_12, %broadcast_in_dim3A_14 : vector<16xi1>, vector<16xf32>
    %eq3A_2433 = arith.constant 8 : i32
    %eq3A_2434 = vector.broadcast %eq3A_2433 : i32 to vector<16xi32>
    %eq3A_2435 = arith.cmpi eq, %iota3A, %eq3A_2434 : vector<16xi32>
    %select_n3A_2436 = arith.select %eq3A_2435, %select_n3A_2432, %select_n3A_2339 : vector<16xi1>, vector<16xf32>
    %add3A_2437 = arith.constant 9 : i32
    %add3A_2438 = vector.broadcast %add3A_2437 : i32 to vector<16xi32>
    %add3A_2439 = arith.addi %sub3A, %add3A_2438 : vector<16xi32>
    %lt3A_2440 = arith.constant 0 : i32
    %lt3A_2441 = vector.broadcast %lt3A_2440 : i32 to vector<16xi32>
    %lt3A_2442 = arith.cmpi slt, %add3A_2439, %lt3A_2441 : vector<16xi32>
    %add3A_2443 = arith.constant 16 : i32
    %add3A_2444 = vector.broadcast %add3A_2443 : i32 to vector<16xi32>
    %add3A_2445 = arith.addi %add3A_2439, %add3A_2444 : vector<16xi32>
    %select_n3A_2446 = arith.select %lt3A_2442, %add3A_2445, %add3A_2439 : vector<16xi1>, vector<16xi32>
    %broadcast_in_dim3A_2447 = vector.shape_cast %select_n3A_2446 : vector<16xi32> to vector<16x1xi32>
    %gather3A_2448 = vector.shape_cast %broadcast_in_dim3A_2447 : vector<16x1xi32> to vector<16xi32>
    %gather3A_2449 = tpu.dynamic_gather %select_n3A[%gather3A_2448] in [0] : vector<16xf32>, vector<16xi32> -> vector<16xf32>
    %gt3A_2450 = arith.cmpf ogt, %get3A_2, %gather3A_2449 : vector<16xf32>
    %eq3A_2451 = arith.cmpf oeq, %get3A_2, %gather3A_2449 : vector<16xf32>
    %lt3A_2452 = arith.constant 25 : i32
    %lt3A_2453 = vector.broadcast %lt3A_2452 : i32 to vector<16xi32>
    %lt3A_2454 = arith.cmpi slt, %iota3A, %lt3A_2453 : vector<16xi32>
    %and3A_2455 = arith.andi %eq3A_2451, %lt3A_2454 : vector<16xi1>
    %or3A_2456 = arith.ori %gt3A_2450, %and3A_2455 : vector<16xi1>
    %gt3A_2457 = arith.cmpf ogt, %select_n3A, %gather3A_2449 : vector<16xf32>
    %eq3A_2458 = arith.cmpf oeq, %select_n3A, %gather3A_2449 : vector<16xf32>
    %add3A_2459 = arith.constant 16 : i32
    %add3A_2460 = vector.broadcast %add3A_2459 : i32 to vector<16xi32>
    %add3A_2461 = arith.addi %iota3A, %add3A_2460 : vector<16xi32>
    %lt3A_2462 = arith.constant 25 : i32
    %lt3A_2463 = vector.broadcast %lt3A_2462 : i32 to vector<16xi32>
    %lt3A_2464 = arith.cmpi slt, %add3A_2461, %lt3A_2463 : vector<16xi32>
    %and3A_2465 = arith.andi %eq3A_2458, %lt3A_2464 : vector<16xi1>
    %or3A_2466 = arith.ori %gt3A_2457, %and3A_2465 : vector<16xi1>
    %select_n3A_2467 = arith.select %or3A_2456, %broadcast_in_dim3A_16, %broadcast_in_dim3A_18 : vector<16xi1>, vector<16xi32>
    %select_n3A_2468 = arith.select %or3A_2466, %broadcast_in_dim3A_16, %broadcast_in_dim3A_18 : vector<16xi1>, vector<16xi32>
    %add3A_2469 = arith.addi %select_n3A_2467, %select_n3A_2468 : vector<16xi32>
    %xor3A_2470 = arith.constant 1 : i32
    %xor3A_2471 = vector.broadcast %xor3A_2470 : i32 to vector<16xi32>
    %xor3A_2472 = arith.xori %iota3A, %xor3A_2471 : vector<16xi32>
    %lt3A_2473 = arith.constant 0 : i32
    %lt3A_2474 = vector.broadcast %lt3A_2473 : i32 to vector<16xi32>
    %lt3A_2475 = arith.cmpi slt, %xor3A_2472, %lt3A_2474 : vector<16xi32>
    %add3A_2476 = arith.constant 16 : i32
    %add3A_2477 = vector.broadcast %add3A_2476 : i32 to vector<16xi32>
    %add3A_2478 = arith.addi %xor3A_2472, %add3A_2477 : vector<16xi32>
    %select_n3A_2479 = arith.select %lt3A_2475, %add3A_2478, %xor3A_2472 : vector<16xi1>, vector<16xi32>
    %broadcast_in_dim3A_2480 = vector.shape_cast %select_n3A_2479 : vector<16xi32> to vector<16x1xi32>
    %gather3A_2481 = vector.shape_cast %broadcast_in_dim3A_2480 : vector<16x1xi32> to vector<16xi32>
    %gather3A_2482 = tpu.dynamic_gather %add3A_2469[%gather3A_2481] in [0] : vector<16xi32>, vector<16xi32> -> vector<16xi32>
    %add3A_2483 = arith.addi %add3A_2469, %gather3A_2482 : vector<16xi32>
    %xor3A_2484 = arith.constant 2 : i32
    %xor3A_2485 = vector.broadcast %xor3A_2484 : i32 to vector<16xi32>
    %xor3A_2486 = arith.xori %iota3A, %xor3A_2485 : vector<16xi32>
    %lt3A_2487 = arith.constant 0 : i32
    %lt3A_2488 = vector.broadcast %lt3A_2487 : i32 to vector<16xi32>
    %lt3A_2489 = arith.cmpi slt, %xor3A_2486, %lt3A_2488 : vector<16xi32>
    %add3A_2490 = arith.constant 16 : i32
    %add3A_2491 = vector.broadcast %add3A_2490 : i32 to vector<16xi32>
    %add3A_2492 = arith.addi %xor3A_2486, %add3A_2491 : vector<16xi32>
    %select_n3A_2493 = arith.select %lt3A_2489, %add3A_2492, %xor3A_2486 : vector<16xi1>, vector<16xi32>
    %broadcast_in_dim3A_2494 = vector.shape_cast %select_n3A_2493 : vector<16xi32> to vector<16x1xi32>
    %gather3A_2495 = vector.shape_cast %broadcast_in_dim3A_2494 : vector<16x1xi32> to vector<16xi32>
    %gather3A_2496 = tpu.dynamic_gather %add3A_2483[%gather3A_2495] in [0] : vector<16xi32>, vector<16xi32> -> vector<16xi32>
    %add3A_2497 = arith.addi %add3A_2483, %gather3A_2496 : vector<16xi32>
    %xor3A_2498 = arith.constant 4 : i32
    %xor3A_2499 = vector.broadcast %xor3A_2498 : i32 to vector<16xi32>
    %xor3A_2500 = arith.xori %iota3A, %xor3A_2499 : vector<16xi32>
    %lt3A_2501 = arith.constant 0 : i32
    %lt3A_2502 = vector.broadcast %lt3A_2501 : i32 to vector<16xi32>
    %lt3A_2503 = arith.cmpi slt, %xor3A_2500, %lt3A_2502 : vector<16xi32>
    %add3A_2504 = arith.constant 16 : i32
    %add3A_2505 = vector.broadcast %add3A_2504 : i32 to vector<16xi32>
    %add3A_2506 = arith.addi %xor3A_2500, %add3A_2505 : vector<16xi32>
    %select_n3A_2507 = arith.select %lt3A_2503, %add3A_2506, %xor3A_2500 : vector<16xi1>, vector<16xi32>
    %broadcast_in_dim3A_2508 = vector.shape_cast %select_n3A_2507 : vector<16xi32> to vector<16x1xi32>
    %gather3A_2509 = vector.shape_cast %broadcast_in_dim3A_2508 : vector<16x1xi32> to vector<16xi32>
    %gather3A_2510 = tpu.dynamic_gather %add3A_2497[%gather3A_2509] in [0] : vector<16xi32>, vector<16xi32> -> vector<16xi32>
    %add3A_2511 = arith.addi %add3A_2497, %gather3A_2510 : vector<16xi32>
    %xor3A_2512 = arith.constant 8 : i32
    %xor3A_2513 = vector.broadcast %xor3A_2512 : i32 to vector<16xi32>
    %xor3A_2514 = arith.xori %iota3A, %xor3A_2513 : vector<16xi32>
    %lt3A_2515 = arith.constant 0 : i32
    %lt3A_2516 = vector.broadcast %lt3A_2515 : i32 to vector<16xi32>
    %lt3A_2517 = arith.cmpi slt, %xor3A_2514, %lt3A_2516 : vector<16xi32>
    %add3A_2518 = arith.constant 16 : i32
    %add3A_2519 = vector.broadcast %add3A_2518 : i32 to vector<16xi32>
    %add3A_2520 = arith.addi %xor3A_2514, %add3A_2519 : vector<16xi32>
    %select_n3A_2521 = arith.select %lt3A_2517, %add3A_2520, %xor3A_2514 : vector<16xi1>, vector<16xi32>
    %broadcast_in_dim3A_2522 = vector.shape_cast %select_n3A_2521 : vector<16xi32> to vector<16x1xi32>
    %gather3A_2523 = vector.shape_cast %broadcast_in_dim3A_2522 : vector<16x1xi32> to vector<16xi32>
    %gather3A_2524 = tpu.dynamic_gather %add3A_2511[%gather3A_2523] in [0] : vector<16xi32>, vector<16xi32> -> vector<16xi32>
    %add3A_2525 = arith.addi %add3A_2511, %gather3A_2524 : vector<16xi32>
    %lt3A_2526 = arith.constant 8 : i32
    %lt3A_2527 = vector.broadcast %lt3A_2526 : i32 to vector<16xi32>
    %lt3A_2528 = arith.cmpi slt, %add3A_2525, %lt3A_2527 : vector<16xi32>
    %select_n3A_2529 = arith.select %lt3A_2528, %broadcast_in_dim3A_12, %broadcast_in_dim3A_14 : vector<16xi1>, vector<16xf32>
    %eq3A_2530 = arith.constant 9 : i32
    %eq3A_2531 = vector.broadcast %eq3A_2530 : i32 to vector<16xi32>
    %eq3A_2532 = arith.cmpi eq, %iota3A, %eq3A_2531 : vector<16xi32>
    %select_n3A_2533 = arith.select %eq3A_2532, %select_n3A_2529, %select_n3A_2436 : vector<16xi1>, vector<16xf32>
    %swap3A = arith.constant 0 : index
    %swap3A_2534 = tpu.vector_load %arg5[%swap3A] {strides = array<i32>} : memref<32xf32, #tpu.memory_space<vmem>>, vector<16xf32>,
    %swap3A_2535 = vector.shape_cast %swap3A_2534 : vector<16xf32> to vector<16xf32>
    %swap3A_2536 = vector.shape_cast %select_n3A_1563 : vector<16xf32> to vector<16xf32>
    tpu.vector_store %arg5[%swap3A], %swap3A_2536 {strides = array<i32>} : memref<32xf32, #tpu.memory_space<vmem>>, vector<16xf32>,
    %swap3A_2537 = arith.constant 16 : index
    %swap3A_2538 = tpu.vector_load %arg5[%swap3A_2537] {strides = array<i32>} : memref<32xf32, #tpu.memory_space<vmem>>, vector<16xf32>,
    %swap3A_2539 = vector.shape_cast %swap3A_2538 : vector<16xf32> to vector<16xf32>
    %swap3A_2540 = vector.shape_cast %select_n3A_2533 : vector<16xf32> to vector<16xf32>
    tpu.vector_store %arg5[%swap3A_2537], %swap3A_2540 {strides = array<i32>} : memref<32xf32, #tpu.memory_space<vmem>>, vector<16xf32>,
    "tpu.region"() ({
      %run_scoped3A = tpu.sem_alloc : memref<!tpu.dma_semaphore, #tpu.memory_space<semaphore_mem>>
      %dma_start3A = arith.constant 0 : i32
      %dma_start3A_2541 = tpu.memref_slice %arg3[%add3A, %dma_start3A] : memref<32x32xf32, #tpu.memory_space<hbm>> -> memref<1x32xf32, #tpu.memory_space<hbm>>
      %dma_start3A_2542 = tpu.memref_squeeze %dma_start3A_2541 : memref<1x32xf32, #tpu.memory_space<hbm>> -> memref<32xf32, #tpu.memory_space<hbm>>
      %dma_start3A_2543 = arith.constant 0 : i32
      %dma_start3A_2544 = tpu.memref_slice %arg3[%add3A, %dma_start3A_2543] : memref<32x32xf32, #tpu.memory_space<hbm>> -> memref<1x32xf32, #tpu.memory_space<hbm>>
      %dma_start3A_2545 = tpu.memref_squeeze %dma_start3A_2544 : memref<1x32xf32, #tpu.memory_space<hbm>> -> memref<32xf32, #tpu.memory_space<hbm>>
      tpu.enqueue_dma source(%arg5 : memref<32xf32, #tpu.memory_space<vmem>>) target(%dma_start3A_2545 : memref<32xf32, #tpu.memory_space<hbm>>) target_semaphore(%run_scoped3A : memref<!tpu.dma_semaphore, #tpu.memory_space<semaphore_mem>>)
      %dma_wait3A = arith.constant 0 : i32
      %dma_wait3A_2546 = tpu.memref_slice %arg3[%add3A, %dma_wait3A] : memref<32x32xf32, #tpu.memory_space<hbm>> -> memref<1x32xf32, #tpu.memory_space<hbm>>
      %dma_wait3A_2547 = tpu.memref_squeeze %dma_wait3A_2546 : memref<1x32xf32, #tpu.memory_space<hbm>> -> memref<32xf32, #tpu.memory_space<hbm>>
      %dma_wait3A_2548 = arith.constant 0 : i32
      %dma_wait3A_2549 = tpu.memref_slice %arg3[%add3A, %dma_wait3A_2548] : memref<32x32xf32, #tpu.memory_space<hbm>> -> memref<1x32xf32, #tpu.memory_space<hbm>>
      %dma_wait3A_2550 = tpu.memref_squeeze %dma_wait3A_2549 : memref<1x32xf32, #tpu.memory_space<hbm>> -> memref<32xf32, #tpu.memory_space<hbm>>
      tpu.wait_dma2 semaphore(%run_scoped3A : memref<!tpu.dma_semaphore, #tpu.memory_space<semaphore_mem>>) src(%arg5 : memref<32xf32, #tpu.memory_space<vmem>>) dst(%dma_wait3A_2550 : memref<32xf32, #tpu.memory_space<hbm>>)
      tpu.yield
    }) : () -> ()
    return
  }
}

module attributes {stable_mosaic.version = 14 : i64} {
  func.func @_scores_kernel(%arg0: memref<32x1024xf32, #tpu.memory_space<vmem>>, %arg1: memref<1024x256xf32, #tpu.memory_space<vmem>>, %arg2: memref<1x256xf32, #tpu.memory_space<vmem>>, %arg3: memref<1024x256xf32, #tpu.memory_space<vmem>>, %arg4: memref<1x256xf32, #tpu.memory_space<vmem>>, %arg5: memref<32x32xf32, #tpu.memory_space<vmem>>) attributes {dimension_semantics = [], scalar_prefetch = 0 : i64, scratch_operands = 0 : i64, tpu.core_type = #tpu.core_type<tc>} {
    %get3A = arith.constant 0 : index
    %get3A_0 = arith.constant 0 : index
    %get3A_1 = vector.load %arg0[%get3A, %get3A_0] : memref<32x1024xf32, #tpu.memory_space<vmem>>, vector<32x1024xf32>
    %get3A_2 = arith.constant 0 : index
    %get3A_3 = arith.constant 0 : index
    %get3A_4 = vector.load %arg1[%get3A_2, %get3A_3] : memref<1024x256xf32, #tpu.memory_space<vmem>>, vector<1024x256xf32>
    %dot_general3A = arith.constant dense<0.000000e+00> : vector<32x256xf32>
    %dot_general3A_5 = tpu.matmul %get3A_1, %get3A_4, %dot_general3A {dimension_numbers = #tpu.dot_dimension_numbers<[1], [0], [0], [1], [0, 0, 1, 1], [], []>, transpose_lhs_hint = false} : vector<32x1024xf32>, vector<1024x256xf32>, vector<32x256xf32> -> vector<32x256xf32>
    %get3A_6 = arith.constant 0 : index
    %get3A_7 = arith.constant 0 : index
    %get3A_8 = vector.load %arg2[%get3A_6, %get3A_7] : memref<1x256xf32, #tpu.memory_space<vmem>>, vector<1x256xf32>
    %add3A = vector.broadcast %get3A_8 : vector<1x256xf32> to vector<32x256xf32>
    %add3A_9 = arith.addf %dot_general3A_5, %add3A : vector<32x256xf32>
    %get3A_10 = arith.constant 0 : index
    %get3A_11 = arith.constant 0 : index
    %get3A_12 = vector.load %arg3[%get3A_10, %get3A_11] : memref<1024x256xf32, #tpu.memory_space<vmem>>, vector<1024x256xf32>
    %dot_general3A_13 = arith.constant dense<0.000000e+00> : vector<32x256xf32>
    %dot_general3A_14 = tpu.matmul %get3A_1, %get3A_12, %dot_general3A_13 {dimension_numbers = #tpu.dot_dimension_numbers<[1], [0], [0], [1], [0, 0, 1, 1], [], []>, transpose_lhs_hint = false} : vector<32x1024xf32>, vector<1024x256xf32>, vector<32x256xf32> -> vector<32x256xf32>
    %get3A_15 = arith.constant 0 : index
    %get3A_16 = arith.constant 0 : index
    %get3A_17 = vector.load %arg4[%get3A_15, %get3A_16] : memref<1x256xf32, #tpu.memory_space<vmem>>, vector<1x256xf32>
    %add3A_18 = vector.broadcast %get3A_17 : vector<1x256xf32> to vector<32x256xf32>
    %add3A_19 = arith.addf %dot_general3A_14, %add3A_18 : vector<32x256xf32>
    %dot_general3A_20 = arith.constant dense<0.000000e+00> : vector<32x32xf32>
    %dot_general3A_21 = tpu.matmul %add3A_9, %add3A_19, %dot_general3A_20 {dimension_numbers = #tpu.dot_dimension_numbers<[1], [1], [0], [0], [0, 0, 1, 0], [], []>, transpose_lhs_hint = false} : vector<32x256xf32>, vector<32x256xf32>, vector<32x32xf32> -> vector<32x32xf32>
    %swap3A = arith.constant 0 : index
    %swap3A_22 = arith.constant 0 : index
    %swap3A_23 = vector.load %arg5[%swap3A, %swap3A_22] : memref<32x32xf32, #tpu.memory_space<vmem>>, vector<32x32xf32>
    tpu.vector_store %arg5[%swap3A, %swap3A_22], %dot_general3A_21 {strides = array<i32>} : memref<32x32xf32, #tpu.memory_space<vmem>>, vector<32x32xf32>,
    return
  }
}

module attributes {stable_mosaic.version = 14 : i64} {
  func.func @_gcn_kernel(%arg0: memref<32x32xf32, #tpu.memory_space<vmem>>, %arg1: memref<26x1024xf32, #tpu.memory_space<vmem>>, %arg2: memref<1024x512xf32, #tpu.memory_space<vmem>>, %arg3: memref<1x512xf32, #tpu.memory_space<vmem>>, %arg4: memref<512x1024xf32, #tpu.memory_space<vmem>>, %arg5: memref<1x1024xf32, #tpu.memory_space<vmem>>, %arg6: memref<26x1024xf32, #tpu.memory_space<vmem>>) attributes {dimension_semantics = [], scalar_prefetch = 0 : i64, scratch_operands = 0 : i64, tpu.core_type = #tpu.core_type<tc>} {
    %get3A = arith.constant 0 : index
    %get3A_0 = arith.constant 0 : index
    %get3A_1 = vector.load %arg1[%get3A, %get3A_0] : memref<26x1024xf32, #tpu.memory_space<vmem>>, vector<26x1024xf32>
    %get3A_2 = arith.constant 0 : index
    %get3A_3 = arith.constant 0 : index
    %get3A_4 = vector.load %arg0[%get3A_2, %get3A_3] : memref<32x32xf32, #tpu.memory_space<vmem>>, vector<32x32xf32>
    %slice3A = vector.extract_strided_slice %get3A_4 {offsets = [0, 0], sizes = [26, 26], strides = [1, 1]} : vector<32x32xf32> to vector<26x26xf32>
    %iota3A = tpu.iota {dimensions = array<i32: 1>} : vector<26x26xi32>
    %iota3A_5 = tpu.iota {dimensions = array<i32: 0>} : vector<26x26xi32>
    %eq3A = arith.cmpi eq, %iota3A_5, %iota3A : vector<26x26xi32>
    %convert_element_type3A = arith.extui %eq3A : vector<26x26xi1> to vector<26x26xi32>
    %convert_element_type3A_6 = arith.sitofp %convert_element_type3A : vector<26x26xi32> to vector<26x26xf32>
    %sub3A = arith.constant 1.000000e+00 : f32
    %sub3A_7 = vector.broadcast %sub3A : f32 to vector<26x26xf32>
    %sub3A_8 = arith.subf %sub3A_7, %convert_element_type3A_6 : vector<26x26xf32>
    %mul3A = arith.mulf %slice3A, %sub3A_8 : vector<26x26xf32>
    %reduce_sum3A = arith.constant dense<0.000000e+00> : vector<26xf32>
    %reduce_sum3A_9 = vector.multi_reduction <add>, %mul3A, %reduce_sum3A [0] : vector<26x26xf32> to vector<26xf32>
    %add3A = arith.constant 1.000000e+00 : f32
    %add3A_10 = vector.broadcast %add3A : f32 to vector<26xf32>
    %add3A_11 = arith.addf %reduce_sum3A_9, %add3A_10 : vector<26xf32>
    %rsqrt3A = math.rsqrt %add3A_11 : vector<26xf32>
    %get3A_12 = arith.constant 0 : index
    %get3A_13 = arith.constant 0 : index
    %get3A_14 = vector.load %arg2[%get3A_12, %get3A_13] : memref<1024x512xf32, #tpu.memory_space<vmem>>, vector<1024x512xf32>
    %dot_general3A = arith.constant dense<0.000000e+00> : vector<26x512xf32>
    %dot_general3A_15 = tpu.matmul %get3A_1, %get3A_14, %dot_general3A {dimension_numbers = #tpu.dot_dimension_numbers<[1], [0], [0], [1], [0, 0, 1, 1], [], []>, transpose_lhs_hint = false} : vector<26x1024xf32>, vector<1024x512xf32>, vector<26x512xf32> -> vector<26x512xf32>
    %broadcast_in_dim3A = vector.shape_cast %rsqrt3A : vector<26xf32> to vector<26x1xf32>
    %mul3A_16 = vector.broadcast %broadcast_in_dim3A : vector<26x1xf32> to vector<26x512xf32>
    %mul3A_17 = arith.mulf %dot_general3A_15, %mul3A_16 : vector<26x512xf32>
    %dot_general3A_18 = arith.constant dense<0.000000e+00> : vector<26x512xf32>
    %dot_general3A_19 = tpu.matmul %mul3A, %mul3A_17, %dot_general3A_18 {dimension_numbers = #tpu.dot_dimension_numbers<[0], [0], [1], [1], [0, 1, 1, 1], [], []>, transpose_lhs_hint = false} : vector<26x26xf32>, vector<26x512xf32>, vector<26x512xf32> -> vector<26x512xf32>
    %add3A_20 = arith.addf %dot_general3A_19, %mul3A_17 : vector<26x512xf32>
    %broadcast_in_dim3A_21 = vector.shape_cast %rsqrt3A : vector<26xf32> to vector<26x1xf32>
    %mul3A_22 = vector.broadcast %broadcast_in_dim3A_21 : vector<26x1xf32> to vector<26x512xf32>
    %mul3A_23 = arith.mulf %add3A_20, %mul3A_22 : vector<26x512xf32>
    %get3A_24 = arith.constant 0 : index
    %get3A_25 = arith.constant 0 : index
    %get3A_26 = vector.load %arg3[%get3A_24, %get3A_25] : memref<1x512xf32, #tpu.memory_space<vmem>>, vector<1x512xf32>
    %add3A_27 = vector.broadcast %get3A_26 : vector<1x512xf32> to vector<26x512xf32>
    %add3A_28 = arith.addf %mul3A_23, %add3A_27 : vector<26x512xf32>
    %max3A = arith.constant 0.000000e+00 : f32
    %max3A_29 = vector.broadcast %max3A : f32 to vector<26x512xf32>
    %max3A_30 = arith.maximumf %add3A_28, %max3A_29 : vector<26x512xf32>
    %get3A_31 = arith.constant 0 : index
    %get3A_32 = arith.constant 0 : index
    %get3A_33 = vector.load %arg4[%get3A_31, %get3A_32] : memref<512x1024xf32, #tpu.memory_space<vmem>>, vector<512x1024xf32>
    %dot_general3A_34 = arith.constant dense<0.000000e+00> : vector<26x1024xf32>
    %dot_general3A_35 = tpu.matmul %max3A_30, %get3A_33, %dot_general3A_34 {dimension_numbers = #tpu.dot_dimension_numbers<[1], [0], [0], [1], [0, 0, 1, 1], [], []>, transpose_lhs_hint = false} : vector<26x512xf32>, vector<512x1024xf32>, vector<26x1024xf32> -> vector<26x1024xf32>
    %broadcast_in_dim3A_36 = vector.shape_cast %rsqrt3A : vector<26xf32> to vector<26x1xf32>
    %mul3A_37 = vector.broadcast %broadcast_in_dim3A_36 : vector<26x1xf32> to vector<26x1024xf32>
    %mul3A_38 = arith.mulf %dot_general3A_35, %mul3A_37 : vector<26x1024xf32>
    %dot_general3A_39 = arith.constant dense<0.000000e+00> : vector<26x1024xf32>
    %dot_general3A_40 = tpu.matmul %mul3A, %mul3A_38, %dot_general3A_39 {dimension_numbers = #tpu.dot_dimension_numbers<[0], [0], [1], [1], [0, 1, 1, 1], [], []>, transpose_lhs_hint = false} : vector<26x26xf32>, vector<26x1024xf32>, vector<26x1024xf32> -> vector<26x1024xf32>
    %add3A_41 = arith.addf %dot_general3A_40, %mul3A_38 : vector<26x1024xf32>
    %broadcast_in_dim3A_42 = vector.shape_cast %rsqrt3A : vector<26xf32> to vector<26x1xf32>
    %mul3A_43 = vector.broadcast %broadcast_in_dim3A_42 : vector<26x1xf32> to vector<26x1024xf32>
    %mul3A_44 = arith.mulf %add3A_41, %mul3A_43 : vector<26x1024xf32>
    %get3A_45 = arith.constant 0 : index
    %get3A_46 = arith.constant 0 : index
    %get3A_47 = vector.load %arg5[%get3A_45, %get3A_46] : memref<1x1024xf32, #tpu.memory_space<vmem>>, vector<1x1024xf32>
    %add3A_48 = vector.broadcast %get3A_47 : vector<1x1024xf32> to vector<26x1024xf32>
    %add3A_49 = arith.addf %mul3A_44, %add3A_48 : vector<26x1024xf32>
    %swap3A = arith.constant 0 : index
    %swap3A_50 = arith.constant 0 : index
    %swap3A_51 = vector.load %arg6[%swap3A, %swap3A_50] : memref<26x1024xf32, #tpu.memory_space<vmem>>, vector<26x1024xf32>
    tpu.vector_store %arg6[%swap3A, %swap3A_50], %add3A_49 {strides = array<i32>} : memref<26x1024xf32, #tpu.memory_space<vmem>>, vector<26x1024xf32>,
    return
  }
}

module attributes {stable_mosaic.version = 14 : i64} {
  func.func @_big_kernel(%arg0: i32, %arg1: memref<512x2048xf32, #tpu.memory_space<vmem>>, %arg2: memref<2048x1024xf32, #tpu.memory_space<vmem>>, %arg3: memref<1x1024xf32, #tpu.memory_space<vmem>>, %arg4: memref<1024x26xf32, #tpu.memory_space<vmem>>, %arg5: memref<1x26xf32, #tpu.memory_space<vmem>>, %arg6: memref<2048x1024xf32, #tpu.memory_space<vmem>>, %arg7: memref<1x1024xf32, #tpu.memory_space<vmem>>, %arg8: memref<26x1024xf32, #tpu.memory_space<vmem>>, %arg9: memref<512x26xf32, #tpu.memory_space<vmem>>) attributes {dimension_semantics = [#tpu.dimension_semantics<arbitrary>], iteration_bounds = array<i64: 8>, scalar_prefetch = 0 : i64, scratch_operands = 0 : i64, tpu.core_type = #tpu.core_type<tc>, window_params = [{transform_indices = @transform_0, window_bounds = array<i64: 512, 2048>}, {pipeline_mode = #tpu.pipeline_mode<synchronous>, transform_indices = @transform_1, window_bounds = array<i64: 2048, 1024>}, {pipeline_mode = #tpu.pipeline_mode<synchronous>, transform_indices = @transform_2, window_bounds = array<i64: 1, 1024>}, {pipeline_mode = #tpu.pipeline_mode<synchronous>, transform_indices = @transform_3, window_bounds = array<i64: 1024, 26>}, {pipeline_mode = #tpu.pipeline_mode<synchronous>, transform_indices = @transform_4, window_bounds = array<i64: 1, 26>}, {pipeline_mode = #tpu.pipeline_mode<synchronous>, transform_indices = @transform_5, window_bounds = array<i64: 2048, 1024>}, {pipeline_mode = #tpu.pipeline_mode<synchronous>, transform_indices = @transform_6, window_bounds = array<i64: 1, 1024>}, {pipeline_mode = #tpu.pipeline_mode<synchronous>, transform_indices = @transform_7, window_bounds = array<i64: 26, 1024>}, {transform_indices = @transform_8, window_bounds = array<i64: 512, 26>}]} {
    %get3A = arith.constant 0 : index
    %get3A_0 = arith.constant 0 : index
    %get3A_1 = vector.load %arg1[%get3A, %get3A_0] : memref<512x2048xf32, #tpu.memory_space<vmem>>, vector<512x2048xf32>
    %get3A_2 = arith.constant 0 : index
    %get3A_3 = arith.constant 0 : index
    %get3A_4 = vector.load %arg2[%get3A_2, %get3A_3] : memref<2048x1024xf32, #tpu.memory_space<vmem>>, vector<2048x1024xf32>
    %dot_general3A = arith.constant dense<0.000000e+00> : vector<512x1024xf32>
    %dot_general3A_5 = tpu.matmul %get3A_1, %get3A_4, %dot_general3A {dimension_numbers = #tpu.dot_dimension_numbers<[1], [0], [0], [1], [0, 0, 1, 1], [], []>, transpose_lhs_hint = false} : vector<512x2048xf32>, vector<2048x1024xf32>, vector<512x1024xf32> -> vector<512x1024xf32>
    %get3A_6 = arith.constant 0 : index
    %get3A_7 = arith.constant 0 : index
    %get3A_8 = vector.load %arg3[%get3A_6, %get3A_7] : memref<1x1024xf32, #tpu.memory_space<vmem>>, vector<1x1024xf32>
    %add3A = vector.broadcast %get3A_8 : vector<1x1024xf32> to vector<512x1024xf32>
    %add3A_9 = arith.addf %dot_general3A_5, %add3A : vector<512x1024xf32>
    %max3A = arith.constant 0.000000e+00 : f32
    %max3A_10 = vector.broadcast %max3A : f32 to vector<512x1024xf32>
    %max3A_11 = arith.maximumf %add3A_9, %max3A_10 : vector<512x1024xf32>
    %get3A_12 = arith.constant 0 : index
    %get3A_13 = arith.constant 0 : index
    %get3A_14 = vector.load %arg6[%get3A_12, %get3A_13] : memref<2048x1024xf32, #tpu.memory_space<vmem>>, vector<2048x1024xf32>
    %dot_general3A_15 = arith.constant dense<0.000000e+00> : vector<512x1024xf32>
    %dot_general3A_16 = tpu.matmul %get3A_1, %get3A_14, %dot_general3A_15 {dimension_numbers = #tpu.dot_dimension_numbers<[1], [0], [0], [1], [0, 0, 1, 1], [], []>, transpose_lhs_hint = false} : vector<512x2048xf32>, vector<2048x1024xf32>, vector<512x1024xf32> -> vector<512x1024xf32>
    %get3A_17 = arith.constant 0 : index
    %get3A_18 = arith.constant 0 : index
    %get3A_19 = vector.load %arg7[%get3A_17, %get3A_18] : memref<1x1024xf32, #tpu.memory_space<vmem>>, vector<1x1024xf32>
    %add3A_20 = vector.broadcast %get3A_19 : vector<1x1024xf32> to vector<512x1024xf32>
    %add3A_21 = arith.addf %dot_general3A_16, %add3A_20 : vector<512x1024xf32>
    %max3A_22 = arith.constant 0.000000e+00 : f32
    %max3A_23 = vector.broadcast %max3A_22 : f32 to vector<512x1024xf32>
    %max3A_24 = arith.maximumf %add3A_21, %max3A_23 : vector<512x1024xf32>
    %get3A_25 = arith.constant 0 : index
    %get3A_26 = arith.constant 0 : index
    %get3A_27 = vector.load %arg4[%get3A_25, %get3A_26] : memref<1024x26xf32, #tpu.memory_space<vmem>>, vector<1024x26xf32>
    %dot_general3A_28 = arith.constant dense<0.000000e+00> : vector<512x26xf32>
    %dot_general3A_29 = tpu.matmul %max3A_11, %get3A_27, %dot_general3A_28 {dimension_numbers = #tpu.dot_dimension_numbers<[1], [0], [0], [1], [0, 0, 1, 1], [], []>, transpose_lhs_hint = false} : vector<512x1024xf32>, vector<1024x26xf32>, vector<512x26xf32> -> vector<512x26xf32>
    %get3A_30 = arith.constant 0 : index
    %get3A_31 = arith.constant 0 : index
    %get3A_32 = vector.load %arg8[%get3A_30, %get3A_31] : memref<26x1024xf32, #tpu.memory_space<vmem>>, vector<26x1024xf32>
    %dot_general3A_33 = arith.constant dense<0.000000e+00> : vector<512x26xf32>
    %dot_general3A_34 = tpu.matmul %max3A_24, %get3A_32, %dot_general3A_33 {dimension_numbers = #tpu.dot_dimension_numbers<[1], [1], [0], [0], [0, 0, 1, 0], [], []>, transpose_lhs_hint = false} : vector<512x1024xf32>, vector<26x1024xf32>, vector<512x26xf32> -> vector<512x26xf32>
    %add3A_35 = arith.addf %dot_general3A_29, %dot_general3A_34 : vector<512x26xf32>
    %get3A_36 = arith.constant 0 : index
    %get3A_37 = arith.constant 0 : index
    %get3A_38 = vector.load %arg5[%get3A_36, %get3A_37] : memref<1x26xf32, #tpu.memory_space<vmem>>, vector<1x26xf32>
    %add3A_39 = vector.broadcast %get3A_38 : vector<1x26xf32> to vector<512x26xf32>
    %add3A_40 = arith.addf %add3A_35, %add3A_39 : vector<512x26xf32>
    %swap3A = arith.constant 0 : index
    %swap3A_41 = arith.constant 0 : index
    %swap3A_42 = vector.load %arg9[%swap3A, %swap3A_41] : memref<512x26xf32, #tpu.memory_space<vmem>>, vector<512x26xf32>
    tpu.vector_store %arg9[%swap3A, %swap3A_41], %add3A_40 {strides = array<i32>} : memref<512x26xf32, #tpu.memory_space<vmem>>, vector<512x26xf32>,
    return
  }
  func.func @transform_0(%arg0: i32) -> (i32, i32) {
    %c0_i32 = arith.constant 0 : i32
    %c0_i32_0 = arith.constant 0 : i32
    return %arg0, %c0_i32 : i32, i32
  }
  func.func @transform_1(%arg0: i32) -> (i32, i32) {
    %c0_i32 = arith.constant 0 : i32
    %c0_i32_0 = arith.constant 0 : i32
    %c0_i32_1 = arith.constant 0 : i32
    return %c0_i32, %c0_i32_0 : i32, i32
  }
  func.func @transform_2(%arg0: i32) -> (i32, i32) {
    %c0_i32 = arith.constant 0 : i32
    %c0_i32_0 = arith.constant 0 : i32
    %c0_i32_1 = arith.constant 0 : i32
    return %c0_i32, %c0_i32_0 : i32, i32
  }
  func.func @transform_3(%arg0: i32) -> (i32, i32) {
    %c0_i32 = arith.constant 0 : i32
    %c0_i32_0 = arith.constant 0 : i32
    %c0_i32_1 = arith.constant 0 : i32
    return %c0_i32, %c0_i32_0 : i32, i32
  }
  func.func @transform_4(%arg0: i32) -> (i32, i32) {
    %c0_i32 = arith.constant 0 : i32
    %c0_i32_0 = arith.constant 0 : i32
    %c0_i32_1 = arith.constant 0 : i32
    return %c0_i32, %c0_i32_0 : i32, i32
  }
  func.func @transform_5(%arg0: i32) -> (i32, i32) {
    %c0_i32 = arith.constant 0 : i32
    %c0_i32_0 = arith.constant 0 : i32
    %c0_i32_1 = arith.constant 0 : i32
    return %c0_i32, %c0_i32_0 : i32, i32
  }
  func.func @transform_6(%arg0: i32) -> (i32, i32) {
    %c0_i32 = arith.constant 0 : i32
    %c0_i32_0 = arith.constant 0 : i32
    %c0_i32_1 = arith.constant 0 : i32
    return %c0_i32, %c0_i32_0 : i32, i32
  }
  func.func @transform_7(%arg0: i32) -> (i32, i32) {
    %c0_i32 = arith.constant 0 : i32
    %c0_i32_0 = arith.constant 0 : i32
    %c0_i32_1 = arith.constant 0 : i32
    return %c0_i32, %c0_i32_0 : i32, i32
  }
  func.func @transform_8(%arg0: i32) -> (i32, i32) {
    %c0_i32 = arith.constant 0 : i32
    %c0_i32_0 = arith.constant 0 : i32
    return %arg0, %c0_i32 : i32, i32
  }
}

</mosaic_0001>

<sc_bundles>
// kernel: kernel.6.cloned.1.call-start
scs
__scs_entry_jumppad:
0x0: {  	(pc) =	sbr.rel $0x88, $3  }
0x1: {  	(tag) =	ssettag $0x0;
	lr =	simm.s32 $0x1  }
0x2: {  	[smem:$0x3F91] =	sst lr;
	_ =	strace $0xD0000000  }
0x3: {  	_ = 	snop  }
0x4: {  	_ = 	snop  }
0x5: {  	_ = 	snop  }
0x6: {  	_ = 	snop  }
0x7: {  	_ = 	snop  }
__scs_overlays_trampoline_lowered:
0x8: {  	[smem:$0x3FA0] =	sst s0  }
0x9: {  	[smem:$0x3FA1] =	sst s1  }
0xa: {  	[smem:$0x3FA2] =	sst s2  }
0xb: {  	[smem:$0x3FA3] =	sst s3  }
0xc: {  	[smem:$0x3FA4] =	sst s4  }
0xd: {  	[smem:$0x3FA5] =	sst s5  }
0xe: {  	[smem:$0x3FA6] =	sst s6  }
0xf: {  	[smem:$0x3FA7] =	sst s7  }
0x10: {  	[smem:$0x3FA8] =	sst s8  }
0x11: {  	[smem:$0x3FA9] =	sst s9;
	s0 =	simm.s32 @!p0 $0x0  }
0x12: {  	s1 =	sld [smem:$0x3F8F];
	s0 =	simm.s32 @p0 $0x1  }
0x13: {  	[smem:$0x3FAA] =	sst s0;
	s0 =	simm.s32 @!p1 $0x0  }
0x14: {  	s2 =	sld [smem:$0x3F8E];
	s0 =	simm.s32 @p1 $0x1  }
0x15: {  	[smem:$0x3FAB] =	sst s0;
	s0 =	simm.s32 @!p2 $0x0  }
0x16: {  	s3 =	sld [smem:$0x3FDB];
	s0 =	simm.s32 @p2 $0x1  }
0x17: {  	s4 =	simm.s32 $0x1BF5;
	[smem:$0x3FAD] =	sst s0  }
0x18: {  	s0 =	sld [smem:$0x3F90];
	_ =	swait.ge [sflag:s4], $0x0  }
0x19: {  	s7 =	sld [smem:$0x3F91]  }
0x1a: {  	s8 =	sadd.s32 $0xFFFFE003, lr  }
0x1b: {  	s9 =	sadd.s32 $0xFFFFFEF7, lr;
	s5 =	simm.s32 $0xFFFFFFFF;
	p2 =	slt.u32 s8, $0xFFFFF086  }
0x1c: {  	p1 =	slt.u32 s9, $0xF7A;
	s5 =	simm.s32 @!p2 $0x0  }
0x1d: {  	s5 =	simm.s32 @p1 $0x1;
	p0 =	seq.s32 s7, s2  }
0x1e: {  	s7 =	smul.u32 @!p0 $0xF7A, s2;
	p2 =	seq.s32 @!p0 s5, $0x0  }
0x1f: {  	s9 =	smul.u32 $0xF7A, s1;
	s8 =	simm.s32 @!p0 $0x1BF5;
	p2 =	por !p2, p0  }
0x20: {  	[sflag:s8] =	ssyncset.s32 @!p0 $0xFFFFF086;
	s6 =	sadd.s32 @!p0 s3, s7;
	s7 =	simm.s32 @!p0 $0x108  }
0x21: {  	s3 =	sadd.s32 s3, s9;
	s6 =	sadd.s32 @!p0 $0x88, s6;
	s7 =	simm.s32 @p2 $0x1082  }
0x22: {  	[simem:s7], [sflag:s8] =	dma.local @!p0 [hbm:s6], $0xF7A  }
0x23: {  	s9 =	sor.u32 $0xD0000000, s2;
	s6 =	simm.s32 $0x108;
	_ =	swait.ge @!p0 [sflag:s8], $0x0  }
0x24: {  	s3 =	sadd.s32 $0x88, s3;
	s6 =	simm.s32 @!p1 $0x1082;
	[sflag:s4] =	ssyncset.s32 $0xFFFFF086  }
0x25: {  	[simem:s6], [sflag:s4] =	dma.local [hbm:s3], $0xF7A  }
0x26: {  	[smem:$0x3F91] =	sst s1;
	(tag) =	ssettag s2;
	_ =	strace s9  }
0x27: {  	s1 =	sld [smem:$0x3FA1]  }
0x28: {  	s2 =	sld [smem:$0x3FA2]  }
0x29: {  	s4 =	sld [smem:$0x3FA4]  }
0x2a: {  	p0 =	seq.s32 s5, $0x0;
	s5 =	sld [smem:$0x3FA5]  }
0x2b: {  	s6 =	sld [smem:$0x3FA6]  }
0x2c: {  	s7 =	sld [smem:$0x3FA7]  }
0x2d: {  	s3 =	simm.s32 $0x108;
	s8 =	sld [smem:$0x3FA8]  }
0x2e: {  	s3 =	simm.s32 @!p0 $0x1082;
	s9 =	sld [smem:$0x3FA9]  }
0x2f: {  	lr =	sadd.s32 s0, s3;
	s0 =	sld [smem:$0x3FA0]  }
0x30: {  	s3 =	sld [smem:$0x3FA3]  }
0x31: {  	[smem:$0x3FAC] =	sst s10  }
0x32: {  	s10 =	sld [smem:$0x3FAA];
	_ =	sdelay $0x3  }
0x33: {  	p0 =	seq.s32 s10, $0x1;
	s10 =	sld [smem:$0x3FAC];
	_ =	sdelay $0x3  }
0x34: {  	[smem:$0x3FAC] =	sst s10  }
0x35: {  	s10 =	sld [smem:$0x3FAB];
	_ =	sdelay $0x3  }
0x36: {  	p1 =	seq.s32 s10, $0x1;
	s10 =	sld [smem:$0x3FAC];
	_ =	sdelay $0x3  }
0x37: {  	[smem:$0x3FAC] =	sst s10  }
0x38: {  	s10 =	sld [smem:$0x3FAD]  }
0x39: {  	_ = 	snop;
	(pc) =	sbr.ind lr, $3  }
0x3a: {  	_ = 	snop  }
0x3b: {  	_ = 	snop  }
0x3c: {  	p2 =	seq.s32 s10, $0x1;
	s10 =	sld [smem:$0x3FAC]  }
0x3d: {  	_ =	shalt  }
0x3e: {  	_ =	shalt  }
0x3f: {  	_ =	shalt  }
0x40: {  	_ =	shalt  }
0x41: {  	_ =	shalt  }
0x42: {  	_ =	shalt  }
0x43: {  	_ =	shalt  }
0x44: {  	_ =	shalt  }
0x45: {  	_ =	shalt  }
0x46: {  	_ =	shalt  }
0x47: {  	_ =	shalt  }
0x48: {  	_ =	shalt  }
0x49: {  	_ =	shalt  }
0x4a: {  	_ =	shalt  }
0x4b: {  	_ =	shalt  }
0x4c: {  	_ =	shalt  }
0x4d: {  	_ =	shalt  }
0x4e: {  	_ =	shalt  }
0x4f: {  	_ =	shalt  }
0x50: {  	_ =	shalt  }
0x51: {  	_ =	shalt  }
0x52: {  	_ =	shalt  }
0x53: {  	_ =	shalt  }
0x54: {  	_ =	shalt  }
0x55: {  	_ =	shalt  }
0x56: {  	_ =	shalt  }
0x57: {  	_ =	shalt  }
0x58: {  	_ =	shalt  }
0x59: {  	_ =	shalt  }
0x5a: {  	_ =	shalt  }
0x5b: {  	_ =	shalt  }
0x5c: {  	_ =	shalt  }
0x5d: {  	_ =	shalt  }
0x5e: {  	_ =	shalt  }
0x5f: {  	_ =	shalt  }
0x60: {  	_ =	shalt  }
0x61: {  	_ =	shalt  }
0x62: {  	_ =	shalt  }
0x63: {  	_ =	shalt  }
0x64: {  	_ =	shalt  }
0x65: {  	_ =	shalt  }
0x66: {  	_ =	shalt  }
0x67: {  	_ =	shalt  }
0x68: {  	_ =	shalt  }
0x69: {  	_ =	shalt  }
0x6a: {  	_ =	shalt  }
0x6b: {  	_ =	shalt  }
0x6c: {  	_ =	shalt  }
0x6d: {  	_ =	shalt  }
0x6e: {  	_ =	shalt  }
0x6f: {  	_ =	shalt  }
0x70: {  	_ =	shalt  }
0x71: {  	_ =	shalt  }
0x72: {  	_ =	shalt  }
0x73: {  	_ =	shalt  }
0x74: {  	_ =	shalt  }
0x75: {  	_ =	shalt  }
0x76: {  	_ =	shalt  }
0x77: {  	_ =	shalt  }
0x78: {  	_ =	shalt  }
0x79: {  	_ =	shalt  }
0x7a: {  	_ =	shalt  }
0x7b: {  	_ =	shalt  }
0x7c: {  	_ =	shalt  }
0x7d: {  	_ =	shalt  }
0x7e: {  	_ =	shalt  }
0x7f: {  	_ =	shalt  }
0x80: {  	_ =	shalt  }
0x81: {  	_ =	shalt  }
0x82: {  	_ =	shalt  }
0x83: {  	_ =	shalt  }
0x84: {  	_ =	shalt  }
0x85: {  	_ =	shalt  }
0x86: {  	_ =	shalt  }
0x87: {  	_ =	shalt  }
.Lfunc_end0:
.L_simem_size_0:
called_computation_lowered:
.L_overlay_start_0:
0x88: {  	s2 =	sld [smem:$0x3FD9]  }
0x89: {  	s3 =	sld [smem:$0x3FFE];
	_ =	sdelay $0x1  }
0x8a: {  	s1 =	srdreg.scid  }
0x8b: {  	s0 =	sand.u32 $0x1, s1  }
0x8c: {  	s17 =	sshll.u32 s0, $0xA;
	s2 =	sadd.s32 s3, s2  }
0x8d: {  	s2 =	sadd.s32 s2, s17  }
0x8e: {  	[smem:$0x3FB8] =	sst s2  }
0x8f: {  	_ = 	snop  }
0x90: {  	s2 =	sld [smem:$0x3FD0];
	(tm) =	ssettm $0x1  }
0x91: {  	s18 =	sld [smem:$0x3FFB];
	_ =	sdelay $0x3  }
0x92: {  	_ =	strace s18  }
0x93: {  	s3 =	sld [smem:$0x3FFC];
	_ =	sdelay $0x3  }
0x94: {  	_ =	strace s3  }
0x95: {  	s3 =	sld [smem:$0x3FFD];
	_ =	sdelay $0x3  }
0x96: {  	_ =	strace s3  }
0x97: {  	_ =	strace $0x8FFFFFFF  }
0x98: {  	s19 =	sld [smem:$0x3FDB];
	_ =	sdelay $0x1  }
0x99: {  	s4 =	simm.s32 $_scs_section_size  }
0x9a: {  	s5 =	simm.s32 $_size__tile_overlayer_lowered;
	s6 =	simm.s32 $_tile_overlayer_lowered  }
0x9b: {  	s22 =	simm.s32 $0x1BFF;
	s21 =	sshll.u32 s6, $0x1;
	s3 =	sadd.s32 s4, s19  }
0x9c: {  	s7 =	simm.s32 $0x0;
	s20 =	sshll.u32 s5, $0x1;
	s5 =	sadd.s32 s21, s3  }
0x9d: {  	[timem:s7], [sflag:s22] =	dma.local [hbm:s5], s20  }
0x9e: {  	_ =	swait.ge [sflag:s22], s20  }
0x9f: {  	s4 =	ssub.s32 $0x0, s20;
	[sflag:s22] =	ssyncset.done $0x0  }
0xa0: {  	[sflag:s22] =	ssyncadd.s32 s4;
	_ =	sdelay $0x1  }
0xa1: {  	s23 =	simm.s32 $0x1B8B  }
0xa2: {  	_ =	swait.ge [sflag:s23], $0x1  }
0xa3: {  	[sflag:s23] =	ssyncset.done $0x0  }
0xa4: {  	s25 =	simm.s32 $0x1B8E;
	s24 =	sld [smem:$0x3FFE];
	[sflag:s23] =	ssyncadd.s32 $0xFFFFFFFF  }
0xa5: {  	s26 =	simm.s32 $execute0_lowered;
	[smem:$0x3FD2] =	sst s25  }
0xa6: {  	s5 =	sshll.u32 s26, $0x1;
	_ =	strace $0x80000046;
	[dreg:$0x1] =	wrdreg $0xFFFFFFFF  }
0xa7: {  	s28 =	simm.s32 $_size_execute0_lowered;
	s3 =	sadd.s32 s3, s5;
	[dreg:$0x0] =	wrdreg $0x0  }
0xa8: {  	s5 =	sshll.u32 s28, $0x1;
	[dreg:$0x2] =	wrdreg s3  }
0xa9: {  	[dreg:$0x3] =	wrdreg s5  }
0xaa: {  	[dreg:$0x4] =	wrdreg $0xC0  }
0xab: {  	_ =	task [dreg:s7], $0x5FFFF  }
0xac: {  	[dreg:$0x1] =	wrdreg $0xFFFFFFFF  }
0xad: {  	[dreg:$0x0] =	wrdreg $0x60  }
0xae: {  	[dreg:$0x2] =	wrdreg s2  }
0xaf: {  	[dreg:$0x3] =	wrdreg s24  }
0xb0: {  	[dreg:$0x4] =	wrdreg $0x9  }
0xb1: {  	_ =	task.clear_ibuf [dreg:s7], $0x5FFFF;
	_ =	strace $0x90000046  }
0xb2: {  	s29 =	simm.s32 $0x9;
	_ =	strace $0x80000048  }
0xb3: {  	_ =	swait.ge [sflag:s29], $0x1  }
0xb4: {  	[sflag:s29] =	ssyncadd.s32 $0xFFFFFFFF  }
0xb5: {  	_ =	strace $0x90000048  }
0xb6: {  	_ =	sfence  }
0xb7: {  	s30 =	sld [smem:$0x0];
	_ =	sdelay $0x2  }
0xb8: {  	s31 =	sshll.u32 s1, $0xD;
	s1 =	sshrl.u32 s1, $0x2  }
0xb9: {  	s3 =	sand.u32 $0x4000, s31;
	s1 =	sadd.s32 s1, s30  }
0xba: {  	s0 =	sor.u32 s3, s0;
	s1 =	sshll.u32 s1, $0x11  }
0xbb: {  	s0 =	sor.u32 s1, s0  }
0xbc: {  	s0 =	sadd.s32 $0x8F2B, s0  }
0xbd: {  	[sflag:s0] =	ssyncadd.remote.s32 $0x1  }
0xbe: {  	_ =	sfence.sel $0xFFFF  }
0xbf: {  	[dreg:$0x0] =	wrdreg $0xFFFFFFFF;
	(pc) =	sbr.abs _section_cstart, $3  }
0xc0: {  	[dreg:$0x1] =	wrdreg $0xFFFFFFFF  }
0xc1: {  	_ =	task.clear_ibuf [dreg:s7], $0x2FFFF;
	_ =	strace $0x9FFFFFFF  }
0xc2: {  	(tm) =	ssettm $0x7FFFFFFF  }
0xc3: {  	_ =	shalt  }
tec
execute0_lowered:
.L_overlay_start_1:
0x0: {  	(tag) =	ssettag $0x1  }
0x1: {  	v0 =	vimm.s32 $0xEFCDAB89  }
0x2: {  	v1 =	vimm.s32 $0x67452301;
	v2 =	vimm.s32 $0xDCFE98BA;
	v3 =	vimm.s32 $0x54761032  }
0x3: {  	v4 =	vimm.s32 $0xBA98FEDC;
	v5 =	vimm.s32 $0x32107654;
	v6 =	vimm.s32 $0xFEDCBA98  }
0x4: {  	v7 =	vimm.s32 $0x76543210;
	vm0 =	vmmov $0x3ff;
	v8 =	vimm.s32 $0x0  }
0x5: {  	vm15 =	vmmov $0x1;
	vm4 =	vmmov $0x3;
	v9 =	vimm.s32 $0x0  }
0x6: {  	vm5 =	vmmov $0x7;
	v10 =	vimm.s32 $0x0;
	vm6 =	vmmov $0xf  }
0x7: {  	v11 =	vimm.s32 $0x0;
	vm7 =	vmmov $0x1f;
	v12 =	vimm.s32 $0x0  }
0x8: {  	vm8 =	vmmov $0x3f;
	v13 =	vimm.s32 $0x0;
	vm9 =	vmmov $0x7f  }
0x9: {  	v14 =	vimm.s32 $0x0;
	vm10 =	vmmov $0xff;
	vm11 =	vmmov $0x1ff  }
0xa: {  	v15 =	vimm.s32 $0x0;
	v16 =	vimm.s32 $0xB;
	v17 =	vimm.s32 $0x0  }
0xb: {  	vm12 =	vmmov $0xfff;
	v18 =	vimm.s32 $0x0;
	vm13 =	vmmov $0x1fff  }
0xc: {  	v19 =	vimm.s32 $0x0;
	vm14 =	vmmov $0x3fff;
	v8 =	vsel vm0, $0xFFFFFFFF, v8  }
0xd: {  	v20 =	vimm.s32 $0x0;
	v21 =	vimm.s32 $0x0;
	v9 =	vsel vm4, $0xFFFFFFFF, v9;
	[tilespmem:$0x1FF10] =	vst v8  }
0xe: {  	v0 =	vunpack.c.l.s4.s8 v0;
	v1 =	vunpack.c.l.s4.s8 v1;
	v10 =	vsel vm5, $0xFFFFFFFF, v10;
	[tilespmem:$0x1FF30] =	vst v9  }
0xf: {  	v2 =	vunpack.c.l.s4.s8 v2;
	v3 =	vunpack.c.l.s4.s8 v3;
	v11 =	vsel vm6, $0xFFFFFFFF, v11;
	[tilespmem:$0x1FF40] =	vst v10  }
0x10: {  	v4 =	vunpack.c.l.s4.s8 v4;
	v5 =	vunpack.c.l.s4.s8 v5;
	v12 =	vsel vm7, $0xFFFFFFFF, v12;
	[tilespmem:$0x1FF50] =	vst v11  }
0x11: {  	v6 =	vunpack.c.l.s4.s8 v6;
	v7 =	vunpack.c.l.s4.s8 v7;
	v13 =	vsel vm8, $0xFFFFFFFF, v13;
	[tilespmem:$0x1FF60] =	vst v12  }
0x12: {  	v14 =	vsel vm9, $0xFFFFFFFF, v14;
	v15 =	vsel vm11, $0xFFFFFFFF, v15;
	v18 =	vsel vm12, $0xFFFFFFFF, v18;
	[tilespmem:$0x1FF70] =	vst v13  }
0x13: {  	v19 =	vsel vm13, $0xFFFFFFFF, v19;
	v20 =	vsel vm14, $0xFFFFFFFF, v20;
	v8 =	vimm.s32 $0x0;
	[tilespmem:$0x1FF80] =	vst v14  }
0x14: {  	v9 =	vimm.s32 $0x3;
	v10 =	vimm.s32 $0x4;
	v11 =	vimm.s32 $0x5;
	[tilespmem:$0x1FFA0] =	vst v15  }
0x15: {  	v12 =	vimm.s32 $0x6;
	v13 =	vimm.s32 $0x7;
	v14 =	vimm.s32 $0x0;
	[tilespmem:$0x1FFC0] =	vst v18  }
0x16: {  	v15 =	vimm.s32 $0xA;
	v18 =	vimm.s32 $0xD;
	[tilespmem:$0x1FFD0] =	vst v19;
	v19 =	vimm.s32 $0xE  }
0x17: {  	[tilespmem:$0x1FFE0] =	vst v20;
	v20 =	vimm.s32 $0xF;
	v0 =	vunpack.c.0.s8.s32 v0;
	v1 =	vunpack.c.0.s8.s32 v1  }
0x18: {  	v2 =	vunpack.c.0.s8.s32 v2;
	v3 =	vunpack.c.0.s8.s32 v3;
	v4 =	vunpack.c.0.s8.s32 v4  }
0x19: {  	s3 =	rddreg [dreg:$0x0];
	v5 =	vunpack.c.0.s8.s32 v5;
	v6 =	vunpack.c.0.s8.s32 v6;
	v8 =	vsel vm15, $0xFFFFFFFF, v8  }
0x1a: {  	s4 =	rddreg [dreg:$0x1];
	s2 =	srdreg.scid;
	v14 =	vsel vm10, $0xFFFFFFFF, v14;
	vm10 =	vmmov $0x7ff;
	vm15 =	vmmov $0x7fff;
	[tilespmem:$0x1FF20] =	vst v8  }
0x1b: {  	s0 =	rddreg [dreg:$0x2];
	s1 =	stileid.u32;
	s5 =	sand.u32 $0x1, s2;
	v8 =	vimm.s32 $0x2;
	[tilespmem:$0x1FF90] =	vst v14;
	v14 =	vimm.s32 $0x9;
	v17 =	vsel vm10, $0xFFFFFFFF, v17  }
0x1c: {  	s2 =	simm.s32 $0x0;
	s6 =	sshll.u32 s1, $0x5;
	s7 =	sshll.u32 s5, $0x4;
	v21 =	vsel vm15, $0xFFFFFFFF, v21;
	v1 =	vcombine.low v1, v0;
	v2 =	vcombine.low v3, v2  }
0x1d: {  	[smem:$0x7FF] =	sst s2;
	s5 =	ssub.s32 $0x2, s5;
	s6 =	sor.u32 s7, s6;
	v3 =	vcombine.low v5, v4;
	v4 =	vunpack.c.0.s8.s32 v7;
	v0 =	vimm.s32 $0x0  }
0x1e: {  	s31 =	sshrl.u32 s5, $0x1;
	s7 =	simm.s32 $0x80;
	s4 =	sadd.s32 s6, s4;
	v5 =	vand.u32 $0xF, v6;
	v6 =	vimm.f32 $0.0e+00;
	v7 =	vimm.s32 $0x1;
	[tilespmem:$0x1FFB0] =	vst v17  }
0x1f: {  	s5 =	ssub.s32 s5, s31;
	s3 =	sadd.s32 s3, s6;
	s6 =	simm.s32 $0x1;
	v17 =	vimm.s32 $0xC;
	[tilespmem:$0x1FFF0] =	vst v21;
	v1 =	vand.u32 $0xF, v1;
	v2 =	vand.u32 $0xF, v2  }
0x20: {  	s4 =	sadd.s32 $0x2400, s4;
	s5 =	smax.u32 s5, $0x1;
	_ =	strace $0x80000047;
	v3 =	vand.u32 $0xF, v3;
	v4 =	vcombine.low v5, v4;
	v5 =	vimm.s32 $0x8  }
.LBB2_1:
0x21: {  	[tilespmem:s2], [sflag:$0x1] =	stream.linear.gather [hbm4b:s3+s2], $0x80, $0x38;
	[tilespmem:$0x100] =	vst v63  }
0x22: {  	_ =	swait.ge [sflag:s6], $0x80  }
0x23: {  	v24 =	vld [tilespmem:$0x1FF10]  }
0x24: {  	[sflag:s6] =	ssyncset.done $0x0;
	v26 =	vld [tilespmem:$0x1FF20]  }
0x25: {  	v28 =	vld [tilespmem:$0x1FF30];
	[sflag:s6] =	ssyncadd.s32 $0xFFFFFF80  }
0x26: {  	v21 =	vld [tilespmem:$0x0]  }
0x27: {  	v51 =	vld [tilespmem:$0x1FF60]  }
0x28: {  	v22 =	vld [tilespmem:$0x10];
	_ =	sdelay $0x1  }
0x29: {  	vm2 =	vnez.u8 v24;
	vm0 =	vnez.u8 v26  }
0x2a: {  	vm12 =	vnez.u8 v28;
	v23 =	vperm.xlane v21, v0;
	v27 =	vperm.xlane v21, v8  }
0x2b: {  	vm13 =	vnez.u8 v51;
	v29 =	vperm.xlane v21, v9;
	v39 =	vperm.xlane v21, v10  }
0x2c: {  	v22 =	vnsel vm2, $0xFF61B1E6, v22;
	v49 =	vperm.xlane v21, v11;
	v57 =	vperm.xlane v21, v12  }
0x2d: {  	v31 =	vperm.xlane v21, v18;
	vm15 =	vgt.f32 v21, v23;
	vm10 =	vgt.f32 v22, v23  }
0x2e: {  	v23 =	vperm.xlane v21, v7;
	vm6 =	veq.f32 v21, v27;
	vm11 =	vgt.f32 v22, v27  }
0x2f: {  	vm1 =	veq.f32 v21, v29;
	vm3 =	vgt.f32 v21, v29;
	v58 =	vsel vm15, $0x1, v0  }
0x30: {  	v25 =	vsel vm10, $0x1, v0;
	v63 =	vsel vm11, $0x1, v0;
	vm11 =	vgt.f32 v22, v29  }
0x31: {  	v43 =	vld [tilespmem:$0x1FF50];
	v24 =	vadd.s32 v25, v58;
	vm7 =	veq.f32 v21, v23;
	vm4 =	vgt.f32 v21, v23  }
0x32: {  	v34 =	vld [tilespmem:$0x1FF40];
	vm5 =	vgt.f32 v22, v23;
	v25 =	vperm.xlane v24, v1;
	vm10 =	vmand vm7, vm0  }
0x33: {  	v37 =	vsel vm11, $0x1, v0;
	vm11 =	vgt.f32 v21, v39;
	vm10 =	vmor vm4, vm10  }
0x34: {  	v60 =	vsel vm5, $0x1, v0;
	v23 =	vadd.s32 v25, v24;
	v59 =	vsel vm10, $0x1, v0  }
0x35: {  	vm7 =	vgt.f32 v21, v27;
	v61 =	vperm.xlane v23, v2;
	v24 =	vadd.s32 v60, v59  }
0x36: {  	vm5 =	vnez.u8 v43;
	vm4 =	veq.f32 v21, v49;
	v25 =	vperm.xlane v24, v1  }
0x37: {  	vm10 =	vmand vm6, vm12;
	vm6 =	vnez.u8 v34;
	v23 =	vadd.s32 v61, v23  }
0x38: {  	v34 =	vperm.xlane v21, v13;
	v26 =	vperm.xlane v23, v3;
	v24 =	vadd.s32 v25, v24  }
0x39: {  	vm10 =	vmor vm7, vm10;
	vm7 =	vgt.f32 v21, v49;
	v25 =	vperm.xlane v24, v2  }
0x3a: {  	v62 =	vsel vm10, $0x1, v0;
	vm10 =	vmand vm1, vm6;
	v23 =	vadd.s32 v26, v23  }
0x3b: {  	v24 =	vadd.s32 v25, v24;
	v32 =	vperm.xlane v23, v4;
	v25 =	vadd.s32 v63, v62  }
0x3c: {  	vm10 =	vmor vm3, vm10;
	v33 =	vperm.xlane v24, v3;
	v26 =	vperm.xlane v25, v1  }
0x3d: {  	vm1 =	veq.f32 v21, v39;
	v36 =	vsel vm10, $0x1, v0;
	v23 =	vadd.s32 v32, v23  }
0x3e: {  	v24 =	vadd.s32 v33, v24;
	v25 =	vadd.s32 v26, v25;
	vm15 =	vlt.s32 v23, $0x8  }
0x3f: {  	v26 =	vperm.xlane v25, v2;
	v40 =	vsel vm15, $0x3F800000, v6;
	vm15 =	vmand vm1, vm5  }
0x40: {  	v35 =	vperm.xlane v24, v4;
	vm1 =	vgt.f32 v22, v39;
	vm11 =	vmor vm11, vm15  }
0x41: {  	v46 =	vsel vm1, $0x1, v0;
	vm1 =	vgt.f32 v22, v49;
	v25 =	vadd.s32 v26, v25  }
0x42: {  	v26 =	vadd.s32 v37, v36;
	v24 =	vadd.s32 v35, v24;
	v45 =	vsel vm11, $0x1, v0  }
0x43: {  	v59 =	vld [tilespmem:$0x1FF70];
	vm11 =	vmand vm4, vm13;
	v27 =	vsel vm1, $0x1, v0;
	v38 =	vperm.xlane v26, v1  }
0x44: {  	vm1 =	vgt.f32 v21, v57;
	vm4 =	veq.f32 v21, v34;
	v23 =	vperm.xlane v25, v3  }
0x45: {  	vm10 =	vlt.s32 v24, $0x8;
	vm11 =	vmor vm7, vm11;
	v41 =	vadd.s32 v38, v26  }
0x46: {  	v36 =	vld [tilespmem:$0x1FF80];
	v23 =	vadd.s32 v23, v25;
	v25 =	vadd.s32 v46, v45;
	v42 =	vperm.xlane v41, v2  }
0x47: {  	v47 =	vsel vm10, $0x3F800000, v6;
	v44 =	vperm.xlane v23, v4;
	v48 =	vperm.xlane v25, v1  }
0x48: {  	vm7 =	vnez.u8 v59;
	v53 =	vsel vm11, $0x1, v0;
	v28 =	vsel vm0, v40, v47  }
0x49: {  	v24 =	vadd.s32 v42, v41;
	v23 =	vadd.s32 v44, v23;
	v50 =	vadd.s32 v48, v25  }
0x4a: {  	v30 =	vperm.xlane v24, v3;
	vm3 =	vlt.s32 v23, $0x8;
	v25 =	vperm.xlane v50, v2  }
0x4b: {  	vm8 =	vnez.u8 v36;
	v42 =	vperm.xlane v21, v5;
	v54 =	vsel vm3, $0x3F800000, v6  }
0x4c: {  	vm3 =	veq.f32 v21, v57;
	v23 =	vadd.s32 v30, v24;
	v24 =	vadd.s32 v25, v50  }
0x4d: {  	v44 =	vld [tilespmem:$0x1FF90];
	v25 =	vadd.s32 v27, v53;
	v28 =	vsel vm12, v28, v54;
	vm11 =	vmand vm3, vm7  }
0x4e: {  	vm3 =	vgt.f32 v22, v57;
	v50 =	vperm.xlane v21, v14;
	v52 =	vperm.xlane v23, v4  }
0x4f: {  	v55 =	vperm.xlane v24, v3;
	v56 =	vperm.xlane v25, v1;
	vm11 =	vmor vm1, vm11  }
0x50: {  	v27 =	vsel vm3, $0x1, v0;
	vm1 =	vgt.f32 v21, v34;
	vm3 =	vgt.f32 v22, v34  }
0x51: {  	v61 =	vsel vm11, $0x1, v0;
	vm11 =	vmand vm4, vm8;
	vm4 =	veq.f32 v21, v42  }
0x52: {  	vm9 =	vnez.u8 v44;
	v23 =	vadd.s32 v52, v23;
	v58 =	vadd.s32 v56, v25  }
0x53: {  	vm11 =	vmor vm1, vm11;
	vm1 =	vgt.f32 v21, v42;
	vm10 =	vlt.s32 v23, $0x8  }
0x54: {  	v23 =	vadd.s32 v55, v24;
	v25 =	vperm.xlane v58, v2;
	v38 =	vsel vm11, $0x1, v0  }
0x55: {  	vm11 =	vmand vm4, vm9;
	vm4 =	vgt.f32 v21, v50;
	v60 =	vperm.xlane v23, v4  }
0x56: {  	v52 =	vld [tilespmem:$0x1FFA0];
	v62 =	vsel vm10, $0x3F800000, v6;
	v24 =	vadd.s32 v25, v58;
	v25 =	vadd.s32 v27, v61  }
0x57: {  	vm11 =	vmor vm1, vm11;
	v28 =	vsel vm6, v28, v62;
	v33 =	vperm.xlane v25, v1  }
0x58: {  	v27 =	vsel vm3, $0x1, v0;
	vm3 =	vgt.f32 v22, v42;
	v46 =	vsel vm11, $0x1, v0  }
0x59: {  	vm11 =	veq.f32 v21, v50;
	v63 =	vperm.xlane v24, v3;
	v35 =	vadd.s32 v33, v25  }
0x5a: {  	v58 =	vperm.xlane v21, v15;
	v23 =	vadd.s32 v60, v23;
	v25 =	vperm.xlane v35, v2  }
0x5b: {  	vm10 =	vlt.s32 v23, $0x8;
	vm1 =	vnez.u8 v52;
	v23 =	vadd.s32 v63, v24  }
0x5c: {  	v39 =	vsel vm10, $0x3F800000, v6;
	v24 =	vadd.s32 v25, v35;
	v25 =	vadd.s32 v27, v38  }
0x5d: {  	vm11 =	vmand vm11, vm1;
	v37 =	vperm.xlane v23, v4;
	v41 =	vperm.xlane v25, v1  }
0x5e: {  	v28 =	vsel vm5, v28, v39;
	vm11 =	vmor vm4, vm11;
	vm4 =	vgt.f32 v22, v50  }
0x5f: {  	v54 =	vsel vm11, $0x1, v0;
	v23 =	vadd.s32 v37, v23;
	v43 =	vadd.s32 v41, v25  }
0x60: {  	v27 =	vsel vm3, $0x1, v0;
	v40 =	vperm.xlane v24, v3;
	v25 =	vperm.xlane v43, v2  }
0x61: {  	vm3 =	veq.f32 v21, v58;
	v35 =	vperm.xlane v21, v16;
	vm10 =	vlt.s32 v23, $0x8  }
0x62: {  	v23 =	vadd.s32 v40, v24;
	v24 =	vadd.s32 v25, v43;
	v25 =	vadd.s32 v27, v46  }
0x63: {  	vm11 =	vmand vm3, vm2;
	vm3 =	vgt.f32 v22, v58;
	v49 =	vperm.xlane v25, v1  }
0x64: {  	v47 =	vsel vm10, $0x3F800000, v6;
	vm14 =	veq.f32 v21, v35;
	v45 =	vperm.xlane v23, v4  }
0x65: {  	vm15 =	vgt.f32 v21, v35;
	v48 =	vperm.xlane v24, v3;
	v51 =	vadd.s32 v49, v25  }
0x66: {  	v28 =	vsel vm13, v28, v47;
	v23 =	vadd.s32 v45, v23;
	v25 =	vperm.xlane v51, v2  }
0x67: {  	v27 =	vsel vm4, $0x1, v0;
	vm10 =	vlt.s32 v23, $0x8;
	v23 =	vadd.s32 v48, v24  }
0x68: {  	v53 =	vperm.xlane v23, v4;
	v24 =	vadd.s32 v25, v51;
	v25 =	vadd.s32 v27, v54  }
0x69: {  	vm4 =	vgt.f32 v21, v58;
	v56 =	vperm.xlane v24, v3;
	v57 =	vperm.xlane v25, v1  }
0x6a: {  	v43 =	vperm.xlane v21, v17;
	v55 =	vsel vm10, $0x3F800000, v6;
	v23 =	vadd.s32 v53, v23  }
0x6b: {  	v40 =	vld [tilespmem:$0x1FFB0];
	vm10 =	vlt.s32 v23, $0x8;
	v23 =	vadd.s32 v56, v24;
	v59 =	vadd.s32 v57, v25  }
0x6c: {  	vm11 =	vmor vm4, vm11;
	v25 =	vperm.xlane v59, v2;
	v60 =	vperm.xlane v23, v4  }
0x6d: {  	v61 =	vsel vm11, $0x1, v0;
	v28 =	vsel vm7, v28, v55;
	v27 =	vsel vm3, $0x1, v0  }
0x6e: {  	v24 =	vadd.s32 v25, v59;
	v25 =	vadd.s32 v27, v61;
	v23 =	vadd.s32 v60, v23  }
0x6f: {  	v63 =	vperm.xlane v24, v3;
	v34 =	vperm.xlane v25, v1;
	vm4 =	vlt.s32 v23, $0x8  }
0x70: {  	v62 =	vsel vm10, $0x3F800000, v6;
	v36 =	vsel vm4, $0x3F800000, v6;
	vm4 =	vnez.u8 v40  }
0x71: {  	v23 =	vadd.s32 v63, v24;
	v25 =	vadd.s32 v34, v25;
	vm10 =	vmand vm14, vm4  }
0x72: {  	vm14 =	vgt.f32 v22, v35;
	v37 =	vperm.xlane v23, v4;
	v39 =	vperm.xlane v25, v2  }
0x73: {  	v55 =	vperm.xlane v21, v19;
	vm10 =	vmor vm15, vm10;
	v42 =	vsel vm14, $0x1, v0  }
0x74: {  	v41 =	vsel vm10, $0x1, v0;
	v23 =	vadd.s32 v37, v23;
	v25 =	vadd.s32 v39, v25  }
0x75: {  	v51 =	vld [tilespmem:$0x1FFD0];
	v24 =	vadd.s32 v42, v41;
	vm15 =	vlt.s32 v23, $0x8;
	v23 =	vperm.xlane v25, v3  }
0x76: {  	vm2 =	veq.f32 v21, v43;
	vm11 =	veq.f32 v21, v55;
	v45 =	vperm.xlane v24, v1  }
0x77: {  	vm3 =	vgt.f32 v21, v43;
	v33 =	vsel vm8, v28, v62;
	v25 =	vadd.s32 v23, v25;
	v23 =	vld [tilespmem:$0x1FFC0]  }
0x78: {  	v38 =	vsel vm9, v33, v36;
	vm4 =	vgt.f32 v22, v43;
	v24 =	vadd.s32 v45, v24  }
0x79: {  	v59 =	vld [tilespmem:$0x1FFE0];
	v35 =	vperm.xlane v22, v0;
	v47 =	vsel vm4, $0x1, v0;
	v46 =	vperm.xlane v24, v2  }
0x7a: {  	vm4 =	vnez.u8 v51;
	v51 =	vperm.xlane v22, v8;
	v42 =	vperm.xlane v21, v20  }
0x7b: {  	v44 =	vsel vm15, $0x3F800000, v6;
	v48 =	vperm.xlane v25, v4;
	v24 =	vadd.s32 v46, v24  }
0x7c: {  	vm15 =	veq.f32 v21, v31;
	v50 =	vperm.xlane v24, v3;
	vm14 =	vnez.u8 v23  }
0x7d: {  	v25 =	vadd.s32 v48, v25;
	vm10 =	vmand vm2, vm14;
	vm2 =	vgt.f32 v21, v31  }
0x7e: {  	v56 =	vadd.s32 v50, v24;
	vm10 =	vmor vm3, vm10;
	vm3 =	vnez.u8 v59  }
0x7f: {  	v32 =	vperm.xlane v56, v4;
	v23 =	vsel vm10, $0x1, v0;
	vm10 =	vmand vm15, vm4  }
0x80: {  	vm15 =	vgt.f32 v22, v31;
	vm11 =	vmand vm11, vm3;
	v29 =	vadd.s32 v47, v23  }
0x81: {  	v23 =	vsel vm1, v38, v44;
	vm10 =	vmor vm2, vm10;
	v54 =	vsel vm15, $0x1, v0  }
0x82: {  	vm15 =	vgt.f32 v21, v55;
	vm2 =	vgt.f32 v22, v55;
	v49 =	vperm.xlane v29, v1  }
0x83: {  	v53 =	vsel vm10, $0x1, v0;
	vm10 =	vlt.s32 v25, $0x8;
	vm11 =	vmor vm15, vm11  }
0x84: {  	v31 =	vsel vm2, $0x1, v0;
	v25 =	vadd.s32 v32, v56;
	vm2 =	vgt.f32 v22, v35  }
0x85: {  	vm15 =	vgt.f32 v21, v42;
	v57 =	vadd.s32 v54, v53;
	v61 =	vsel vm11, $0x1, v0  }
0x86: {  	v24 =	vsel vm10, $0x3F800000, v6;
	vm10 =	vlt.s32 v25, $0x8;
	vm11 =	vge.f32 v21, v35  }
0x87: {  	v40 =	vsel vm2, $0x1, v0;
	v35 =	vperm.xlane v22, v9;
	v26 =	vadd.s32 v49, v29  }
0x88: {  	v58 =	vperm.xlane v57, v1;
	v30 =	vadd.s32 v31, v61;
	v39 =	vsel vm11, $0x1, v0  }
0x89: {  	v52 =	vperm.xlane v26, v2;
	v62 =	vperm.xlane v30, v1;
	v29 =	vadd.s32 v40, v39  }
0x8a: {  	vm11 =	veq.f32 v21, v42;
	v27 =	vadd.s32 v58, v57;
	v43 =	vperm.xlane v29, v1  }
0x8b: {  	v26 =	vadd.s32 v52, v26;
	v60 =	vperm.xlane v27, v2;
	v34 =	vadd.s32 v62, v30  }
0x8c: {  	v28 =	vperm.xlane v26, v3;
	v36 =	vperm.xlane v34, v2;
	v45 =	vadd.s32 v43, v29  }
0x8d: {  	v57 =	vperm.xlane v22, v10;
	v27 =	vadd.s32 v60, v27;
	v47 =	vperm.xlane v45, v2  }
0x8e: {  	v26 =	vadd.s32 v28, v26;
	v33 =	vperm.xlane v27, v3;
	v38 =	vadd.s32 v36, v34  }
0x8f: {  	v46 =	vld [tilespmem:$0x1FFF0];
	v63 =	vperm.xlane v26, v4;
	v41 =	vperm.xlane v38, v3;
	v29 =	vadd.s32 v47, v45  }
0x90: {  	v47 =	vperm.xlane v22, v11;
	v27 =	vadd.s32 v33, v27;
	v50 =	vperm.xlane v29, v3  }
0x91: {  	v33 =	vperm.xlane v22, v7;
	v26 =	vadd.s32 v63, v26;
	v37 =	vperm.xlane v27, v4  }
0x92: {  	v44 =	vadd.s32 v41, v38;
	vm2 =	vlt.s32 v26, $0x8;
	v26 =	vsel vm10, $0x3F800000, v6  }
0x93: {  	v31 =	vperm.xlane v44, v4;
	v29 =	vadd.s32 v50, v29;
	v27 =	vadd.s32 v37, v27  }
0x94: {  	v25 =	vsel vm2, $0x3F800000, v6;
	vm2 =	vnez.u8 v46;
	vm10 =	vlt.s32 v27, $0x8  }
0x95: {  	vm11 =	vmand vm11, vm2;
	v27 =	vadd.s32 v31, v44;
	v31 =	vperm.xlane v29, v4  }
0x96: {  	vm11 =	vmor vm15, vm11;
	vm15 =	vgt.f32 v22, v42;
	v28 =	vsel vm10, $0x3F800000, v6  }
0x97: {  	v48 =	vsel vm11, $0x1, v0;
	v49 =	vsel vm15, $0x1, v0;
	vm15 =	vlt.s32 v27, $0x8  }
0x98: {  	vm11 =	vgt.f32 v22, v33;
	v29 =	vadd.s32 v31, v29;
	v30 =	vadd.s32 v49, v48  }
0x99: {  	v27 =	vsel vm15, $0x3F800000, v6;
	vm15 =	veq.f32 v22, v33;
	v49 =	vperm.xlane v22, v12  }
0x9a: {  	v32 =	vperm.xlane v30, v1;
	vm10 =	vmand vm15, vm0;
	vm15 =	vge.f32 v21, v33  }
0x9b: {  	vm10 =	vmor vm11, vm10;
	v52 =	vsel vm15, $0x1, v0;
	vm15 =	veq.f32 v22, v51  }
0x9c: {  	vm11 =	vgt.f32 v22, v51;
	v30 =	vadd.s32 v32, v30;
	v53 =	vsel vm10, $0x1, v0  }
0x9d: {  	vm10 =	vmand vm15, vm12;
	vm15 =	vge.f32 v21, v51;
	vm12 =	veq.f32 v22, v35  }
0x9e: {  	v31 =	vadd.s32 v52, v53;
	vm10 =	vmor vm11, vm10;
	v32 =	vsel vm15, $0x1, v0  }
0x9f: {  	v36 =	vperm.xlane v30, v2;
	vm15 =	vlt.s32 v29, $0x8;
	vm11 =	vgt.f32 v22, v35  }
0xa0: {  	v33 =	vperm.xlane v31, v1;
	v34 =	vsel vm10, $0x1, v0;
	vm10 =	vmand vm12, vm6  }
0xa1: {  	vm6 =	vge.f32 v21, v35;
	vm12 =	veq.f32 v22, v57;
	v38 =	vsel vm15, $0x3F800000, v6  }
0xa2: {  	v54 =	vadd.s32 v32, v34;
	vm10 =	vmor vm11, vm10;
	v55 =	vsel vm6, $0x1, v0  }
0xa3: {  	vm11 =	vgt.f32 v22, v57;
	vm6 =	vge.f32 v21, v57;
	v57 =	vperm.xlane v22, v14  }
0xa4: {  	v31 =	vadd.s32 v33, v31;
	v32 =	vperm.xlane v54, v1;
	v56 =	vsel vm10, $0x1, v0  }
0xa5: {  	vm10 =	vmand vm12, vm5;
	v35 =	vsel vm6, $0x1, v0;
	vm6 =	veq.f32 v22, v47  }
0xa6: {  	v33 =	vperm.xlane v31, v2;
	vm10 =	vmor vm11, vm10;
	vm11 =	vmand vm6, vm13  }
0xa7: {  	vm6 =	vge.f32 v21, v47;
	v29 =	vadd.s32 v32, v54;
	v32 =	vadd.s32 v55, v56  }
0xa8: {  	v61 =	vsel vm10, $0x1, v0;
	v56 =	vperm.xlane v22, v5;
	v37 =	vperm.xlane v32, v1  }
0xa9: {  	v31 =	vadd.s32 v33, v31;
	v58 =	vperm.xlane v29, v2;
	v35 =	vadd.s32 v35, v61  }
0xaa: {  	v59 =	vperm.xlane v31, v3;
	v40 =	vperm.xlane v35, v1;
	v32 =	vadd.s32 v37, v32  }
0xab: {  	v61 =	vadd.s32 v36, v30;
	v29 =	vadd.s32 v58, v29;
	v60 =	vperm.xlane v32, v2  }
0xac: {  	v31 =	vadd.s32 v59, v31;
	v62 =	vperm.xlane v29, v3;
	v33 =	vadd.s32 v40, v35  }
0xad: {  	v63 =	vperm.xlane v31, v4;
	v44 =	vperm.xlane v33, v2;
	v32 =	vadd.s32 v60, v32  }
0xae: {  	v40 =	vperm.xlane v22, v13;
	v29 =	vadd.s32 v62, v29;
	v41 =	vperm.xlane v32, v3  }
0xaf: {  	v31 =	vadd.s32 v63, v31;
	v42 =	vperm.xlane v29, v4;
	v46 =	vadd.s32 v44, v33  }
0xb0: {  	v62 =	vperm.xlane v61, v3;
	vm15 =	vlt.s32 v31, $0x8;
	v48 =	vperm.xlane v46, v3  }
0xb1: {  	v60 =	vld [tilespmem:$0x1FFB0];
	v43 =	vadd.s32 v41, v32;
	v34 =	vsel vm15, $0x3F800000, v6;
	v29 =	vadd.s32 v42, v29  }
0xb2: {  	v32 =	vsel vm6, $0x1, v0;
	vm6 =	vgt.f32 v22, v49;
	v42 =	vadd.s32 v62, v61  }
0xb3: {  	v45 =	vperm.xlane v43, v4;
	vm5 =	vlt.s32 v29, $0x8;
	v29 =	vadd.s32 v48, v46  }
0xb4: {  	v33 =	vsel vm5, $0x3F800000, v6;
	vm5 =	vgt.f32 v22, v47;
	v35 =	vperm.xlane v29, v4  }
0xb5: {  	v31 =	vadd.s32 v45, v43;
	vm11 =	vmor vm5, vm11;
	vm5 =	veq.f32 v22, v49  }
0xb6: {  	vm13 =	vnez.u8 v60;
	vm10 =	vlt.s32 v31, $0x8;
	vm12 =	vmand vm5, vm7  }
0xb7: {  	vm7 =	vge.f32 v21, v49;
	v50 =	vsel vm11, $0x1, v0;
	v29 =	vadd.s32 v35, v29  }
0xb8: {  	vm5 =	vgt.f32 v22, v40;
	vm12 =	vmor vm6, vm12;
	v51 =	vsel vm7, $0x1, v0  }
0xb9: {  	v41 =	vld [tilespmem:$0x1FF10];
	v31 =	vadd.s32 v32, v50;
	vm15 =	vlt.s32 v29, $0x8;
	v37 =	vsel vm10, $0x3F800000, v6  }
0xba: {  	vm10 =	vge.f32 v21, v40;
	vm6 =	veq.f32 v22, v40;
	vm7 =	veq.f32 v22, v56  }
0xbb: {  	v39 =	vsel vm12, $0x1, v0;
	v53 =	vperm.xlane v31, v1;
	vm12 =	vmand vm6, vm8  }
0xbc: {  	v58 =	vsel vm10, $0x1, v0;
	vm8 =	vgt.f32 v22, v57;
	v52 =	vadd.s32 v51, v39  }
0xbd: {  	v39 =	vsel vm15, $0x3F800000, v6;
	vm11 =	vmor vm5, vm12;
	vm5 =	vgt.f32 v22, v56  }
0xbe: {  	vm15 =	vmand vm7, vm9;
	vm7 =	veq.f32 v22, v57;
	vm9 =	vnez.u8 v41  }
0xbf: {  	v54 =	vperm.xlane v52, v1;
	v29 =	vadd.s32 v53, v31;
	vm6 =	vmor vm5, vm15  }
0xc0: {  	vm12 =	vmand vm7, vm1;
	v23 =	vsel vm9, v23, v24;
	v41 =	vsel vm11, $0x1, v0  }
0xc1: {  	vm15 =	vge.f32 v21, v56;
	vm1 =	vge.f32 v21, v57;
	v22 =	vperm.xlane v29, v2  }
0xc2: {  	vm12 =	vmor vm8, vm12;
	v23 =	vsel vm13, v23, v26;
	v32 =	vsel vm15, $0x1, v0  }
0xc3: {  	v26 =	vperm.xlane v42, v4;
	v43 =	vsel vm6, $0x1, v0;
	v44 =	vsel vm1, $0x1, v0  }
0xc4: {  	v46 =	vadd.s32 v58, v41;
	vm13 =	vcmask $0x728;
	vm15 =	vcmask $0xF28  }
0xc5: {  	v55 =	vadd.s32 v54, v52;
	v23 =	vsel vm14, v23, v25;
	v47 =	vsel vm12, $0x1, v0  }
0xc6: {  	v48 =	vperm.xlane v46, v1;
	v59 =	vperm.xlane v55, v2;
	v22 =	vadd.s32 v22, v29  }
0xc7: {  	v54 =	vnsel vm0, $0x0, v38;
	vm12 =	vcmask $0x328;
	v63 =	vperm.xlane v22, v3  }
0xc8: {  	vm14 =	vcmask $0xB28;
	v23 =	vsel vm4, v23, v28;
	v24 =	vadd.s32 v59, v55  }
0xc9: {  	v25 =	vadd.s32 v26, v42;
	v31 =	vperm.xlane v24, v3;
	v22 =	vadd.s32 v63, v22  }
0xca: {  	v26 =	vadd.s32 v44, v47;
	vm4 =	vcmask $0x1328;
	v21 =	vperm.xlane v22, v4  }
0xcb: {  	v23 =	vsel vm3, v23, v27;
	v50 =	vperm.xlane v26, v1;
	v24 =	vadd.s32 v31, v24  }
0xcc: {  	vm7 =	vlt.s32 v25, $0x8;
	v45 =	vperm.xlane v24, v4;
	v21 =	vadd.s32 v21, v22  }
0xcd: {  	v62 =	vsel vm7, $0x3F800000, v6;
	vm5 =	vlt.s32 v21, $0x8;
	v21 =	vadd.s32 v32, v43  }
0xce: {  	v23 =	vsel vm2, v23, v62;
	v22 =	vadd.s32 v45, v24;
	v29 =	vperm.xlane v21, v1  }
0xcf: {  	v49 =	vsel vm5, $0x3F800000, v6;
	vm6 =	vlt.s32 v22, $0x8;
	v22 =	vadd.s32 v48, v46  }
0xd0: {  	v24 =	vadd.s32 v50, v26;
	v21 =	vadd.s32 v29, v21;
	v52 =	vperm.xlane v22, v2  }
0xd1: {  	v26 =	vsel vm12, v54, v34;
	vm5 =	vcmask $0x1728;
	v53 =	vperm.xlane v21, v2  }
0xd2: {  	vm12 =	vcmask $0x1B28;
	v55 =	vperm.xlane v24, v2;
	v22 =	vadd.s32 v52, v22  }
0xd3: {  	v26 =	vsel vm13, v26, v33;
	v21 =	vadd.s32 v53, v21;
	v56 =	vperm.xlane v22, v3  }
0xd4: {  	v51 =	vsel vm6, $0x3F800000, v6;
	v24 =	vadd.s32 v55, v24;
	v57 =	vperm.xlane v21, v3  }
0xd5: {  	v26 =	vsel vm14, v26, v37;
	v58 =	vperm.xlane v24, v3;
	v22 =	vadd.s32 v56, v22  }
0xd6: {  	vm14 =	vcmask $0x1F28;
	v21 =	vadd.s32 v57, v21;
	v59 =	vperm.xlane v22, v4  }
0xd7: {  	v26 =	vsel vm15, v26, v39;
	v24 =	vadd.s32 v58, v24;
	v60 =	vperm.xlane v21, v4  }
0xd8: {  	v26 =	vsel vm4, v26, v49;
	v61 =	vperm.xlane v24, v4;
	v22 =	vadd.s32 v59, v22  }
0xd9: {  	v26 =	vsel vm5, v26, v51;
	v21 =	vadd.s32 v60, v21;
	vm6 =	vlt.s32 v22, $0x8  }
0xda: {  	v22 =	vsel vm6, $0x3F800000, v6;
	vm7 =	vlt.s32 v21, $0x8;
	v21 =	vadd.s32 v61, v24  }
0xdb: {  	v22 =	vsel vm12, v26, v22;
	v63 =	vsel vm7, $0x3F800000, v6;
	vm13 =	vlt.s32 v21, $0x8  }
0xdc: {  	vm15 =	vcmask $0x2328;
	v21 =	vsel vm13, $0x3F800000, v6;
	v22 =	vsel vm14, v22, v63  }
0xdd: {  	p0 =	sne.s32 s5, $0x1;
	[tilespmem:$0x80] =	vst v23;
	v21 =	vsel vm15, v22, v21  }
.Ltmp0:
0xde: {  	[tilespmem:$0x90] =	vst v21;
	(pc) =	sbr.rel @p0 .LBB2_1-.Ltmp0, $4  }
0xdf: {  	[hbm4b:s4+s2] =	stream.linear.scatter [tilespmem:s7], [sflag:$0x1], $0x80, $0x38;
	[tilespmem:$0x100] =	vst v63  }
0xe0: {  	_ =	swait.ge [sflag:s6], $0x80  }
0xe1: {  	[sflag:s6] =	ssyncset.done $0x0  }
0xe2: {  	s5 =	sadd.s32 $0xFFFFFFFF, s5;
	[sflag:s6] =	ssyncadd.s32 $0xFFFFFF80  }
0xe3: {  	_ =	sfence.sel $0x180000  }
0xe4: {  	[bflag:$0x0] =	sbarrier.arrive $0xFFFF  }
0xe5: {  	p0 =	sne.s32 s1, $0x0;
	_ =	strace $0x90000047  }
0xe6: {  	s0 =	sadd.s32 @!p0 $0x100000, s0;
	[bflag:$0x2] =	sbarrier.arrive $0xFFFF  }
0xe7: {  	[sflag:s0] =	ssyncadd.tile.s32 @!p0 $0x1;
	_ =	shalt  }
.Lfunc_end2:
_tile_overlayer_lowered:
.L_overlay_start_2:
0xe8: {  	(tag) =	ssettag $0x2  }
0xe9: {  	s0 =	rddreg [dreg:$0x0];
	s2 =	stileid.u32  }
0xea: {  	s1 =	rddreg [dreg:$0x1];
	p0 =	sne.s32 s2, $0x0  }
0xeb: {  	s3 =	rddreg [dreg:$0x2];
	[bflag:$0x3] =	sbarrier.arrive $0xFFFF;
	s2 =	simm.s32 @!p0 $0x1C01  }
0xec: {  	[timem:s3], [sflag:s2] =	dma.local @!p0 [hbm:s0], s1  }
0xed: {  	s0 =	simm.s32 @!p0 $0x1  }
0xee: {  	_ =	swait.ge @!p0 [sflag:s0], s1  }
0xef: {  	s1 =	ssub.s32 @!p0 $0x0, s1;
	[sflag:s0] =	ssyncset.done @!p0 $0x0  }
0xf0: {  	[sflag:s0] =	ssyncadd.s32 @!p0 s1  }
0xf1: {  	[bflag:$0x3] =	sbarrier.arrive $0xFFFF  }
0xf2: {  	_ =	shalt  }

</sc_bundles>
